<compile_context>
chip_gen: v7x
topology: tpu7x:2x2x1
jax: 0.10.2.dev20260603
libtpu: 0.0.44.dev20260713+nightly
codegen_flags: <defaults>
</compile_context>

<pallas_src>
import jax
import jax.numpy as jnp
from jax import lax
from jax.experimental import pallas as pl
from jax.experimental.pallas import tpu as pltpu
from jax.experimental.pallas import tpu_sc as plsc

D = 128
DH = D // 2
NC = 2
NS = 16
CHUNK = 128
N_PAD = 10240
ROWS_PT = N_PAD // NS
BLK = 1024



def _deg_body(coli_hbm, deg_hbm, colv, onesv, zb, dacc):
    cid = lax.axis_index("c")
    sid = lax.axis_index("s")
    cpw = colv.shape[0]

    @pl.when(cid == 0)
    def _():
        def zinit(i, c):
            zb[pl.ds(i * 16, 16)] = jnp.zeros((16,), jnp.float32)
            return c
        lax.fori_loop(0, ROWS_PT // 16, zinit, 0)
        for k in range(CHUNK // 16):
            onesv[pl.ds(k * 16, 16)] = jnp.full((16,), 1.0, jnp.float32)
        pltpu.sync_copy(zb, dacc.at[pl.ds(sid * ROWS_PT, ROWS_PT)])
        pltpu.sync_copy(coli_hbm.at[sid], colv)
    plsc.subcore_barrier()

    @pl.when(cid == 0)
    def _():
        def step(j, c):
            pltpu.sync_copy(onesv, dacc.at[colv.at[j]], add=True)
            return c
        lax.fori_loop(0, cpw, step, 0)
    plsc.subcore_barrier()

    @pl.when(cid == 0)
    def _():
        pltpu.sync_copy(dacc.at[pl.ds(sid * ROWS_PT, ROWS_PT)],
                        deg_hbm.at[pl.ds(sid * ROWS_PT, ROWS_PT)])


def _make_deg_kernel(cpw):
    mesh = plsc.VectorSubcoreMesh(core_axis_name="c", subcore_axis_name="s")
    return pl.kernel(
        _deg_body,
        out_type=jax.ShapeDtypeStruct((N_PAD,), jnp.float32),
        mesh=mesh,
        scratch_types=[
            pltpu.VMEM((cpw, CHUNK), jnp.int32),
            pltpu.VMEM((CHUNK,), jnp.float32),
            pltpu.VMEM((ROWS_PT,), jnp.float32),
            pltpu.VMEM_SHARED((N_PAD,), jnp.float32),
        ],
    )


NBUF = 2


def _spmm_body(y_hbm, rowi_hbm, coli_hbm, out_hbm, rowv, colv, acc, sbuf,
               *bufsems):
    gb = bufsems[:NBUF]
    gs = bufsems[NBUF:2 * NBUF]
    cid = lax.axis_index("c")
    sid = lax.axis_index("s")
    cpw = rowv.shape[0]
    yh = y_hbm.at[cid]

    def zinit(i, c):
        for k in range(DH // 16):
            sbuf[i, pl.ds(k * 16, 16)] = jnp.zeros((16,), jnp.float32)
        return c
    lax.fori_loop(0, CHUNK, zinit, 0)

    def zcopy(m, c):
        pltpu.sync_copy(sbuf, acc.at[pl.ds(sid * ROWS_PT + m * CHUNK, CHUNK)])
        return c
    lax.fori_loop(0, ROWS_PT // CHUNK, zcopy, 0)

    pltpu.sync_copy(rowi_hbm.at[sid], rowv)
    pltpu.sync_copy(coli_hbm.at[sid], colv)
    plsc.subcore_barrier()

    def convert(src, c):
        @plsc.parallel_loop(0, CHUNK, unroll=8)
        def _(r):
            for k in range(DH // 32):
                v = src[r, pl.ds(32 * k, 32)]
                a, b2 = plsc.unpack(v, format=plsc.PackFormat.INTERLEAVED)
                sbuf[r, pl.ds(32 * k, 16)] = a
                sbuf[r, pl.ds(32 * k + 16, 16)] = b2

    for b in range(NBUF):
        pltpu.async_copy(yh.at[rowv.at[b]], gb[b], gs[b])

    def step(jj, c):
        base = jj * NBUF
        for b in range(NBUF):
            j = base + b
            pltpu.make_async_copy(yh.at[rowv.at[j]], gb[b], gs[b]).wait()
            convert(gb[b], 0)
            pltpu.async_copy(yh.at[rowv.at[j + NBUF]], gb[b], gs[b])
            pltpu.sync_copy(sbuf, acc.at[colv.at[j]], add=True)
        return c
    lax.fori_loop(0, cpw // NBUF - 1, step, 0)

    base = cpw - NBUF
    for b in range(NBUF):
        j = base + b
        pltpu.make_async_copy(yh.at[rowv.at[j]], gb[b], gs[b]).wait()
        convert(gb[b], 0)
        pltpu.sync_copy(sbuf, acc.at[colv.at[j]], add=True)

    plsc.subcore_barrier()
    pltpu.sync_copy(acc.at[pl.ds(sid * ROWS_PT, ROWS_PT)],
                    out_hbm.at[cid, pl.ds(sid * ROWS_PT, ROWS_PT)])


def _make_spmm_kernel(cpw):
    mesh = plsc.VectorSubcoreMesh(core_axis_name="c", subcore_axis_name="s")
    return pl.kernel(
        _spmm_body,
        out_type=jax.ShapeDtypeStruct((NC, N_PAD, DH), jnp.float32),
        mesh=mesh,
        compiler_params=pltpu.CompilerParams(use_tc_tiling_on_sc=False,
                                             needs_layout_passes=False),
        scratch_types=(
            [
                pltpu.VMEM((cpw, CHUNK), jnp.int32),
                pltpu.VMEM((cpw, CHUNK), jnp.int32),
                pltpu.VMEM_SHARED((N_PAD, DH), jnp.float32),
                pltpu.VMEM((CHUNK, DH), jnp.float32),
            ]
            + [pltpu.VMEM((CHUNK, DH), jnp.bfloat16)] * NBUF
            + [pltpu.SemaphoreType.DMA] * NBUF
        ),
    )



def _dinv(deg_ref):
    deg = deg_ref[...]
    safe = jnp.where(deg > 0, deg, 1.0)
    return jnp.where(deg > 0, lax.rsqrt(safe), 0.0)


def _split_store(o_ref, t):
    tb = t.astype(jnp.bfloat16)
    o_ref[0] = tb[:, :DH]
    o_ref[1] = tb[:, DH:]


def _scale_body(x_ref, w_ref, deg_ref, y_ref):
    dinv = _dinv(deg_ref)
    _split_store(y_ref, jnp.dot(x_ref[...], w_ref[...],
                                preferred_element_type=jnp.float32) * dinv)


def _mid_body(p_ref, deg_ref, b1_ref, w2_ref, y_ref):
    dinv = _dinv(deg_ref)
    s = jnp.concatenate([p_ref[0], p_ref[1]], axis=1)
    h = jnp.maximum(s * dinv + b1_ref[...], 0.0)
    _split_store(y_ref, jnp.dot(h, w2_ref[...],
                                preferred_element_type=jnp.float32) * dinv)


def _tail_body(q_ref, deg_ref, b2_ref, wf1_ref, bf1_ref, wf2_ref, bf2_ref,
               o_ref):
    dinv = _dinv(deg_ref)
    s = jnp.concatenate([q_ref[0], q_ref[1]], axis=1)
    h2 = jnp.maximum(s * dinv + b2_ref[...], 0.0)
    h3 = jnp.maximum(jnp.dot(h2, wf1_ref[...],
                             preferred_element_type=jnp.float32)
                     + bf1_ref[...], 0.0)
    o_ref[...] = jnp.maximum(jnp.dot(h3, wf2_ref[...],
                                     preferred_element_type=jnp.float32)
                             + bf2_ref[...], 0.0)


def _full_spec(shape):
    return pl.BlockSpec(shape, lambda i: tuple(0 for _ in shape))


def _tc_scale(x, w, deg2):
    return pl.pallas_call(
        _scale_body,
        grid=(N_PAD // BLK,),
        in_specs=[
            pl.BlockSpec((BLK, D), lambda i: (i, 0)),
            _full_spec((D, D)),
            pl.BlockSpec((BLK, 1), lambda i: (i, 0)),
        ],
        out_specs=pl.BlockSpec((NC, BLK, DH), lambda i: (0, i, 0)),
        out_shape=jax.ShapeDtypeStruct((NC, N_PAD, DH), jnp.bfloat16),
    )(x, w, deg2)


def _tc_mid(p, deg2, b1, w2):
    return pl.pallas_call(
        _mid_body,
        grid=(N_PAD // BLK,),
        in_specs=[
            pl.BlockSpec((NC, BLK, DH), lambda i: (0, i, 0)),
            pl.BlockSpec((BLK, 1), lambda i: (i, 0)),
            _full_spec((1, D)),
            _full_spec((D, D)),
        ],
        out_specs=pl.BlockSpec((NC, BLK, DH), lambda i: (0, i, 0)),
        out_shape=jax.ShapeDtypeStruct((NC, N_PAD, DH), jnp.bfloat16),
    )(p, deg2, b1, w2)


def _tc_tail(q, deg2, b2, wf1, bf1, wf2, bf2):
    dout = wf2.shape[1]
    return pl.pallas_call(
        _tail_body,
        grid=(N_PAD // BLK,),
        in_specs=[
            pl.BlockSpec((NC, BLK, DH), lambda i: (0, i, 0)),
            pl.BlockSpec((BLK, 1), lambda i: (i, 0)),
            _full_spec((1, D)),
            _full_spec((D, D)),
            _full_spec((1, D)),
            _full_spec((D, dout)),
            _full_spec((1, dout)),
        ],
        out_specs=pl.BlockSpec((BLK, dout), lambda i: (i, 0)),
        out_shape=jax.ShapeDtypeStruct((N_PAD, dout), jnp.float32),
    )(q, deg2, b2, wf1, bf1, wf2, bf2)



@jax.jit
def kernel(x, A, W1, b1, W2, b2, Wf1, bf1, Wf2, bf2):
    n = x.shape[0]
    e = A.shape[1]
    row = A[0].astype(jnp.int32)
    col = A[1].astype(jnp.int32)

    cpw = -(-e // (NS * CHUNK))
    cpw = -(-cpw // NBUF) * NBUF
    epad = NS * CHUNK * cpw
    row_p = jnp.concatenate([row, jnp.zeros((epad - e,), jnp.int32)])
    col_p = jnp.concatenate([col, jnp.full((epad - e,), n, jnp.int32)])
    rowi = row_p.reshape(NS, cpw, CHUNK)
    coli = col_p.reshape(NS, cpw, CHUNK)
    xp = jnp.pad(x, ((0, N_PAD - n), (0, 0)))

    deg = _make_deg_kernel(cpw)(coli)
    deg2 = deg.reshape(N_PAD, 1)

    perm = []
    for k in range(DH // 32):
        for i in range(16):
            perm.append(32 * k + i)
            perm.append(32 * k + 16 + i)
    pfull = jnp.array(perm + [DH + c for c in perm], dtype=jnp.int32)
    W1p = W1[:, pfull]
    W2p = W2[:, pfull]
    b1r = b1.reshape(1, D)
    b2r = b2.reshape(1, D)
    bf1r = bf1.reshape(1, D)
    bf2r = bf2.reshape(1, bf2.shape[0])

    spmm = _make_spmm_kernel(cpw)
    y1 = _tc_scale(xp, W1p, deg2)
    p = spmm(y1, rowi, coli)
    y2 = _tc_mid(p, deg2, b1r, W2p)
    q = spmm(y2, rowi, coli)
    out = _tc_tail(q, deg2, b2r, Wf1, bf1r, Wf2, bf2r)
    return out[:n]

# --- scband reference (transcript-rebuilt; emitter-appended) ---
"""Pipeline reference for scband-gcn-no-pooling-34273839022398 (READ-ONLY COPY).

The authoritative reference and input builder live on the scoring server;
editing this copy changes nothing except your own understanding.
"""

import jax, jax.numpy as jnp
import numpy as np

N_NODES = 10000
N_EDGES = 320000
D_IN = 128
N_NEURONS = 128
D_OUT = 16


def setup_inputs(seed: int = 0) -> dict:
    key = jax.random.key(seed)
    ks = jax.random.split(key, 12)
    x = jax.random.normal(ks[0], (N_NODES, D_IN), dtype=jnp.float32)
    A = jax.random.randint(ks[1], (2, N_EDGES), 0, N_NODES, dtype=jnp.int64)
    def glorot(k, fan_in, fan_out):
        lim = (6.0 / (fan_in + fan_out)) ** 0.5
        return jax.random.uniform(k, (fan_in, fan_out), dtype=jnp.float32, minval=-lim, maxval=lim)
    W1 = glorot(ks[2], D_IN, N_NEURONS)
    b1 = jnp.zeros((N_NEURONS,), dtype=jnp.float32)
    W2 = glorot(ks[3], N_NEURONS, N_NEURONS)
    b2 = jnp.zeros((N_NEURONS,), dtype=jnp.float32)
    Wf1 = glorot(ks[4], N_NEURONS, N_NEURONS)
    bf1 = jnp.zeros((N_NEURONS,), dtype=jnp.float32)
    Wf2 = glorot(ks[5], N_NEURONS, D_OUT)
    bf2 = jnp.zeros((D_OUT,), dtype=jnp.float32)
    return {"x": x, "A": A, "W1": W1, "b1": b1, "W2": W2, "b2": b2,
            "Wf1": Wf1, "bf1": bf1, "Wf2": Wf2, "bf2": bf2}


def _gcn_conv(x, row, col, W, b, n_nodes):
    # GCNConv with add_self_loops=False, symmetric normalization
    x = x @ W
    ones = jnp.ones((row.shape[0],), dtype=x.dtype)
    deg = jnp.zeros((n_nodes,), dtype=x.dtype).at[col].add(ones)
    deg_inv_sqrt = jnp.where(deg > 0, jax.lax.rsqrt(jnp.where(deg > 0, deg, 1.0)), 0.0)
    norm = deg_inv_sqrt[row] * deg_inv_sqrt[col]
    msgs = x[row] * norm[:, None]
    out = jnp.zeros_like(x).at[col].add(msgs)
    return out + b


def reference(x, A, W1, b1, W2, b2, Wf1, bf1, Wf2, bf2):
    n_nodes = x.shape[0]
    row, col = A[0], A[1]
    h = _gcn_conv(x, row, col, W1, b1, n_nodes)
    h = jax.nn.relu(h)
    h = _gcn_conv(h, row, col, W2, b2, n_nodes)
    h = jax.nn.relu(h)
    h = h @ Wf1 + bf1
    h = jax.nn.relu(h)
    h = h @ Wf2 + bf2
    return jax.nn.relu(h)

if __name__ == "__main__":
    import jax
    _d = setup_inputs()
    print(jax.jit(kernel)(*tuple(_d.values())))

</pallas_src>

<mosaic_0001>
#map = affine_map<(d0, d1) -> (0, 0, 0)>
#map1 = affine_map<(d0, d1) -> (0)>
module attributes {stable_mosaic.version = 14 : i64} {
  func.func @_deg_body(%arg0: i32, %arg1: i32, %arg2: memref<16x158x128xi32, #tpu.memory_space<hbm>>, %arg3: memref<10240xf32, #tpu.memory_space<hbm>>, %arg4: memref<158x128xi32, #tpu.memory_space<vmem>>, %arg5: memref<128xf32, #tpu.memory_space<vmem>>, %arg6: memref<640xf32, #tpu.memory_space<vmem>>, %arg7: memref<10240xf32, #tpu.memory_space<vmem_shared>>) attributes {dimension_semantics = [#tpu.dimension_semantics<core_parallel>, #tpu.dimension_semantics<subcore_parallel>], iteration_bounds = array<i64: 2, 16>, scalar_prefetch = 0 : i64, scratch_operands = 4 : i64, tpu.core_type = #tpu.core_type<sc_vector_subcore>, window_params = [{transform_indices = #map}, {transform_indices = #map1}]} {
    %eq3A = arith.constant 0 : i32
    %eq3A_0 = arith.cmpi eq, %arg0, %eq3A : i32
    %convert_element_type3A = arith.extui %eq3A_0 : i1 to i32
    %cond3A = arith.constant 0 : i32
    %cond3A_1 = arith.cmpi ne, %convert_element_type3A, %cond3A : i32
    scf.if %cond3A_1 {
      %scan3A = arith.constant 0 : i32
      %scan3A_13 = arith.constant 0 : i32
      %scan3A_14 = arith.constant 40 : i32
      %scan3A_15 = arith.addi %scan3A_13, %scan3A_14 : i32
      %scan3A_16 = arith.constant 1 : i32
      scf.for %scan3A_65 = %scan3A_13 to %scan3A_15 step %scan3A_16  : i32 {
        %broadcast_in_dim3A_66 = arith.constant 0.000000e+00 : f32
        %broadcast_in_dim3A_67 = vector.broadcast %broadcast_in_dim3A_66 : f32 to vector<16xf32>
        %mul3A_68 = arith.constant 16 : i32
        %mul3A_69 = arith.muli %scan3A_65, %mul3A_68 : i32
        %swap3A_70 = arith.index_cast %mul3A_69 : i32 to index
        %swap3A_71 = tpu.vector_load %arg6[%swap3A_70] {strides = array<i32>} : memref<640xf32, #tpu.memory_space<vmem>>, vector<16xf32>,
        %swap3A_72 = vector.shape_cast %swap3A_71 : vector<16xf32> to vector<16xf32>
        %swap3A_73 = vector.shape_cast %broadcast_in_dim3A_67 : vector<16xf32> to vector<16xf32>
        tpu.vector_store %arg6[%swap3A_70], %swap3A_73 {strides = array<i32>} : memref<640xf32, #tpu.memory_space<vmem>>, vector<16xf32>,
      }
      %scan3A_17 = arith.constant 40 : i32
      %broadcast_in_dim3A = arith.constant 1.000000e+00 : f32
      %broadcast_in_dim3A_18 = vector.broadcast %broadcast_in_dim3A : f32 to vector<16xf32>
      %swap3A = arith.constant 0 : index
      %swap3A_19 = tpu.vector_load %arg5[%swap3A] {strides = array<i32>} : memref<128xf32, #tpu.memory_space<vmem>>, vector<16xf32>,
      %swap3A_20 = vector.shape_cast %swap3A_19 : vector<16xf32> to vector<16xf32>
      %swap3A_21 = vector.shape_cast %broadcast_in_dim3A_18 : vector<16xf32> to vector<16xf32>
      tpu.vector_store %arg5[%swap3A], %swap3A_21 {strides = array<i32>} : memref<128xf32, #tpu.memory_space<vmem>>, vector<16xf32>,
      %broadcast_in_dim3A_22 = arith.constant 1.000000e+00 : f32
      %broadcast_in_dim3A_23 = vector.broadcast %broadcast_in_dim3A_22 : f32 to vector<16xf32>
      %swap3A_24 = arith.constant 16 : index
      %swap3A_25 = tpu.vector_load %arg5[%swap3A_24] {strides = array<i32>} : memref<128xf32, #tpu.memory_space<vmem>>, vector<16xf32>,
      %swap3A_26 = vector.shape_cast %swap3A_25 : vector<16xf32> to vector<16xf32>
      %swap3A_27 = vector.shape_cast %broadcast_in_dim3A_23 : vector<16xf32> to vector<16xf32>
      tpu.vector_store %arg5[%swap3A_24], %swap3A_27 {strides = array<i32>} : memref<128xf32, #tpu.memory_space<vmem>>, vector<16xf32>,
      %broadcast_in_dim3A_28 = arith.constant 1.000000e+00 : f32
      %broadcast_in_dim3A_29 = vector.broadcast %broadcast_in_dim3A_28 : f32 to vector<16xf32>
      %swap3A_30 = arith.constant 32 : index
      %swap3A_31 = tpu.vector_load %arg5[%swap3A_30] {strides = array<i32>} : memref<128xf32, #tpu.memory_space<vmem>>, vector<16xf32>,
      %swap3A_32 = vector.shape_cast %swap3A_31 : vector<16xf32> to vector<16xf32>
      %swap3A_33 = vector.shape_cast %broadcast_in_dim3A_29 : vector<16xf32> to vector<16xf32>
      tpu.vector_store %arg5[%swap3A_30], %swap3A_33 {strides = array<i32>} : memref<128xf32, #tpu.memory_space<vmem>>, vector<16xf32>,
      %broadcast_in_dim3A_34 = arith.constant 1.000000e+00 : f32
      %broadcast_in_dim3A_35 = vector.broadcast %broadcast_in_dim3A_34 : f32 to vector<16xf32>
      %swap3A_36 = arith.constant 48 : index
      %swap3A_37 = tpu.vector_load %arg5[%swap3A_36] {strides = array<i32>} : memref<128xf32, #tpu.memory_space<vmem>>, vector<16xf32>,
      %swap3A_38 = vector.shape_cast %swap3A_37 : vector<16xf32> to vector<16xf32>
      %swap3A_39 = vector.shape_cast %broadcast_in_dim3A_35 : vector<16xf32> to vector<16xf32>
      tpu.vector_store %arg5[%swap3A_36], %swap3A_39 {strides = array<i32>} : memref<128xf32, #tpu.memory_space<vmem>>, vector<16xf32>,
      %broadcast_in_dim3A_40 = arith.constant 1.000000e+00 : f32
      %broadcast_in_dim3A_41 = vector.broadcast %broadcast_in_dim3A_40 : f32 to vector<16xf32>
      %swap3A_42 = arith.constant 64 : index
      %swap3A_43 = tpu.vector_load %arg5[%swap3A_42] {strides = array<i32>} : memref<128xf32, #tpu.memory_space<vmem>>, vector<16xf32>,
      %swap3A_44 = vector.shape_cast %swap3A_43 : vector<16xf32> to vector<16xf32>
      %swap3A_45 = vector.shape_cast %broadcast_in_dim3A_41 : vector<16xf32> to vector<16xf32>
      tpu.vector_store %arg5[%swap3A_42], %swap3A_45 {strides = array<i32>} : memref<128xf32, #tpu.memory_space<vmem>>, vector<16xf32>,
      %broadcast_in_dim3A_46 = arith.constant 1.000000e+00 : f32
      %broadcast_in_dim3A_47 = vector.broadcast %broadcast_in_dim3A_46 : f32 to vector<16xf32>
      %swap3A_48 = arith.constant 80 : index
      %swap3A_49 = tpu.vector_load %arg5[%swap3A_48] {strides = array<i32>} : memref<128xf32, #tpu.memory_space<vmem>>, vector<16xf32>,
      %swap3A_50 = vector.shape_cast %swap3A_49 : vector<16xf32> to vector<16xf32>
      %swap3A_51 = vector.shape_cast %broadcast_in_dim3A_47 : vector<16xf32> to vector<16xf32>
      tpu.vector_store %arg5[%swap3A_48], %swap3A_51 {strides = array<i32>} : memref<128xf32, #tpu.memory_space<vmem>>, vector<16xf32>,
      %broadcast_in_dim3A_52 = arith.constant 1.000000e+00 : f32
      %broadcast_in_dim3A_53 = vector.broadcast %broadcast_in_dim3A_52 : f32 to vector<16xf32>
      %swap3A_54 = arith.constant 96 : index
      %swap3A_55 = tpu.vector_load %arg5[%swap3A_54] {strides = array<i32>} : memref<128xf32, #tpu.memory_space<vmem>>, vector<16xf32>,
      %swap3A_56 = vector.shape_cast %swap3A_55 : vector<16xf32> to vector<16xf32>
      %swap3A_57 = vector.shape_cast %broadcast_in_dim3A_53 : vector<16xf32> to vector<16xf32>
      tpu.vector_store %arg5[%swap3A_54], %swap3A_57 {strides = array<i32>} : memref<128xf32, #tpu.memory_space<vmem>>, vector<16xf32>,
      %broadcast_in_dim3A_58 = arith.constant 1.000000e+00 : f32
      %broadcast_in_dim3A_59 = vector.broadcast %broadcast_in_dim3A_58 : f32 to vector<16xf32>
      %swap3A_60 = arith.constant 112 : index
      %swap3A_61 = tpu.vector_load %arg5[%swap3A_60] {strides = array<i32>} : memref<128xf32, #tpu.memory_space<vmem>>, vector<16xf32>,
      %swap3A_62 = vector.shape_cast %swap3A_61 : vector<16xf32> to vector<16xf32>
      %swap3A_63 = vector.shape_cast %broadcast_in_dim3A_59 : vector<16xf32> to vector<16xf32>
      tpu.vector_store %arg5[%swap3A_60], %swap3A_63 {strides = array<i32>} : memref<128xf32, #tpu.memory_space<vmem>>, vector<16xf32>,
      %mul3A = arith.constant 640 : i32
      %mul3A_64 = arith.muli %arg1, %mul3A : i32
      "tpu.region"() ({
        %run_scoped3A = tpu.sem_alloc : memref<!tpu.dma_semaphore, #tpu.memory_space<semaphore_mem>>
        %dma_start3A = tpu.memref_slice %arg7[%mul3A_64] : memref<10240xf32, #tpu.memory_space<vmem_shared>> -> memref<640xf32, #tpu.memory_space<vmem_shared>>
        %dma_start3A_65 = tpu.memref_slice %arg7[%mul3A_64] : memref<10240xf32, #tpu.memory_space<vmem_shared>> -> memref<640xf32, #tpu.memory_space<vmem_shared>>
        tpu.enqueue_dma source(%arg6 : memref<640xf32, #tpu.memory_space<vmem>>) target(%dma_start3A_65 : memref<640xf32, #tpu.memory_space<vmem_shared>>) target_semaphore(%run_scoped3A : memref<!tpu.dma_semaphore, #tpu.memory_space<semaphore_mem>>)
        %dma_wait3A = tpu.memref_slice %arg7[%mul3A_64] : memref<10240xf32, #tpu.memory_space<vmem_shared>> -> memref<640xf32, #tpu.memory_space<vmem_shared>>
        %dma_wait3A_66 = tpu.memref_slice %arg7[%mul3A_64] : memref<10240xf32, #tpu.memory_space<vmem_shared>> -> memref<640xf32, #tpu.memory_space<vmem_shared>>
        tpu.wait_dma2 semaphore(%run_scoped3A : memref<!tpu.dma_semaphore, #tpu.memory_space<semaphore_mem>>) src(%arg6 : memref<640xf32, #tpu.memory_space<vmem>>) dst(%dma_wait3A_66 : memref<640xf32, #tpu.memory_space<vmem_shared>>)
        tpu.yield
      }) : () -> ()
      "tpu.region"() ({
        %run_scoped3A = tpu.sem_alloc : memref<!tpu.dma_semaphore, #tpu.memory_space<semaphore_mem>>
        %dma_start3A = arith.constant 0 : i32
        %dma_start3A_65 = arith.constant 0 : i32
        %dma_start3A_66 = tpu.memref_slice %arg2[%arg1, %dma_start3A, %dma_start3A_65] : memref<16x158x128xi32, #tpu.memory_space<hbm>> -> memref<1x158x128xi32, #tpu.memory_space<hbm>>
        %dma_start3A_67 = tpu.memref_squeeze %dma_start3A_66 : memref<1x158x128xi32, #tpu.memory_space<hbm>> -> memref<158x128xi32, #tpu.memory_space<hbm>>
        %dma_start3A_68 = arith.constant 0 : i32
        %dma_start3A_69 = arith.constant 0 : i32
        %dma_start3A_70 = tpu.memref_slice %arg2[%arg1, %dma_start3A_68, %dma_start3A_69] : memref<16x158x128xi32, #tpu.memory_space<hbm>> -> memref<1x158x128xi32, #tpu.memory_space<hbm>>
        %dma_start3A_71 = tpu.memref_squeeze %dma_start3A_70 : memref<1x158x128xi32, #tpu.memory_space<hbm>> -> memref<158x128xi32, #tpu.memory_space<hbm>>
        tpu.enqueue_dma source(%dma_start3A_71 : memref<158x128xi32, #tpu.memory_space<hbm>>) target(%arg4 : memref<158x128xi32, #tpu.memory_space<vmem>>) target_semaphore(%run_scoped3A : memref<!tpu.dma_semaphore, #tpu.memory_space<semaphore_mem>>)
        %dma_wait3A = arith.constant 0 : i32
        %dma_wait3A_72 = arith.constant 0 : i32
        %dma_wait3A_73 = tpu.memref_slice %arg2[%arg1, %dma_wait3A, %dma_wait3A_72] : memref<16x158x128xi32, #tpu.memory_space<hbm>> -> memref<1x158x128xi32, #tpu.memory_space<hbm>>
        %dma_wait3A_74 = tpu.memref_squeeze %dma_wait3A_73 : memref<1x158x128xi32, #tpu.memory_space<hbm>> -> memref<158x128xi32, #tpu.memory_space<hbm>>
        %dma_wait3A_75 = arith.constant 0 : i32
        %dma_wait3A_76 = arith.constant 0 : i32
        %dma_wait3A_77 = tpu.memref_slice %arg2[%arg1, %dma_wait3A_75, %dma_wait3A_76] : memref<16x158x128xi32, #tpu.memory_space<hbm>> -> memref<1x158x128xi32, #tpu.memory_space<hbm>>
        %dma_wait3A_78 = tpu.memref_squeeze %dma_wait3A_77 : memref<1x158x128xi32, #tpu.memory_space<hbm>> -> memref<158x128xi32, #tpu.memory_space<hbm>>
        tpu.wait_dma2 semaphore(%run_scoped3A : memref<!tpu.dma_semaphore, #tpu.memory_space<semaphore_mem>>) src(%dma_wait3A_78 : memref<158x128xi32, #tpu.memory_space<hbm>>) dst(%arg4 : memref<158x128xi32, #tpu.memory_space<vmem>>)
        tpu.yield
      }) : () -> ()
    } else {
    }
    %barrier3A = arith.constant 0 : index
    tpu.barrier barrier_id(%barrier3A)
    %eq3A_2 = arith.constant 0 : i32
    %eq3A_3 = arith.cmpi eq, %arg0, %eq3A_2 : i32
    %convert_element_type3A_4 = arith.extui %eq3A_3 : i1 to i32
    %cond3A_5 = arith.constant 0 : i32
    %cond3A_6 = arith.cmpi ne, %convert_element_type3A_4, %cond3A_5 : i32
    scf.if %cond3A_6 {
      %scan3A = arith.constant 0 : i32
      %scan3A_13 = arith.constant 0 : i32
      %scan3A_14 = arith.constant 158 : i32
      %scan3A_15 = arith.addi %scan3A_13, %scan3A_14 : i32
      %scan3A_16 = arith.constant 1 : i32
      scf.for %scan3A_18 = %scan3A_13 to %scan3A_15 step %scan3A_16  : i32 {
        "tpu.region"() ({
          %run_scoped3A = tpu.sem_alloc : memref<!tpu.dma_semaphore, #tpu.memory_space<semaphore_mem>>
          %dma_start3A = arith.constant 0 : i32
          %dma_start3A_19 = tpu.memref_slice %arg4[%scan3A_18, %dma_start3A] : memref<158x128xi32, #tpu.memory_space<vmem>> -> memref<1x128xi32, #tpu.memory_space<vmem>>
          %dma_start3A_20 = tpu.memref_squeeze %dma_start3A_19 : memref<1x128xi32, #tpu.memory_space<vmem>> -> memref<128xi32, #tpu.memory_space<vmem>>
          %dma_start3A_21 = arith.constant 0 : i32
          %dma_start3A_22 = tpu.memref_slice %arg7[%dma_start3A_21] : memref<10240xf32, #tpu.memory_space<vmem_shared>> -> memref<10240xf32, #tpu.memory_space<vmem_shared>>
          tpu.enqueue_indirect_dma source(%arg5 : memref<128xf32, #tpu.memory_space<vmem>>) target(%dma_start3A_22 : memref<10240xf32, #tpu.memory_space<vmem_shared>>) offsets(%dma_start3A_20 : memref<128xi32, #tpu.memory_space<vmem>>) semaphore(%run_scoped3A : memref<!tpu.dma_semaphore, #tpu.memory_space<semaphore_mem>>) {add = true}
          %dma_wait3A = arith.constant 0 : i32
          %dma_wait3A_23 = tpu.memref_slice %arg4[%scan3A_18, %dma_wait3A] : memref<158x128xi32, #tpu.memory_space<vmem>> -> memref<1x128xi32, #tpu.memory_space<vmem>>
          %dma_wait3A_24 = tpu.memref_squeeze %dma_wait3A_23 : memref<1x128xi32, #tpu.memory_space<vmem>> -> memref<128xi32, #tpu.memory_space<vmem>>
          %dma_wait3A_25 = arith.constant 0 : i32
          %dma_wait3A_26 = tpu.memref_slice %arg7[%dma_wait3A_25] : memref<10240xf32, #tpu.memory_space<vmem_shared>> -> memref<10240xf32, #tpu.memory_space<vmem_shared>>
          tpu.wait_indirect_dma semaphore(%run_scoped3A : memref<!tpu.dma_semaphore, #tpu.memory_space<semaphore_mem>>) src(%arg5 : memref<128xf32, #tpu.memory_space<vmem>>) dst(%dma_wait3A_26 : memref<10240xf32, #tpu.memory_space<vmem_shared>>)
          tpu.yield
        }) : () -> ()
      }
      %scan3A_17 = arith.constant 158 : i32
    } else {
    }
    %barrier3A_7 = arith.constant 0 : index
    tpu.barrier barrier_id(%barrier3A_7)
    %eq3A_8 = arith.constant 0 : i32
    %eq3A_9 = arith.cmpi eq, %arg0, %eq3A_8 : i32
    %convert_element_type3A_10 = arith.extui %eq3A_9 : i1 to i32
    %cond3A_11 = arith.constant 0 : i32
    %cond3A_12 = arith.cmpi ne, %convert_element_type3A_10, %cond3A_11 : i32
    scf.if %cond3A_12 {
      %mul3A = arith.constant 640 : i32
      %mul3A_13 = arith.muli %arg1, %mul3A : i32
      %mul3A_14 = arith.constant 640 : i32
      %mul3A_15 = arith.muli %arg1, %mul3A_14 : i32
      "tpu.region"() ({
        %run_scoped3A = tpu.sem_alloc : memref<!tpu.dma_semaphore, #tpu.memory_space<semaphore_mem>>
        %dma_start3A = tpu.memref_slice %arg3[%mul3A_15] : memref<10240xf32, #tpu.memory_space<hbm>> -> memref<640xf32, #tpu.memory_space<hbm>>
        %dma_start3A_16 = tpu.memref_slice %arg7[%mul3A_13] : memref<10240xf32, #tpu.memory_space<vmem_shared>> -> memref<640xf32, #tpu.memory_space<vmem_shared>>
        tpu.enqueue_dma source(%dma_start3A_16 : memref<640xf32, #tpu.memory_space<vmem_shared>>) target(%dma_start3A : memref<640xf32, #tpu.memory_space<hbm>>) target_semaphore(%run_scoped3A : memref<!tpu.dma_semaphore, #tpu.memory_space<semaphore_mem>>)
        %dma_wait3A = tpu.memref_slice %arg3[%mul3A_15] : memref<10240xf32, #tpu.memory_space<hbm>> -> memref<640xf32, #tpu.memory_space<hbm>>
        %dma_wait3A_17 = tpu.memref_slice %arg7[%mul3A_13] : memref<10240xf32, #tpu.memory_space<vmem_shared>> -> memref<640xf32, #tpu.memory_space<vmem_shared>>
        tpu.wait_dma2 semaphore(%run_scoped3A : memref<!tpu.dma_semaphore, #tpu.memory_space<semaphore_mem>>) src(%dma_wait3A_17 : memref<640xf32, #tpu.memory_space<vmem_shared>>) dst(%dma_wait3A : memref<640xf32, #tpu.memory_space<hbm>>)
        tpu.yield
      }) : () -> ()
    } else {
    }
    return
  }
}

#map = affine_map<(d0, d1) -> (0, 0, 0)>
module attributes {stable_mosaic.version = 14 : i64} {
  func.func @_spmm_body(%arg0: i32, %arg1: i32, %arg2: memref<2x10240x64xbf16, #tpu.memory_space<hbm>>, %arg3: memref<16x158x128xi32, #tpu.memory_space<hbm>>, %arg4: memref<16x158x128xi32, #tpu.memory_space<hbm>>, %arg5: memref<2x10240x64xf32, #tpu.memory_space<hbm>>, %arg6: memref<158x128xi32, #tpu.memory_space<vmem>>, %arg7: memref<158x128xi32, #tpu.memory_space<vmem>>, %arg8: memref<10240x64xf32, #tpu.memory_space<vmem_shared>>, %arg9: memref<128x64xf32, #tpu.memory_space<vmem>>, %arg10: memref<128x64xbf16, #tpu.memory_space<vmem>>, %arg11: memref<128x64xbf16, #tpu.memory_space<vmem>>, %arg12: memref<!tpu.dma_semaphore, #tpu.memory_space<semaphore_mem>>, %arg13: memref<!tpu.dma_semaphore, #tpu.memory_space<semaphore_mem>>) attributes {dimension_semantics = [#tpu.dimension_semantics<core_parallel>, #tpu.dimension_semantics<subcore_parallel>], iteration_bounds = array<i64: 2, 16>, scalar_prefetch = 0 : i64, scratch_operands = 8 : i64, tpu.core_type = #tpu.core_type<sc_vector_subcore>, window_params = [{transform_indices = #map}, {transform_indices = #map}, {transform_indices = #map}, {transform_indices = #map}]} {
    %scan3A = arith.constant 0 : i32
    %scan3A_0 = arith.constant 0 : i32
    %scan3A_1 = arith.constant 128 : i32
    %scan3A_2 = arith.addi %scan3A_0, %scan3A_1 : i32
    %scan3A_3 = arith.constant 1 : i32
    scf.for %scan3A_69 = %scan3A_0 to %scan3A_2 step %scan3A_3  : i32 {
      %broadcast_in_dim3A = arith.constant 0.000000e+00 : f32
      %broadcast_in_dim3A_70 = vector.broadcast %broadcast_in_dim3A : f32 to vector<16xf32>
      %swap3A = arith.index_cast %scan3A_69 : i32 to index
      %swap3A_71 = arith.constant 0 : index
      %swap3A_72 = tpu.vector_load %arg9[%swap3A, %swap3A_71] {strides = array<i32>} : memref<128x64xf32, #tpu.memory_space<vmem>>, vector<16xf32>,
      tpu.vector_store %arg9[%swap3A, %swap3A_71], %broadcast_in_dim3A_70 {strides = array<i32>} : memref<128x64xf32, #tpu.memory_space<vmem>>, vector<16xf32>,
      %broadcast_in_dim3A_73 = arith.constant 0.000000e+00 : f32
      %broadcast_in_dim3A_74 = vector.broadcast %broadcast_in_dim3A_73 : f32 to vector<16xf32>
      %swap3A_75 = arith.index_cast %scan3A_69 : i32 to index
      %swap3A_76 = arith.constant 16 : index
      %swap3A_77 = tpu.vector_load %arg9[%swap3A_75, %swap3A_76] {strides = array<i32>} : memref<128x64xf32, #tpu.memory_space<vmem>>, vector<16xf32>,
      tpu.vector_store %arg9[%swap3A_75, %swap3A_76], %broadcast_in_dim3A_74 {strides = array<i32>} : memref<128x64xf32, #tpu.memory_space<vmem>>, vector<16xf32>,
      %broadcast_in_dim3A_78 = arith.constant 0.000000e+00 : f32
      %broadcast_in_dim3A_79 = vector.broadcast %broadcast_in_dim3A_78 : f32 to vector<16xf32>
      %swap3A_80 = arith.index_cast %scan3A_69 : i32 to index
      %swap3A_81 = arith.constant 32 : index
      %swap3A_82 = tpu.vector_load %arg9[%swap3A_80, %swap3A_81] {strides = array<i32>} : memref<128x64xf32, #tpu.memory_space<vmem>>, vector<16xf32>,
      tpu.vector_store %arg9[%swap3A_80, %swap3A_81], %broadcast_in_dim3A_79 {strides = array<i32>} : memref<128x64xf32, #tpu.memory_space<vmem>>, vector<16xf32>,
      %broadcast_in_dim3A_83 = arith.constant 0.000000e+00 : f32
      %broadcast_in_dim3A_84 = vector.broadcast %broadcast_in_dim3A_83 : f32 to vector<16xf32>
      %swap3A_85 = arith.index_cast %scan3A_69 : i32 to index
      %swap3A_86 = arith.constant 48 : index
      %swap3A_87 = tpu.vector_load %arg9[%swap3A_85, %swap3A_86] {strides = array<i32>} : memref<128x64xf32, #tpu.memory_space<vmem>>, vector<16xf32>,
      tpu.vector_store %arg9[%swap3A_85, %swap3A_86], %broadcast_in_dim3A_84 {strides = array<i32>} : memref<128x64xf32, #tpu.memory_space<vmem>>, vector<16xf32>,
    }
    %scan3A_4 = arith.constant 128 : i32
    %scan3A_5 = arith.constant 0 : i32
    %scan3A_6 = arith.constant 0 : i32
    %scan3A_7 = arith.constant 5 : i32
    %scan3A_8 = arith.addi %scan3A_6, %scan3A_7 : i32
    %scan3A_9 = arith.constant 1 : i32
    scf.for %scan3A_69 = %scan3A_6 to %scan3A_8 step %scan3A_9  : i32 {
      %mul3A_70 = arith.constant 640 : i32
      %mul3A_71 = arith.muli %arg1, %mul3A_70 : i32
      %mul3A_72 = arith.constant 128 : i32
      %mul3A_73 = arith.muli %scan3A_69, %mul3A_72 : i32
      %add3A = arith.addi %mul3A_71, %mul3A_73 : i32
      "tpu.region"() ({
        %run_scoped3A_74 = tpu.sem_alloc : memref<!tpu.dma_semaphore, #tpu.memory_space<semaphore_mem>>
        %dma_start3A_75 = arith.constant 0 : i32
        %dma_start3A_76 = tpu.memref_slice %arg8[%add3A, %dma_start3A_75] : memref<10240x64xf32, #tpu.memory_space<vmem_shared>> -> memref<128x64xf32, #tpu.memory_space<vmem_shared>>
        %dma_start3A_77 = arith.constant 0 : i32
        %dma_start3A_78 = tpu.memref_slice %arg8[%add3A, %dma_start3A_77] : memref<10240x64xf32, #tpu.memory_space<vmem_shared>> -> memref<128x64xf32, #tpu.memory_space<vmem_shared>>
        tpu.enqueue_dma source(%arg9 : memref<128x64xf32, #tpu.memory_space<vmem>>) target(%dma_start3A_78 : memref<128x64xf32, #tpu.memory_space<vmem_shared>>) target_semaphore(%run_scoped3A_74 : memref<!tpu.dma_semaphore, #tpu.memory_space<semaphore_mem>>)
        %dma_wait3A_79 = arith.constant 0 : i32
        %dma_wait3A_80 = tpu.memref_slice %arg8[%add3A, %dma_wait3A_79] : memref<10240x64xf32, #tpu.memory_space<vmem_shared>> -> memref<128x64xf32, #tpu.memory_space<vmem_shared>>
        %dma_wait3A_81 = arith.constant 0 : i32
        %dma_wait3A_82 = tpu.memref_slice %arg8[%add3A, %dma_wait3A_81] : memref<10240x64xf32, #tpu.memory_space<vmem_shared>> -> memref<128x64xf32, #tpu.memory_space<vmem_shared>>
        tpu.wait_dma2 semaphore(%run_scoped3A_74 : memref<!tpu.dma_semaphore, #tpu.memory_space<semaphore_mem>>) src(%arg9 : memref<128x64xf32, #tpu.memory_space<vmem>>) dst(%dma_wait3A_82 : memref<128x64xf32, #tpu.memory_space<vmem_shared>>)
        tpu.yield
      }) : () -> ()
    }
    %scan3A_10 = arith.constant 5 : i32
    "tpu.region"() ({
      %run_scoped3A_69 = tpu.sem_alloc : memref<!tpu.dma_semaphore, #tpu.memory_space<semaphore_mem>>
      %dma_start3A_70 = arith.constant 0 : i32
      %dma_start3A_71 = arith.constant 0 : i32
      %dma_start3A_72 = tpu.memref_slice %arg3[%arg1, %dma_start3A_70, %dma_start3A_71] : memref<16x158x128xi32, #tpu.memory_space<hbm>> -> memref<1x158x128xi32, #tpu.memory_space<hbm>>
      %dma_start3A_73 = tpu.memref_squeeze %dma_start3A_72 : memref<1x158x128xi32, #tpu.memory_space<hbm>> -> memref<158x128xi32, #tpu.memory_space<hbm>>
      %dma_start3A_74 = arith.constant 0 : i32
      %dma_start3A_75 = arith.constant 0 : i32
      %dma_start3A_76 = tpu.memref_slice %arg3[%arg1, %dma_start3A_74, %dma_start3A_75] : memref<16x158x128xi32, #tpu.memory_space<hbm>> -> memref<1x158x128xi32, #tpu.memory_space<hbm>>
      %dma_start3A_77 = tpu.memref_squeeze %dma_start3A_76 : memref<1x158x128xi32, #tpu.memory_space<hbm>> -> memref<158x128xi32, #tpu.memory_space<hbm>>
      tpu.enqueue_dma source(%dma_start3A_77 : memref<158x128xi32, #tpu.memory_space<hbm>>) target(%arg6 : memref<158x128xi32, #tpu.memory_space<vmem>>) target_semaphore(%run_scoped3A_69 : memref<!tpu.dma_semaphore, #tpu.memory_space<semaphore_mem>>)
      %dma_wait3A_78 = arith.constant 0 : i32
      %dma_wait3A_79 = arith.constant 0 : i32
      %dma_wait3A_80 = tpu.memref_slice %arg3[%arg1, %dma_wait3A_78, %dma_wait3A_79] : memref<16x158x128xi32, #tpu.memory_space<hbm>> -> memref<1x158x128xi32, #tpu.memory_space<hbm>>
      %dma_wait3A_81 = tpu.memref_squeeze %dma_wait3A_80 : memref<1x158x128xi32, #tpu.memory_space<hbm>> -> memref<158x128xi32, #tpu.memory_space<hbm>>
      %dma_wait3A_82 = arith.constant 0 : i32
      %dma_wait3A_83 = arith.constant 0 : i32
      %dma_wait3A_84 = tpu.memref_slice %arg3[%arg1, %dma_wait3A_82, %dma_wait3A_83] : memref<16x158x128xi32, #tpu.memory_space<hbm>> -> memref<1x158x128xi32, #tpu.memory_space<hbm>>
      %dma_wait3A_85 = tpu.memref_squeeze %dma_wait3A_84 : memref<1x158x128xi32, #tpu.memory_space<hbm>> -> memref<158x128xi32, #tpu.memory_space<hbm>>
      tpu.wait_dma2 semaphore(%run_scoped3A_69 : memref<!tpu.dma_semaphore, #tpu.memory_space<semaphore_mem>>) src(%dma_wait3A_85 : memref<158x128xi32, #tpu.memory_space<hbm>>) dst(%arg6 : memref<158x128xi32, #tpu.memory_space<vmem>>)
      tpu.yield
    }) : () -> ()
    "tpu.region"() ({
      %run_scoped3A_69 = tpu.sem_alloc : memref<!tpu.dma_semaphore, #tpu.memory_space<semaphore_mem>>
      %dma_start3A_70 = arith.constant 0 : i32
      %dma_start3A_71 = arith.constant 0 : i32
      %dma_start3A_72 = tpu.memref_slice %arg4[%arg1, %dma_start3A_70, %dma_start3A_71] : memref<16x158x128xi32, #tpu.memory_space<hbm>> -> memref<1x158x128xi32, #tpu.memory_space<hbm>>
      %dma_start3A_73 = tpu.memref_squeeze %dma_start3A_72 : memref<1x158x128xi32, #tpu.memory_space<hbm>> -> memref<158x128xi32, #tpu.memory_space<hbm>>
      %dma_start3A_74 = arith.constant 0 : i32
      %dma_start3A_75 = arith.constant 0 : i32
      %dma_start3A_76 = tpu.memref_slice %arg4[%arg1, %dma_start3A_74, %dma_start3A_75] : memref<16x158x128xi32, #tpu.memory_space<hbm>> -> memref<1x158x128xi32, #tpu.memory_space<hbm>>
      %dma_start3A_77 = tpu.memref_squeeze %dma_start3A_76 : memref<1x158x128xi32, #tpu.memory_space<hbm>> -> memref<158x128xi32, #tpu.memory_space<hbm>>
      tpu.enqueue_dma source(%dma_start3A_77 : memref<158x128xi32, #tpu.memory_space<hbm>>) target(%arg7 : memref<158x128xi32, #tpu.memory_space<vmem>>) target_semaphore(%run_scoped3A_69 : memref<!tpu.dma_semaphore, #tpu.memory_space<semaphore_mem>>)
      %dma_wait3A_78 = arith.constant 0 : i32
      %dma_wait3A_79 = arith.constant 0 : i32
      %dma_wait3A_80 = tpu.memref_slice %arg4[%arg1, %dma_wait3A_78, %dma_wait3A_79] : memref<16x158x128xi32, #tpu.memory_space<hbm>> -> memref<1x158x128xi32, #tpu.memory_space<hbm>>
      %dma_wait3A_81 = tpu.memref_squeeze %dma_wait3A_80 : memref<1x158x128xi32, #tpu.memory_space<hbm>> -> memref<158x128xi32, #tpu.memory_space<hbm>>
      %dma_wait3A_82 = arith.constant 0 : i32
      %dma_wait3A_83 = arith.constant 0 : i32
      %dma_wait3A_84 = tpu.memref_slice %arg4[%arg1, %dma_wait3A_82, %dma_wait3A_83] : memref<16x158x128xi32, #tpu.memory_space<hbm>> -> memref<1x158x128xi32, #tpu.memory_space<hbm>>
      %dma_wait3A_85 = tpu.memref_squeeze %dma_wait3A_84 : memref<1x158x128xi32, #tpu.memory_space<hbm>> -> memref<158x128xi32, #tpu.memory_space<hbm>>
      tpu.wait_dma2 semaphore(%run_scoped3A_69 : memref<!tpu.dma_semaphore, #tpu.memory_space<semaphore_mem>>) src(%dma_wait3A_85 : memref<158x128xi32, #tpu.memory_space<hbm>>) dst(%arg7 : memref<158x128xi32, #tpu.memory_space<vmem>>)
      tpu.yield
    }) : () -> ()
    %barrier3A = arith.constant 0 : index
    tpu.barrier barrier_id(%barrier3A)
    %dma_start3A = arith.constant 0 : i32
    %dma_start3A_11 = arith.constant 0 : i32
    %dma_start3A_12 = tpu.memref_slice %arg6[%dma_start3A, %dma_start3A_11] : memref<158x128xi32, #tpu.memory_space<vmem>> -> memref<1x128xi32, #tpu.memory_space<vmem>>
    %dma_start3A_13 = tpu.memref_squeeze %dma_start3A_12 : memref<1x128xi32, #tpu.memory_space<vmem>> -> memref<128xi32, #tpu.memory_space<vmem>>
    %dma_start3A_14 = arith.constant 0 : i32
    %dma_start3A_15 = arith.constant 0 : i32
    %dma_start3A_16 = tpu.memref_slice %arg2[%arg0, %dma_start3A_14, %dma_start3A_15] : memref<2x10240x64xbf16, #tpu.memory_space<hbm>> -> memref<1x10240x64xbf16, #tpu.memory_space<hbm>>
    %dma_start3A_17 = tpu.memref_squeeze %dma_start3A_16 : memref<1x10240x64xbf16, #tpu.memory_space<hbm>> -> memref<10240x64xbf16, #tpu.memory_space<hbm>>
    %dma_start3A_18 = arith.constant 0 : i32
    %dma_start3A_19 = arith.constant 0 : i32
    %dma_start3A_20 = tpu.memref_slice %dma_start3A_17[%dma_start3A_18, %dma_start3A_19] : memref<10240x64xbf16, #tpu.memory_space<hbm>> -> memref<10240x64xbf16, #tpu.memory_space<hbm>>
    tpu.enqueue_indirect_dma source(%dma_start3A_20 : memref<10240x64xbf16, #tpu.memory_space<hbm>>) target(%arg10 : memref<128x64xbf16, #tpu.memory_space<vmem>>) offsets(%dma_start3A_13 : memref<128xi32, #tpu.memory_space<vmem>>) semaphore(%arg12 : memref<!tpu.dma_semaphore, #tpu.memory_space<semaphore_mem>>)
    %dma_start3A_21 = arith.constant 1 : i32
    %dma_start3A_22 = arith.constant 0 : i32
    %dma_start3A_23 = tpu.memref_slice %arg6[%dma_start3A_21, %dma_start3A_22] : memref<158x128xi32, #tpu.memory_space<vmem>> -> memref<1x128xi32, #tpu.memory_space<vmem>>
    %dma_start3A_24 = tpu.memref_squeeze %dma_start3A_23 : memref<1x128xi32, #tpu.memory_space<vmem>> -> memref<128xi32, #tpu.memory_space<vmem>>
    %dma_start3A_25 = arith.constant 0 : i32
    %dma_start3A_26 = arith.constant 0 : i32
    %dma_start3A_27 = tpu.memref_slice %arg2[%arg0, %dma_start3A_25, %dma_start3A_26] : memref<2x10240x64xbf16, #tpu.memory_space<hbm>> -> memref<1x10240x64xbf16, #tpu.memory_space<hbm>>
    %dma_start3A_28 = tpu.memref_squeeze %dma_start3A_27 : memref<1x10240x64xbf16, #tpu.memory_space<hbm>> -> memref<10240x64xbf16, #tpu.memory_space<hbm>>
    %dma_start3A_29 = arith.constant 0 : i32
    %dma_start3A_30 = arith.constant 0 : i32
    %dma_start3A_31 = tpu.memref_slice %dma_start3A_28[%dma_start3A_29, %dma_start3A_30] : memref<10240x64xbf16, #tpu.memory_space<hbm>> -> memref<10240x64xbf16, #tpu.memory_space<hbm>>
    tpu.enqueue_indirect_dma source(%dma_start3A_31 : memref<10240x64xbf16, #tpu.memory_space<hbm>>) target(%arg11 : memref<128x64xbf16, #tpu.memory_space<vmem>>) offsets(%dma_start3A_24 : memref<128xi32, #tpu.memory_space<vmem>>) semaphore(%arg13 : memref<!tpu.dma_semaphore, #tpu.memory_space<semaphore_mem>>)
    %scan3A_32 = arith.constant 0 : i32
    %scan3A_33 = arith.constant 0 : i32
    %scan3A_34 = arith.constant 78 : i32
    %scan3A_35 = arith.addi %scan3A_33, %scan3A_34 : i32
    %scan3A_36 = arith.constant 1 : i32
    scf.for %scan3A_69 = %scan3A_33 to %scan3A_35 step %scan3A_36  : i32 {
      %mul3A_70 = arith.constant 2 : i32
      %mul3A_71 = arith.muli %scan3A_69, %mul3A_70 : i32
      %add3A = arith.constant 0 : i32
      %add3A_72 = arith.addi %mul3A_71, %add3A : i32
      %dma_wait3A_73 = arith.constant 0 : i32
      %dma_wait3A_74 = tpu.memref_slice %arg6[%add3A_72, %dma_wait3A_73] : memref<158x128xi32, #tpu.memory_space<vmem>> -> memref<1x128xi32, #tpu.memory_space<vmem>>
      %dma_wait3A_75 = tpu.memref_squeeze %dma_wait3A_74 : memref<1x128xi32, #tpu.memory_space<vmem>> -> memref<128xi32, #tpu.memory_space<vmem>>
      %dma_wait3A_76 = arith.constant 0 : i32
      %dma_wait3A_77 = arith.constant 0 : i32
      %dma_wait3A_78 = tpu.memref_slice %arg2[%arg0, %dma_wait3A_76, %dma_wait3A_77] : memref<2x10240x64xbf16, #tpu.memory_space<hbm>> -> memref<1x10240x64xbf16, #tpu.memory_space<hbm>>
      %dma_wait3A_79 = tpu.memref_squeeze %dma_wait3A_78 : memref<1x10240x64xbf16, #tpu.memory_space<hbm>> -> memref<10240x64xbf16, #tpu.memory_space<hbm>>
      %dma_wait3A_80 = arith.constant 0 : i32
      %dma_wait3A_81 = arith.constant 0 : i32
      %dma_wait3A_82 = tpu.memref_slice %dma_wait3A_79[%dma_wait3A_80, %dma_wait3A_81] : memref<10240x64xbf16, #tpu.memory_space<hbm>> -> memref<10240x64xbf16, #tpu.memory_space<hbm>>
      tpu.wait_indirect_dma semaphore(%arg12 : memref<!tpu.dma_semaphore, #tpu.memory_space<semaphore_mem>>) src(%dma_wait3A_82 : memref<10240x64xbf16, #tpu.memory_space<hbm>>) dst(%arg10 : memref<128x64xbf16, #tpu.memory_space<vmem>>)
      %parallel_loop3A_83 = arith.constant 0 : i32
      %parallel_loop3A_84 = arith.constant 128 : i32
      %parallel_loop3A_85 = arith.constant 1 : i32
      scf.for %parallel_loop3A_125 = %parallel_loop3A_83 to %parallel_loop3A_84 step %parallel_loop3A_85  : i32 {
        %parallel_loop3A_126 = arith.index_cast %parallel_loop3A_125 : i32 to index
        %parallel_loop3A_127 = arith.constant 0 : index
        %parallel_loop3A_128 = tpu.vector_load %arg10[%parallel_loop3A_126, %parallel_loop3A_127] {strides = array<i32>} : memref<128x64xbf16, #tpu.memory_space<vmem>>, vector<32xbf16>,
        %parallel_loop3A_129 = tpu.unpack_subelements %parallel_loop3A_128, 0 {pack_format = #tpu.pack_format<interleaved>} : vector<32xbf16> -> vector<16xf32>
        %parallel_loop3A_130 = tpu.unpack_subelements %parallel_loop3A_128, 1 {pack_format = #tpu.pack_format<interleaved>} : vector<32xbf16> -> vector<16xf32>
        %parallel_loop3A_131 = arith.index_cast %parallel_loop3A_125 : i32 to index
        %parallel_loop3A_132 = arith.constant 0 : index
        %parallel_loop3A_133 = tpu.vector_load %arg9[%parallel_loop3A_131, %parallel_loop3A_132] {strides = array<i32>} : memref<128x64xf32, #tpu.memory_space<vmem>>, vector<16xf32>,
        tpu.vector_store %arg9[%parallel_loop3A_131, %parallel_loop3A_132], %parallel_loop3A_129 {strides = array<i32>} : memref<128x64xf32, #tpu.memory_space<vmem>>, vector<16xf32>,
        %parallel_loop3A_134 = arith.index_cast %parallel_loop3A_125 : i32 to index
        %parallel_loop3A_135 = arith.constant 16 : index
        %parallel_loop3A_136 = tpu.vector_load %arg9[%parallel_loop3A_134, %parallel_loop3A_135] {strides = array<i32>} : memref<128x64xf32, #tpu.memory_space<vmem>>, vector<16xf32>,
        tpu.vector_store %arg9[%parallel_loop3A_134, %parallel_loop3A_135], %parallel_loop3A_130 {strides = array<i32>} : memref<128x64xf32, #tpu.memory_space<vmem>>, vector<16xf32>,
        %parallel_loop3A_137 = arith.index_cast %parallel_loop3A_125 : i32 to index
        %parallel_loop3A_138 = arith.constant 32 : index
        %parallel_loop3A_139 = tpu.vector_load %arg10[%parallel_loop3A_137, %parallel_loop3A_138] {strides = array<i32>} : memref<128x64xbf16, #tpu.memory_space<vmem>>, vector<32xbf16>,
        %parallel_loop3A_140 = tpu.unpack_subelements %parallel_loop3A_139, 0 {pack_format = #tpu.pack_format<interleaved>} : vector<32xbf16> -> vector<16xf32>
        %parallel_loop3A_141 = tpu.unpack_subelements %parallel_loop3A_139, 1 {pack_format = #tpu.pack_format<interleaved>} : vector<32xbf16> -> vector<16xf32>
        %parallel_loop3A_142 = arith.index_cast %parallel_loop3A_125 : i32 to index
        %parallel_loop3A_143 = arith.constant 32 : index
        %parallel_loop3A_144 = tpu.vector_load %arg9[%parallel_loop3A_142, %parallel_loop3A_143] {strides = array<i32>} : memref<128x64xf32, #tpu.memory_space<vmem>>, vector<16xf32>,
        tpu.vector_store %arg9[%parallel_loop3A_142, %parallel_loop3A_143], %parallel_loop3A_140 {strides = array<i32>} : memref<128x64xf32, #tpu.memory_space<vmem>>, vector<16xf32>,
        %parallel_loop3A_145 = arith.index_cast %parallel_loop3A_125 : i32 to index
        %parallel_loop3A_146 = arith.constant 48 : index
        %parallel_loop3A_147 = tpu.vector_load %arg9[%parallel_loop3A_145, %parallel_loop3A_146] {strides = array<i32>} : memref<128x64xf32, #tpu.memory_space<vmem>>, vector<16xf32>,
        tpu.vector_store %arg9[%parallel_loop3A_145, %parallel_loop3A_146], %parallel_loop3A_141 {strides = array<i32>} : memref<128x64xf32, #tpu.memory_space<vmem>>, vector<16xf32>,
      } {sc.loop_unroll_factor = 8 : i64, sc.parallel_access}
      %add3A_86 = arith.constant 2 : i32
      %add3A_87 = arith.addi %add3A_72, %add3A_86 : i32
      %dma_start3A_88 = arith.constant 0 : i32
      %dma_start3A_89 = tpu.memref_slice %arg6[%add3A_87, %dma_start3A_88] : memref<158x128xi32, #tpu.memory_space<vmem>> -> memref<1x128xi32, #tpu.memory_space<vmem>>
      %dma_start3A_90 = tpu.memref_squeeze %dma_start3A_89 : memref<1x128xi32, #tpu.memory_space<vmem>> -> memref<128xi32, #tpu.memory_space<vmem>>
      %dma_start3A_91 = arith.constant 0 : i32
      %dma_start3A_92 = arith.constant 0 : i32
      %dma_start3A_93 = tpu.memref_slice %arg2[%arg0, %dma_start3A_91, %dma_start3A_92] : memref<2x10240x64xbf16, #tpu.memory_space<hbm>> -> memref<1x10240x64xbf16, #tpu.memory_space<hbm>>
      %dma_start3A_94 = tpu.memref_squeeze %dma_start3A_93 : memref<1x10240x64xbf16, #tpu.memory_space<hbm>> -> memref<10240x64xbf16, #tpu.memory_space<hbm>>
      %dma_start3A_95 = arith.constant 0 : i32
      %dma_start3A_96 = arith.constant 0 : i32
      %dma_start3A_97 = tpu.memref_slice %dma_start3A_94[%dma_start3A_95, %dma_start3A_96] : memref<10240x64xbf16, #tpu.memory_space<hbm>> -> memref<10240x64xbf16, #tpu.memory_space<hbm>>
      tpu.enqueue_indirect_dma source(%dma_start3A_97 : memref<10240x64xbf16, #tpu.memory_space<hbm>>) target(%arg10 : memref<128x64xbf16, #tpu.memory_space<vmem>>) offsets(%dma_start3A_90 : memref<128xi32, #tpu.memory_space<vmem>>) semaphore(%arg12 : memref<!tpu.dma_semaphore, #tpu.memory_space<semaphore_mem>>)
      "tpu.region"() ({
        %run_scoped3A_125 = tpu.sem_alloc : memref<!tpu.dma_semaphore, #tpu.memory_space<semaphore_mem>>
        %dma_start3A_126 = arith.constant 0 : i32
        %dma_start3A_127 = tpu.memref_slice %arg7[%add3A_72, %dma_start3A_126] : memref<158x128xi32, #tpu.memory_space<vmem>> -> memref<1x128xi32, #tpu.memory_space<vmem>>
        %dma_start3A_128 = tpu.memref_squeeze %dma_start3A_127 : memref<1x128xi32, #tpu.memory_space<vmem>> -> memref<128xi32, #tpu.memory_space<vmem>>
        %dma_start3A_129 = arith.constant 0 : i32
        %dma_start3A_130 = arith.constant 0 : i32
        %dma_start3A_131 = tpu.memref_slice %arg8[%dma_start3A_129, %dma_start3A_130] : memref<10240x64xf32, #tpu.memory_space<vmem_shared>> -> memref<10240x64xf32, #tpu.memory_space<vmem_shared>>
        tpu.enqueue_indirect_dma source(%arg9 : memref<128x64xf32, #tpu.memory_space<vmem>>) target(%dma_start3A_131 : memref<10240x64xf32, #tpu.memory_space<vmem_shared>>) offsets(%dma_start3A_128 : memref<128xi32, #tpu.memory_space<vmem>>) semaphore(%run_scoped3A_125 : memref<!tpu.dma_semaphore, #tpu.memory_space<semaphore_mem>>) {add = true}
        %dma_wait3A_132 = arith.constant 0 : i32
        %dma_wait3A_133 = tpu.memref_slice %arg7[%add3A_72, %dma_wait3A_132] : memref<158x128xi32, #tpu.memory_space<vmem>> -> memref<1x128xi32, #tpu.memory_space<vmem>>
        %dma_wait3A_134 = tpu.memref_squeeze %dma_wait3A_133 : memref<1x128xi32, #tpu.memory_space<vmem>> -> memref<128xi32, #tpu.memory_space<vmem>>
        %dma_wait3A_135 = arith.constant 0 : i32
        %dma_wait3A_136 = arith.constant 0 : i32
        %dma_wait3A_137 = tpu.memref_slice %arg8[%dma_wait3A_135, %dma_wait3A_136] : memref<10240x64xf32, #tpu.memory_space<vmem_shared>> -> memref<10240x64xf32, #tpu.memory_space<vmem_shared>>
        tpu.wait_indirect_dma semaphore(%run_scoped3A_125 : memref<!tpu.dma_semaphore, #tpu.memory_space<semaphore_mem>>) src(%arg9 : memref<128x64xf32, #tpu.memory_space<vmem>>) dst(%dma_wait3A_137 : memref<10240x64xf32, #tpu.memory_space<vmem_shared>>)
        tpu.yield
      }) : () -> ()
      %add3A_98 = arith.constant 1 : i32
      %add3A_99 = arith.addi %mul3A_71, %add3A_98 : i32
      %dma_wait3A_100 = arith.constant 0 : i32
      %dma_wait3A_101 = tpu.memref_slice %arg6[%add3A_99, %dma_wait3A_100] : memref<158x128xi32, #tpu.memory_space<vmem>> -> memref<1x128xi32, #tpu.memory_space<vmem>>
      %dma_wait3A_102 = tpu.memref_squeeze %dma_wait3A_101 : memref<1x128xi32, #tpu.memory_space<vmem>> -> memref<128xi32, #tpu.memory_space<vmem>>
      %dma_wait3A_103 = arith.constant 0 : i32
      %dma_wait3A_104 = arith.constant 0 : i32
      %dma_wait3A_105 = tpu.memref_slice %arg2[%arg0, %dma_wait3A_103, %dma_wait3A_104] : memref<2x10240x64xbf16, #tpu.memory_space<hbm>> -> memref<1x10240x64xbf16, #tpu.memory_space<hbm>>
      %dma_wait3A_106 = tpu.memref_squeeze %dma_wait3A_105 : memref<1x10240x64xbf16, #tpu.memory_space<hbm>> -> memref<10240x64xbf16, #tpu.memory_space<hbm>>
      %dma_wait3A_107 = arith.constant 0 : i32
      %dma_wait3A_108 = arith.constant 0 : i32
      %dma_wait3A_109 = tpu.memref_slice %dma_wait3A_106[%dma_wait3A_107, %dma_wait3A_108] : memref<10240x64xbf16, #tpu.memory_space<hbm>> -> memref<10240x64xbf16, #tpu.memory_space<hbm>>
      tpu.wait_indirect_dma semaphore(%arg13 : memref<!tpu.dma_semaphore, #tpu.memory_space<semaphore_mem>>) src(%dma_wait3A_109 : memref<10240x64xbf16, #tpu.memory_space<hbm>>) dst(%arg11 : memref<128x64xbf16, #tpu.memory_space<vmem>>)
      %parallel_loop3A_110 = arith.constant 0 : i32
      %parallel_loop3A_111 = arith.constant 128 : i32
      %parallel_loop3A_112 = arith.constant 1 : i32
      scf.for %parallel_loop3A_125 = %parallel_loop3A_110 to %parallel_loop3A_111 step %parallel_loop3A_112  : i32 {
        %parallel_loop3A_126 = arith.index_cast %parallel_loop3A_125 : i32 to index
        %parallel_loop3A_127 = arith.constant 0 : index
        %parallel_loop3A_128 = tpu.vector_load %arg11[%parallel_loop3A_126, %parallel_loop3A_127] {strides = array<i32>} : memref<128x64xbf16, #tpu.memory_space<vmem>>, vector<32xbf16>,
        %parallel_loop3A_129 = tpu.unpack_subelements %parallel_loop3A_128, 0 {pack_format = #tpu.pack_format<interleaved>} : vector<32xbf16> -> vector<16xf32>
        %parallel_loop3A_130 = tpu.unpack_subelements %parallel_loop3A_128, 1 {pack_format = #tpu.pack_format<interleaved>} : vector<32xbf16> -> vector<16xf32>
        %parallel_loop3A_131 = arith.index_cast %parallel_loop3A_125 : i32 to index
        %parallel_loop3A_132 = arith.constant 0 : index
        %parallel_loop3A_133 = tpu.vector_load %arg9[%parallel_loop3A_131, %parallel_loop3A_132] {strides = array<i32>} : memref<128x64xf32, #tpu.memory_space<vmem>>, vector<16xf32>,
        tpu.vector_store %arg9[%parallel_loop3A_131, %parallel_loop3A_132], %parallel_loop3A_129 {strides = array<i32>} : memref<128x64xf32, #tpu.memory_space<vmem>>, vector<16xf32>,
        %parallel_loop3A_134 = arith.index_cast %parallel_loop3A_125 : i32 to index
        %parallel_loop3A_135 = arith.constant 16 : index
        %parallel_loop3A_136 = tpu.vector_load %arg9[%parallel_loop3A_134, %parallel_loop3A_135] {strides = array<i32>} : memref<128x64xf32, #tpu.memory_space<vmem>>, vector<16xf32>,
        tpu.vector_store %arg9[%parallel_loop3A_134, %parallel_loop3A_135], %parallel_loop3A_130 {strides = array<i32>} : memref<128x64xf32, #tpu.memory_space<vmem>>, vector<16xf32>,
        %parallel_loop3A_137 = arith.index_cast %parallel_loop3A_125 : i32 to index
        %parallel_loop3A_138 = arith.constant 32 : index
        %parallel_loop3A_139 = tpu.vector_load %arg11[%parallel_loop3A_137, %parallel_loop3A_138] {strides = array<i32>} : memref<128x64xbf16, #tpu.memory_space<vmem>>, vector<32xbf16>,
        %parallel_loop3A_140 = tpu.unpack_subelements %parallel_loop3A_139, 0 {pack_format = #tpu.pack_format<interleaved>} : vector<32xbf16> -> vector<16xf32>
        %parallel_loop3A_141 = tpu.unpack_subelements %parallel_loop3A_139, 1 {pack_format = #tpu.pack_format<interleaved>} : vector<32xbf16> -> vector<16xf32>
        %parallel_loop3A_142 = arith.index_cast %parallel_loop3A_125 : i32 to index
        %parallel_loop3A_143 = arith.constant 32 : index
        %parallel_loop3A_144 = tpu.vector_load %arg9[%parallel_loop3A_142, %parallel_loop3A_143] {strides = array<i32>} : memref<128x64xf32, #tpu.memory_space<vmem>>, vector<16xf32>,
        tpu.vector_store %arg9[%parallel_loop3A_142, %parallel_loop3A_143], %parallel_loop3A_140 {strides = array<i32>} : memref<128x64xf32, #tpu.memory_space<vmem>>, vector<16xf32>,
        %parallel_loop3A_145 = arith.index_cast %parallel_loop3A_125 : i32 to index
        %parallel_loop3A_146 = arith.constant 48 : index
        %parallel_loop3A_147 = tpu.vector_load %arg9[%parallel_loop3A_145, %parallel_loop3A_146] {strides = array<i32>} : memref<128x64xf32, #tpu.memory_space<vmem>>, vector<16xf32>,
        tpu.vector_store %arg9[%parallel_loop3A_145, %parallel_loop3A_146], %parallel_loop3A_141 {strides = array<i32>} : memref<128x64xf32, #tpu.memory_space<vmem>>, vector<16xf32>,
      } {sc.loop_unroll_factor = 8 : i64, sc.parallel_access}
      %add3A_113 = arith.constant 2 : i32
      %add3A_114 = arith.addi %add3A_99, %add3A_113 : i32
      %dma_start3A_115 = arith.constant 0 : i32
      %dma_start3A_116 = tpu.memref_slice %arg6[%add3A_114, %dma_start3A_115] : memref<158x128xi32, #tpu.memory_space<vmem>> -> memref<1x128xi32, #tpu.memory_space<vmem>>
      %dma_start3A_117 = tpu.memref_squeeze %dma_start3A_116 : memref<1x128xi32, #tpu.memory_space<vmem>> -> memref<128xi32, #tpu.memory_space<vmem>>
      %dma_start3A_118 = arith.constant 0 : i32
      %dma_start3A_119 = arith.constant 0 : i32
      %dma_start3A_120 = tpu.memref_slice %arg2[%arg0, %dma_start3A_118, %dma_start3A_119] : memref<2x10240x64xbf16, #tpu.memory_space<hbm>> -> memref<1x10240x64xbf16, #tpu.memory_space<hbm>>
      %dma_start3A_121 = tpu.memref_squeeze %dma_start3A_120 : memref<1x10240x64xbf16, #tpu.memory_space<hbm>> -> memref<10240x64xbf16, #tpu.memory_space<hbm>>
      %dma_start3A_122 = arith.constant 0 : i32
      %dma_start3A_123 = arith.constant 0 : i32
      %dma_start3A_124 = tpu.memref_slice %dma_start3A_121[%dma_start3A_122, %dma_start3A_123] : memref<10240x64xbf16, #tpu.memory_space<hbm>> -> memref<10240x64xbf16, #tpu.memory_space<hbm>>
      tpu.enqueue_indirect_dma source(%dma_start3A_124 : memref<10240x64xbf16, #tpu.memory_space<hbm>>) target(%arg11 : memref<128x64xbf16, #tpu.memory_space<vmem>>) offsets(%dma_start3A_117 : memref<128xi32, #tpu.memory_space<vmem>>) semaphore(%arg13 : memref<!tpu.dma_semaphore, #tpu.memory_space<semaphore_mem>>)
      "tpu.region"() ({
        %run_scoped3A_125 = tpu.sem_alloc : memref<!tpu.dma_semaphore, #tpu.memory_space<semaphore_mem>>
        %dma_start3A_126 = arith.constant 0 : i32
        %dma_start3A_127 = tpu.memref_slice %arg7[%add3A_99, %dma_start3A_126] : memref<158x128xi32, #tpu.memory_space<vmem>> -> memref<1x128xi32, #tpu.memory_space<vmem>>
        %dma_start3A_128 = tpu.memref_squeeze %dma_start3A_127 : memref<1x128xi32, #tpu.memory_space<vmem>> -> memref<128xi32, #tpu.memory_space<vmem>>
        %dma_start3A_129 = arith.constant 0 : i32
        %dma_start3A_130 = arith.constant 0 : i32
        %dma_start3A_131 = tpu.memref_slice %arg8[%dma_start3A_129, %dma_start3A_130] : memref<10240x64xf32, #tpu.memory_space<vmem_shared>> -> memref<10240x64xf32, #tpu.memory_space<vmem_shared>>
        tpu.enqueue_indirect_dma source(%arg9 : memref<128x64xf32, #tpu.memory_space<vmem>>) target(%dma_start3A_131 : memref<10240x64xf32, #tpu.memory_space<vmem_shared>>) offsets(%dma_start3A_128 : memref<128xi32, #tpu.memory_space<vmem>>) semaphore(%run_scoped3A_125 : memref<!tpu.dma_semaphore, #tpu.memory_space<semaphore_mem>>) {add = true}
        %dma_wait3A_132 = arith.constant 0 : i32
        %dma_wait3A_133 = tpu.memref_slice %arg7[%add3A_99, %dma_wait3A_132] : memref<158x128xi32, #tpu.memory_space<vmem>> -> memref<1x128xi32, #tpu.memory_space<vmem>>
        %dma_wait3A_134 = tpu.memref_squeeze %dma_wait3A_133 : memref<1x128xi32, #tpu.memory_space<vmem>> -> memref<128xi32, #tpu.memory_space<vmem>>
        %dma_wait3A_135 = arith.constant 0 : i32
        %dma_wait3A_136 = arith.constant 0 : i32
        %dma_wait3A_137 = tpu.memref_slice %arg8[%dma_wait3A_135, %dma_wait3A_136] : memref<10240x64xf32, #tpu.memory_space<vmem_shared>> -> memref<10240x64xf32, #tpu.memory_space<vmem_shared>>
        tpu.wait_indirect_dma semaphore(%run_scoped3A_125 : memref<!tpu.dma_semaphore, #tpu.memory_space<semaphore_mem>>) src(%arg9 : memref<128x64xf32, #tpu.memory_space<vmem>>) dst(%dma_wait3A_137 : memref<10240x64xf32, #tpu.memory_space<vmem_shared>>)
        tpu.yield
      }) : () -> ()
    }
    %scan3A_37 = arith.constant 78 : i32
    %dma_wait3A = arith.constant 156 : i32
    %dma_wait3A_38 = arith.constant 0 : i32
    %dma_wait3A_39 = tpu.memref_slice %arg6[%dma_wait3A, %dma_wait3A_38] : memref<158x128xi32, #tpu.memory_space<vmem>> -> memref<1x128xi32, #tpu.memory_space<vmem>>
    %dma_wait3A_40 = tpu.memref_squeeze %dma_wait3A_39 : memref<1x128xi32, #tpu.memory_space<vmem>> -> memref<128xi32, #tpu.memory_space<vmem>>
    %dma_wait3A_41 = arith.constant 0 : i32
    %dma_wait3A_42 = arith.constant 0 : i32
    %dma_wait3A_43 = tpu.memref_slice %arg2[%arg0, %dma_wait3A_41, %dma_wait3A_42] : memref<2x10240x64xbf16, #tpu.memory_space<hbm>> -> memref<1x10240x64xbf16, #tpu.memory_space<hbm>>
    %dma_wait3A_44 = tpu.memref_squeeze %dma_wait3A_43 : memref<1x10240x64xbf16, #tpu.memory_space<hbm>> -> memref<10240x64xbf16, #tpu.memory_space<hbm>>
    %dma_wait3A_45 = arith.constant 0 : i32
    %dma_wait3A_46 = arith.constant 0 : i32
    %dma_wait3A_47 = tpu.memref_slice %dma_wait3A_44[%dma_wait3A_45, %dma_wait3A_46] : memref<10240x64xbf16, #tpu.memory_space<hbm>> -> memref<10240x64xbf16, #tpu.memory_space<hbm>>
    tpu.wait_indirect_dma semaphore(%arg12 : memref<!tpu.dma_semaphore, #tpu.memory_space<semaphore_mem>>) src(%dma_wait3A_47 : memref<10240x64xbf16, #tpu.memory_space<hbm>>) dst(%arg10 : memref<128x64xbf16, #tpu.memory_space<vmem>>)
    %parallel_loop3A = arith.constant 0 : i32
    %parallel_loop3A_48 = arith.constant 128 : i32
    %parallel_loop3A_49 = arith.constant 1 : i32
    scf.for %parallel_loop3A_69 = %parallel_loop3A to %parallel_loop3A_48 step %parallel_loop3A_49  : i32 {
      %parallel_loop3A_70 = arith.index_cast %parallel_loop3A_69 : i32 to index
      %parallel_loop3A_71 = arith.constant 0 : index
      %parallel_loop3A_72 = tpu.vector_load %arg10[%parallel_loop3A_70, %parallel_loop3A_71] {strides = array<i32>} : memref<128x64xbf16, #tpu.memory_space<vmem>>, vector<32xbf16>,
      %parallel_loop3A_73 = tpu.unpack_subelements %parallel_loop3A_72, 0 {pack_format = #tpu.pack_format<interleaved>} : vector<32xbf16> -> vector<16xf32>
      %parallel_loop3A_74 = tpu.unpack_subelements %parallel_loop3A_72, 1 {pack_format = #tpu.pack_format<interleaved>} : vector<32xbf16> -> vector<16xf32>
      %parallel_loop3A_75 = arith.index_cast %parallel_loop3A_69 : i32 to index
      %parallel_loop3A_76 = arith.constant 0 : index
      %parallel_loop3A_77 = tpu.vector_load %arg9[%parallel_loop3A_75, %parallel_loop3A_76] {strides = array<i32>} : memref<128x64xf32, #tpu.memory_space<vmem>>, vector<16xf32>,
      tpu.vector_store %arg9[%parallel_loop3A_75, %parallel_loop3A_76], %parallel_loop3A_73 {strides = array<i32>} : memref<128x64xf32, #tpu.memory_space<vmem>>, vector<16xf32>,
      %parallel_loop3A_78 = arith.index_cast %parallel_loop3A_69 : i32 to index
      %parallel_loop3A_79 = arith.constant 16 : index
      %parallel_loop3A_80 = tpu.vector_load %arg9[%parallel_loop3A_78, %parallel_loop3A_79] {strides = array<i32>} : memref<128x64xf32, #tpu.memory_space<vmem>>, vector<16xf32>,
      tpu.vector_store %arg9[%parallel_loop3A_78, %parallel_loop3A_79], %parallel_loop3A_74 {strides = array<i32>} : memref<128x64xf32, #tpu.memory_space<vmem>>, vector<16xf32>,
      %parallel_loop3A_81 = arith.index_cast %parallel_loop3A_69 : i32 to index
      %parallel_loop3A_82 = arith.constant 32 : index
      %parallel_loop3A_83 = tpu.vector_load %arg10[%parallel_loop3A_81, %parallel_loop3A_82] {strides = array<i32>} : memref<128x64xbf16, #tpu.memory_space<vmem>>, vector<32xbf16>,
      %parallel_loop3A_84 = tpu.unpack_subelements %parallel_loop3A_83, 0 {pack_format = #tpu.pack_format<interleaved>} : vector<32xbf16> -> vector<16xf32>
      %parallel_loop3A_85 = tpu.unpack_subelements %parallel_loop3A_83, 1 {pack_format = #tpu.pack_format<interleaved>} : vector<32xbf16> -> vector<16xf32>
      %parallel_loop3A_86 = arith.index_cast %parallel_loop3A_69 : i32 to index
      %parallel_loop3A_87 = arith.constant 32 : index
      %parallel_loop3A_88 = tpu.vector_load %arg9[%parallel_loop3A_86, %parallel_loop3A_87] {strides = array<i32>} : memref<128x64xf32, #tpu.memory_space<vmem>>, vector<16xf32>,
      tpu.vector_store %arg9[%parallel_loop3A_86, %parallel_loop3A_87], %parallel_loop3A_84 {strides = array<i32>} : memref<128x64xf32, #tpu.memory_space<vmem>>, vector<16xf32>,
      %parallel_loop3A_89 = arith.index_cast %parallel_loop3A_69 : i32 to index
      %parallel_loop3A_90 = arith.constant 48 : index
      %parallel_loop3A_91 = tpu.vector_load %arg9[%parallel_loop3A_89, %parallel_loop3A_90] {strides = array<i32>} : memref<128x64xf32, #tpu.memory_space<vmem>>, vector<16xf32>,
      tpu.vector_store %arg9[%parallel_loop3A_89, %parallel_loop3A_90], %parallel_loop3A_85 {strides = array<i32>} : memref<128x64xf32, #tpu.memory_space<vmem>>, vector<16xf32>,
    } {sc.loop_unroll_factor = 8 : i64, sc.parallel_access}
    %run_scoped3A = arith.constant 156 : i32
    "tpu.region"() ({
      %run_scoped3A_69 = tpu.sem_alloc : memref<!tpu.dma_semaphore, #tpu.memory_space<semaphore_mem>>
      %dma_start3A_70 = arith.constant 0 : i32
      %dma_start3A_71 = tpu.memref_slice %arg7[%run_scoped3A, %dma_start3A_70] : memref<158x128xi32, #tpu.memory_space<vmem>> -> memref<1x128xi32, #tpu.memory_space<vmem>>
      %dma_start3A_72 = tpu.memref_squeeze %dma_start3A_71 : memref<1x128xi32, #tpu.memory_space<vmem>> -> memref<128xi32, #tpu.memory_space<vmem>>
      %dma_start3A_73 = arith.constant 0 : i32
      %dma_start3A_74 = arith.constant 0 : i32
      %dma_start3A_75 = tpu.memref_slice %arg8[%dma_start3A_73, %dma_start3A_74] : memref<10240x64xf32, #tpu.memory_space<vmem_shared>> -> memref<10240x64xf32, #tpu.memory_space<vmem_shared>>
      tpu.enqueue_indirect_dma source(%arg9 : memref<128x64xf32, #tpu.memory_space<vmem>>) target(%dma_start3A_75 : memref<10240x64xf32, #tpu.memory_space<vmem_shared>>) offsets(%dma_start3A_72 : memref<128xi32, #tpu.memory_space<vmem>>) semaphore(%run_scoped3A_69 : memref<!tpu.dma_semaphore, #tpu.memory_space<semaphore_mem>>) {add = true}
      %dma_wait3A_76 = arith.constant 0 : i32
      %dma_wait3A_77 = tpu.memref_slice %arg7[%run_scoped3A, %dma_wait3A_76] : memref<158x128xi32, #tpu.memory_space<vmem>> -> memref<1x128xi32, #tpu.memory_space<vmem>>
      %dma_wait3A_78 = tpu.memref_squeeze %dma_wait3A_77 : memref<1x128xi32, #tpu.memory_space<vmem>> -> memref<128xi32, #tpu.memory_space<vmem>>
      %dma_wait3A_79 = arith.constant 0 : i32
      %dma_wait3A_80 = arith.constant 0 : i32
      %dma_wait3A_81 = tpu.memref_slice %arg8[%dma_wait3A_79, %dma_wait3A_80] : memref<10240x64xf32, #tpu.memory_space<vmem_shared>> -> memref<10240x64xf32, #tpu.memory_space<vmem_shared>>
      tpu.wait_indirect_dma semaphore(%run_scoped3A_69 : memref<!tpu.dma_semaphore, #tpu.memory_space<semaphore_mem>>) src(%arg9 : memref<128x64xf32, #tpu.memory_space<vmem>>) dst(%dma_wait3A_81 : memref<10240x64xf32, #tpu.memory_space<vmem_shared>>)
      tpu.yield
    }) : () -> ()
    %dma_wait3A_50 = arith.constant 157 : i32
    %dma_wait3A_51 = arith.constant 0 : i32
    %dma_wait3A_52 = tpu.memref_slice %arg6[%dma_wait3A_50, %dma_wait3A_51] : memref<158x128xi32, #tpu.memory_space<vmem>> -> memref<1x128xi32, #tpu.memory_space<vmem>>
    %dma_wait3A_53 = tpu.memref_squeeze %dma_wait3A_52 : memref<1x128xi32, #tpu.memory_space<vmem>> -> memref<128xi32, #tpu.memory_space<vmem>>
    %dma_wait3A_54 = arith.constant 0 : i32
    %dma_wait3A_55 = arith.constant 0 : i32
    %dma_wait3A_56 = tpu.memref_slice %arg2[%arg0, %dma_wait3A_54, %dma_wait3A_55] : memref<2x10240x64xbf16, #tpu.memory_space<hbm>> -> memref<1x10240x64xbf16, #tpu.memory_space<hbm>>
    %dma_wait3A_57 = tpu.memref_squeeze %dma_wait3A_56 : memref<1x10240x64xbf16, #tpu.memory_space<hbm>> -> memref<10240x64xbf16, #tpu.memory_space<hbm>>
    %dma_wait3A_58 = arith.constant 0 : i32
    %dma_wait3A_59 = arith.constant 0 : i32
    %dma_wait3A_60 = tpu.memref_slice %dma_wait3A_57[%dma_wait3A_58, %dma_wait3A_59] : memref<10240x64xbf16, #tpu.memory_space<hbm>> -> memref<10240x64xbf16, #tpu.memory_space<hbm>>
    tpu.wait_indirect_dma semaphore(%arg13 : memref<!tpu.dma_semaphore, #tpu.memory_space<semaphore_mem>>) src(%dma_wait3A_60 : memref<10240x64xbf16, #tpu.memory_space<hbm>>) dst(%arg11 : memref<128x64xbf16, #tpu.memory_space<vmem>>)
    %parallel_loop3A_61 = arith.constant 0 : i32
    %parallel_loop3A_62 = arith.constant 128 : i32
    %parallel_loop3A_63 = arith.constant 1 : i32
    scf.for %parallel_loop3A_69 = %parallel_loop3A_61 to %parallel_loop3A_62 step %parallel_loop3A_63  : i32 {
      %parallel_loop3A_70 = arith.index_cast %parallel_loop3A_69 : i32 to index
      %parallel_loop3A_71 = arith.constant 0 : index
      %parallel_loop3A_72 = tpu.vector_load %arg11[%parallel_loop3A_70, %parallel_loop3A_71] {strides = array<i32>} : memref<128x64xbf16, #tpu.memory_space<vmem>>, vector<32xbf16>,
      %parallel_loop3A_73 = tpu.unpack_subelements %parallel_loop3A_72, 0 {pack_format = #tpu.pack_format<interleaved>} : vector<32xbf16> -> vector<16xf32>
      %parallel_loop3A_74 = tpu.unpack_subelements %parallel_loop3A_72, 1 {pack_format = #tpu.pack_format<interleaved>} : vector<32xbf16> -> vector<16xf32>
      %parallel_loop3A_75 = arith.index_cast %parallel_loop3A_69 : i32 to index
      %parallel_loop3A_76 = arith.constant 0 : index
      %parallel_loop3A_77 = tpu.vector_load %arg9[%parallel_loop3A_75, %parallel_loop3A_76] {strides = array<i32>} : memref<128x64xf32, #tpu.memory_space<vmem>>, vector<16xf32>,
      tpu.vector_store %arg9[%parallel_loop3A_75, %parallel_loop3A_76], %parallel_loop3A_73 {strides = array<i32>} : memref<128x64xf32, #tpu.memory_space<vmem>>, vector<16xf32>,
      %parallel_loop3A_78 = arith.index_cast %parallel_loop3A_69 : i32 to index
      %parallel_loop3A_79 = arith.constant 16 : index
      %parallel_loop3A_80 = tpu.vector_load %arg9[%parallel_loop3A_78, %parallel_loop3A_79] {strides = array<i32>} : memref<128x64xf32, #tpu.memory_space<vmem>>, vector<16xf32>,
      tpu.vector_store %arg9[%parallel_loop3A_78, %parallel_loop3A_79], %parallel_loop3A_74 {strides = array<i32>} : memref<128x64xf32, #tpu.memory_space<vmem>>, vector<16xf32>,
      %parallel_loop3A_81 = arith.index_cast %parallel_loop3A_69 : i32 to index
      %parallel_loop3A_82 = arith.constant 32 : index
      %parallel_loop3A_83 = tpu.vector_load %arg11[%parallel_loop3A_81, %parallel_loop3A_82] {strides = array<i32>} : memref<128x64xbf16, #tpu.memory_space<vmem>>, vector<32xbf16>,
      %parallel_loop3A_84 = tpu.unpack_subelements %parallel_loop3A_83, 0 {pack_format = #tpu.pack_format<interleaved>} : vector<32xbf16> -> vector<16xf32>
      %parallel_loop3A_85 = tpu.unpack_subelements %parallel_loop3A_83, 1 {pack_format = #tpu.pack_format<interleaved>} : vector<32xbf16> -> vector<16xf32>
      %parallel_loop3A_86 = arith.index_cast %parallel_loop3A_69 : i32 to index
      %parallel_loop3A_87 = arith.constant 32 : index
      %parallel_loop3A_88 = tpu.vector_load %arg9[%parallel_loop3A_86, %parallel_loop3A_87] {strides = array<i32>} : memref<128x64xf32, #tpu.memory_space<vmem>>, vector<16xf32>,
      tpu.vector_store %arg9[%parallel_loop3A_86, %parallel_loop3A_87], %parallel_loop3A_84 {strides = array<i32>} : memref<128x64xf32, #tpu.memory_space<vmem>>, vector<16xf32>,
      %parallel_loop3A_89 = arith.index_cast %parallel_loop3A_69 : i32 to index
      %parallel_loop3A_90 = arith.constant 48 : index
      %parallel_loop3A_91 = tpu.vector_load %arg9[%parallel_loop3A_89, %parallel_loop3A_90] {strides = array<i32>} : memref<128x64xf32, #tpu.memory_space<vmem>>, vector<16xf32>,
      tpu.vector_store %arg9[%parallel_loop3A_89, %parallel_loop3A_90], %parallel_loop3A_85 {strides = array<i32>} : memref<128x64xf32, #tpu.memory_space<vmem>>, vector<16xf32>,
    } {sc.loop_unroll_factor = 8 : i64, sc.parallel_access}
    %run_scoped3A_64 = arith.constant 157 : i32
    "tpu.region"() ({
      %run_scoped3A_69 = tpu.sem_alloc : memref<!tpu.dma_semaphore, #tpu.memory_space<semaphore_mem>>
      %dma_start3A_70 = arith.constant 0 : i32
      %dma_start3A_71 = tpu.memref_slice %arg7[%run_scoped3A_64, %dma_start3A_70] : memref<158x128xi32, #tpu.memory_space<vmem>> -> memref<1x128xi32, #tpu.memory_space<vmem>>
      %dma_start3A_72 = tpu.memref_squeeze %dma_start3A_71 : memref<1x128xi32, #tpu.memory_space<vmem>> -> memref<128xi32, #tpu.memory_space<vmem>>
      %dma_start3A_73 = arith.constant 0 : i32
      %dma_start3A_74 = arith.constant 0 : i32
      %dma_start3A_75 = tpu.memref_slice %arg8[%dma_start3A_73, %dma_start3A_74] : memref<10240x64xf32, #tpu.memory_space<vmem_shared>> -> memref<10240x64xf32, #tpu.memory_space<vmem_shared>>
      tpu.enqueue_indirect_dma source(%arg9 : memref<128x64xf32, #tpu.memory_space<vmem>>) target(%dma_start3A_75 : memref<10240x64xf32, #tpu.memory_space<vmem_shared>>) offsets(%dma_start3A_72 : memref<128xi32, #tpu.memory_space<vmem>>) semaphore(%run_scoped3A_69 : memref<!tpu.dma_semaphore, #tpu.memory_space<semaphore_mem>>) {add = true}
      %dma_wait3A_76 = arith.constant 0 : i32
      %dma_wait3A_77 = tpu.memref_slice %arg7[%run_scoped3A_64, %dma_wait3A_76] : memref<158x128xi32, #tpu.memory_space<vmem>> -> memref<1x128xi32, #tpu.memory_space<vmem>>
      %dma_wait3A_78 = tpu.memref_squeeze %dma_wait3A_77 : memref<1x128xi32, #tpu.memory_space<vmem>> -> memref<128xi32, #tpu.memory_space<vmem>>
      %dma_wait3A_79 = arith.constant 0 : i32
      %dma_wait3A_80 = arith.constant 0 : i32
      %dma_wait3A_81 = tpu.memref_slice %arg8[%dma_wait3A_79, %dma_wait3A_80] : memref<10240x64xf32, #tpu.memory_space<vmem_shared>> -> memref<10240x64xf32, #tpu.memory_space<vmem_shared>>
      tpu.wait_indirect_dma semaphore(%run_scoped3A_69 : memref<!tpu.dma_semaphore, #tpu.memory_space<semaphore_mem>>) src(%arg9 : memref<128x64xf32, #tpu.memory_space<vmem>>) dst(%dma_wait3A_81 : memref<10240x64xf32, #tpu.memory_space<vmem_shared>>)
      tpu.yield
    }) : () -> ()
    %barrier3A_65 = arith.constant 0 : index
    tpu.barrier barrier_id(%barrier3A_65)
    %mul3A = arith.constant 640 : i32
    %mul3A_66 = arith.muli %arg1, %mul3A : i32
    %mul3A_67 = arith.constant 640 : i32
    %mul3A_68 = arith.muli %arg1, %mul3A_67 : i32
    "tpu.region"() ({
      %run_scoped3A_69 = tpu.sem_alloc : memref<!tpu.dma_semaphore, #tpu.memory_space<semaphore_mem>>
      %dma_start3A_70 = arith.constant 0 : i32
      %dma_start3A_71 = tpu.memref_slice %arg5[%arg0, %mul3A_68, %dma_start3A_70] : memref<2x10240x64xf32, #tpu.memory_space<hbm>> -> memref<1x640x64xf32, #tpu.memory_space<hbm>>
      %dma_start3A_72 = tpu.memref_squeeze %dma_start3A_71 : memref<1x640x64xf32, #tpu.memory_space<hbm>> -> memref<640x64xf32, #tpu.memory_space<hbm>>
      %dma_start3A_73 = arith.constant 0 : i32
      %dma_start3A_74 = tpu.memref_slice %arg8[%mul3A_66, %dma_start3A_73] : memref<10240x64xf32, #tpu.memory_space<vmem_shared>> -> memref<640x64xf32, #tpu.memory_space<vmem_shared>>
      tpu.enqueue_dma source(%dma_start3A_74 : memref<640x64xf32, #tpu.memory_space<vmem_shared>>) target(%dma_start3A_72 : memref<640x64xf32, #tpu.memory_space<hbm>>) target_semaphore(%run_scoped3A_69 : memref<!tpu.dma_semaphore, #tpu.memory_space<semaphore_mem>>)
      %dma_wait3A_75 = arith.constant 0 : i32
      %dma_wait3A_76 = tpu.memref_slice %arg5[%arg0, %mul3A_68, %dma_wait3A_75] : memref<2x10240x64xf32, #tpu.memory_space<hbm>> -> memref<1x640x64xf32, #tpu.memory_space<hbm>>
      %dma_wait3A_77 = tpu.memref_squeeze %dma_wait3A_76 : memref<1x640x64xf32, #tpu.memory_space<hbm>> -> memref<640x64xf32, #tpu.memory_space<hbm>>
      %dma_wait3A_78 = arith.constant 0 : i32
      %dma_wait3A_79 = tpu.memref_slice %arg8[%mul3A_66, %dma_wait3A_78] : memref<10240x64xf32, #tpu.memory_space<vmem_shared>> -> memref<640x64xf32, #tpu.memory_space<vmem_shared>>
      tpu.wait_dma2 semaphore(%run_scoped3A_69 : memref<!tpu.dma_semaphore, #tpu.memory_space<semaphore_mem>>) src(%dma_wait3A_79 : memref<640x64xf32, #tpu.memory_space<vmem_shared>>) dst(%dma_wait3A_77 : memref<640x64xf32, #tpu.memory_space<hbm>>)
      tpu.yield
    }) : () -> ()
    return
  }
}

#map = affine_map<(d0, d1) -> (0, 0, 0)>
module attributes {stable_mosaic.version = 14 : i64} {
  func.func @_spmm_body(%arg0: i32, %arg1: i32, %arg2: memref<2x10240x64xbf16, #tpu.memory_space<hbm>>, %arg3: memref<16x158x128xi32, #tpu.memory_space<hbm>>, %arg4: memref<16x158x128xi32, #tpu.memory_space<hbm>>, %arg5: memref<2x10240x64xf32, #tpu.memory_space<hbm>>, %arg6: memref<158x128xi32, #tpu.memory_space<vmem>>, %arg7: memref<158x128xi32, #tpu.memory_space<vmem>>, %arg8: memref<10240x64xf32, #tpu.memory_space<vmem_shared>>, %arg9: memref<128x64xf32, #tpu.memory_space<vmem>>, %arg10: memref<128x64xbf16, #tpu.memory_space<vmem>>, %arg11: memref<128x64xbf16, #tpu.memory_space<vmem>>, %arg12: memref<!tpu.dma_semaphore, #tpu.memory_space<semaphore_mem>>, %arg13: memref<!tpu.dma_semaphore, #tpu.memory_space<semaphore_mem>>) attributes {dimension_semantics = [#tpu.dimension_semantics<core_parallel>, #tpu.dimension_semantics<subcore_parallel>], iteration_bounds = array<i64: 2, 16>, scalar_prefetch = 0 : i64, scratch_operands = 8 : i64, tpu.core_type = #tpu.core_type<sc_vector_subcore>, window_params = [{transform_indices = #map}, {transform_indices = #map}, {transform_indices = #map}, {transform_indices = #map}]} {
    %scan3A = arith.constant 0 : i32
    %scan3A_0 = arith.constant 0 : i32
    %scan3A_1 = arith.constant 128 : i32
    %scan3A_2 = arith.addi %scan3A_0, %scan3A_1 : i32
    %scan3A_3 = arith.constant 1 : i32
    scf.for %scan3A_69 = %scan3A_0 to %scan3A_2 step %scan3A_3  : i32 {
      %broadcast_in_dim3A = arith.constant 0.000000e+00 : f32
      %broadcast_in_dim3A_70 = vector.broadcast %broadcast_in_dim3A : f32 to vector<16xf32>
      %swap3A = arith.index_cast %scan3A_69 : i32 to index
      %swap3A_71 = arith.constant 0 : index
      %swap3A_72 = tpu.vector_load %arg9[%swap3A, %swap3A_71] {strides = array<i32>} : memref<128x64xf32, #tpu.memory_space<vmem>>, vector<16xf32>,
      tpu.vector_store %arg9[%swap3A, %swap3A_71], %broadcast_in_dim3A_70 {strides = array<i32>} : memref<128x64xf32, #tpu.memory_space<vmem>>, vector<16xf32>,
      %broadcast_in_dim3A_73 = arith.constant 0.000000e+00 : f32
      %broadcast_in_dim3A_74 = vector.broadcast %broadcast_in_dim3A_73 : f32 to vector<16xf32>
      %swap3A_75 = arith.index_cast %scan3A_69 : i32 to index
      %swap3A_76 = arith.constant 16 : index
      %swap3A_77 = tpu.vector_load %arg9[%swap3A_75, %swap3A_76] {strides = array<i32>} : memref<128x64xf32, #tpu.memory_space<vmem>>, vector<16xf32>,
      tpu.vector_store %arg9[%swap3A_75, %swap3A_76], %broadcast_in_dim3A_74 {strides = array<i32>} : memref<128x64xf32, #tpu.memory_space<vmem>>, vector<16xf32>,
      %broadcast_in_dim3A_78 = arith.constant 0.000000e+00 : f32
      %broadcast_in_dim3A_79 = vector.broadcast %broadcast_in_dim3A_78 : f32 to vector<16xf32>
      %swap3A_80 = arith.index_cast %scan3A_69 : i32 to index
      %swap3A_81 = arith.constant 32 : index
      %swap3A_82 = tpu.vector_load %arg9[%swap3A_80, %swap3A_81] {strides = array<i32>} : memref<128x64xf32, #tpu.memory_space<vmem>>, vector<16xf32>,
      tpu.vector_store %arg9[%swap3A_80, %swap3A_81], %broadcast_in_dim3A_79 {strides = array<i32>} : memref<128x64xf32, #tpu.memory_space<vmem>>, vector<16xf32>,
      %broadcast_in_dim3A_83 = arith.constant 0.000000e+00 : f32
      %broadcast_in_dim3A_84 = vector.broadcast %broadcast_in_dim3A_83 : f32 to vector<16xf32>
      %swap3A_85 = arith.index_cast %scan3A_69 : i32 to index
      %swap3A_86 = arith.constant 48 : index
      %swap3A_87 = tpu.vector_load %arg9[%swap3A_85, %swap3A_86] {strides = array<i32>} : memref<128x64xf32, #tpu.memory_space<vmem>>, vector<16xf32>,
      tpu.vector_store %arg9[%swap3A_85, %swap3A_86], %broadcast_in_dim3A_84 {strides = array<i32>} : memref<128x64xf32, #tpu.memory_space<vmem>>, vector<16xf32>,
    }
    %scan3A_4 = arith.constant 128 : i32
    %scan3A_5 = arith.constant 0 : i32
    %scan3A_6 = arith.constant 0 : i32
    %scan3A_7 = arith.constant 5 : i32
    %scan3A_8 = arith.addi %scan3A_6, %scan3A_7 : i32
    %scan3A_9 = arith.constant 1 : i32
    scf.for %scan3A_69 = %scan3A_6 to %scan3A_8 step %scan3A_9  : i32 {
      %mul3A_70 = arith.constant 640 : i32
      %mul3A_71 = arith.muli %arg1, %mul3A_70 : i32
      %mul3A_72 = arith.constant 128 : i32
      %mul3A_73 = arith.muli %scan3A_69, %mul3A_72 : i32
      %add3A = arith.addi %mul3A_71, %mul3A_73 : i32
      "tpu.region"() ({
        %run_scoped3A_74 = tpu.sem_alloc : memref<!tpu.dma_semaphore, #tpu.memory_space<semaphore_mem>>
        %dma_start3A_75 = arith.constant 0 : i32
        %dma_start3A_76 = tpu.memref_slice %arg8[%add3A, %dma_start3A_75] : memref<10240x64xf32, #tpu.memory_space<vmem_shared>> -> memref<128x64xf32, #tpu.memory_space<vmem_shared>>
        %dma_start3A_77 = arith.constant 0 : i32
        %dma_start3A_78 = tpu.memref_slice %arg8[%add3A, %dma_start3A_77] : memref<10240x64xf32, #tpu.memory_space<vmem_shared>> -> memref<128x64xf32, #tpu.memory_space<vmem_shared>>
        tpu.enqueue_dma source(%arg9 : memref<128x64xf32, #tpu.memory_space<vmem>>) target(%dma_start3A_78 : memref<128x64xf32, #tpu.memory_space<vmem_shared>>) target_semaphore(%run_scoped3A_74 : memref<!tpu.dma_semaphore, #tpu.memory_space<semaphore_mem>>)
        %dma_wait3A_79 = arith.constant 0 : i32
        %dma_wait3A_80 = tpu.memref_slice %arg8[%add3A, %dma_wait3A_79] : memref<10240x64xf32, #tpu.memory_space<vmem_shared>> -> memref<128x64xf32, #tpu.memory_space<vmem_shared>>
        %dma_wait3A_81 = arith.constant 0 : i32
        %dma_wait3A_82 = tpu.memref_slice %arg8[%add3A, %dma_wait3A_81] : memref<10240x64xf32, #tpu.memory_space<vmem_shared>> -> memref<128x64xf32, #tpu.memory_space<vmem_shared>>
        tpu.wait_dma2 semaphore(%run_scoped3A_74 : memref<!tpu.dma_semaphore, #tpu.memory_space<semaphore_mem>>) src(%arg9 : memref<128x64xf32, #tpu.memory_space<vmem>>) dst(%dma_wait3A_82 : memref<128x64xf32, #tpu.memory_space<vmem_shared>>)
        tpu.yield
      }) : () -> ()
    }
    %scan3A_10 = arith.constant 5 : i32
    "tpu.region"() ({
      %run_scoped3A_69 = tpu.sem_alloc : memref<!tpu.dma_semaphore, #tpu.memory_space<semaphore_mem>>
      %dma_start3A_70 = arith.constant 0 : i32
      %dma_start3A_71 = arith.constant 0 : i32
      %dma_start3A_72 = tpu.memref_slice %arg3[%arg1, %dma_start3A_70, %dma_start3A_71] : memref<16x158x128xi32, #tpu.memory_space<hbm>> -> memref<1x158x128xi32, #tpu.memory_space<hbm>>
      %dma_start3A_73 = tpu.memref_squeeze %dma_start3A_72 : memref<1x158x128xi32, #tpu.memory_space<hbm>> -> memref<158x128xi32, #tpu.memory_space<hbm>>
      %dma_start3A_74 = arith.constant 0 : i32
      %dma_start3A_75 = arith.constant 0 : i32
      %dma_start3A_76 = tpu.memref_slice %arg3[%arg1, %dma_start3A_74, %dma_start3A_75] : memref<16x158x128xi32, #tpu.memory_space<hbm>> -> memref<1x158x128xi32, #tpu.memory_space<hbm>>
      %dma_start3A_77 = tpu.memref_squeeze %dma_start3A_76 : memref<1x158x128xi32, #tpu.memory_space<hbm>> -> memref<158x128xi32, #tpu.memory_space<hbm>>
      tpu.enqueue_dma source(%dma_start3A_77 : memref<158x128xi32, #tpu.memory_space<hbm>>) target(%arg6 : memref<158x128xi32, #tpu.memory_space<vmem>>) target_semaphore(%run_scoped3A_69 : memref<!tpu.dma_semaphore, #tpu.memory_space<semaphore_mem>>)
      %dma_wait3A_78 = arith.constant 0 : i32
      %dma_wait3A_79 = arith.constant 0 : i32
      %dma_wait3A_80 = tpu.memref_slice %arg3[%arg1, %dma_wait3A_78, %dma_wait3A_79] : memref<16x158x128xi32, #tpu.memory_space<hbm>> -> memref<1x158x128xi32, #tpu.memory_space<hbm>>
      %dma_wait3A_81 = tpu.memref_squeeze %dma_wait3A_80 : memref<1x158x128xi32, #tpu.memory_space<hbm>> -> memref<158x128xi32, #tpu.memory_space<hbm>>
      %dma_wait3A_82 = arith.constant 0 : i32
      %dma_wait3A_83 = arith.constant 0 : i32
      %dma_wait3A_84 = tpu.memref_slice %arg3[%arg1, %dma_wait3A_82, %dma_wait3A_83] : memref<16x158x128xi32, #tpu.memory_space<hbm>> -> memref<1x158x128xi32, #tpu.memory_space<hbm>>
      %dma_wait3A_85 = tpu.memref_squeeze %dma_wait3A_84 : memref<1x158x128xi32, #tpu.memory_space<hbm>> -> memref<158x128xi32, #tpu.memory_space<hbm>>
      tpu.wait_dma2 semaphore(%run_scoped3A_69 : memref<!tpu.dma_semaphore, #tpu.memory_space<semaphore_mem>>) src(%dma_wait3A_85 : memref<158x128xi32, #tpu.memory_space<hbm>>) dst(%arg6 : memref<158x128xi32, #tpu.memory_space<vmem>>)
      tpu.yield
    }) : () -> ()
    "tpu.region"() ({
      %run_scoped3A_69 = tpu.sem_alloc : memref<!tpu.dma_semaphore, #tpu.memory_space<semaphore_mem>>
      %dma_start3A_70 = arith.constant 0 : i32
      %dma_start3A_71 = arith.constant 0 : i32
      %dma_start3A_72 = tpu.memref_slice %arg4[%arg1, %dma_start3A_70, %dma_start3A_71] : memref<16x158x128xi32, #tpu.memory_space<hbm>> -> memref<1x158x128xi32, #tpu.memory_space<hbm>>
      %dma_start3A_73 = tpu.memref_squeeze %dma_start3A_72 : memref<1x158x128xi32, #tpu.memory_space<hbm>> -> memref<158x128xi32, #tpu.memory_space<hbm>>
      %dma_start3A_74 = arith.constant 0 : i32
      %dma_start3A_75 = arith.constant 0 : i32
      %dma_start3A_76 = tpu.memref_slice %arg4[%arg1, %dma_start3A_74, %dma_start3A_75] : memref<16x158x128xi32, #tpu.memory_space<hbm>> -> memref<1x158x128xi32, #tpu.memory_space<hbm>>
      %dma_start3A_77 = tpu.memref_squeeze %dma_start3A_76 : memref<1x158x128xi32, #tpu.memory_space<hbm>> -> memref<158x128xi32, #tpu.memory_space<hbm>>
      tpu.enqueue_dma source(%dma_start3A_77 : memref<158x128xi32, #tpu.memory_space<hbm>>) target(%arg7 : memref<158x128xi32, #tpu.memory_space<vmem>>) target_semaphore(%run_scoped3A_69 : memref<!tpu.dma_semaphore, #tpu.memory_space<semaphore_mem>>)
      %dma_wait3A_78 = arith.constant 0 : i32
      %dma_wait3A_79 = arith.constant 0 : i32
      %dma_wait3A_80 = tpu.memref_slice %arg4[%arg1, %dma_wait3A_78, %dma_wait3A_79] : memref<16x158x128xi32, #tpu.memory_space<hbm>> -> memref<1x158x128xi32, #tpu.memory_space<hbm>>
      %dma_wait3A_81 = tpu.memref_squeeze %dma_wait3A_80 : memref<1x158x128xi32, #tpu.memory_space<hbm>> -> memref<158x128xi32, #tpu.memory_space<hbm>>
      %dma_wait3A_82 = arith.constant 0 : i32
      %dma_wait3A_83 = arith.constant 0 : i32
      %dma_wait3A_84 = tpu.memref_slice %arg4[%arg1, %dma_wait3A_82, %dma_wait3A_83] : memref<16x158x128xi32, #tpu.memory_space<hbm>> -> memref<1x158x128xi32, #tpu.memory_space<hbm>>
      %dma_wait3A_85 = tpu.memref_squeeze %dma_wait3A_84 : memref<1x158x128xi32, #tpu.memory_space<hbm>> -> memref<158x128xi32, #tpu.memory_space<hbm>>
      tpu.wait_dma2 semaphore(%run_scoped3A_69 : memref<!tpu.dma_semaphore, #tpu.memory_space<semaphore_mem>>) src(%dma_wait3A_85 : memref<158x128xi32, #tpu.memory_space<hbm>>) dst(%arg7 : memref<158x128xi32, #tpu.memory_space<vmem>>)
      tpu.yield
    }) : () -> ()
    %barrier3A = arith.constant 0 : index
    tpu.barrier barrier_id(%barrier3A)
    %dma_start3A = arith.constant 0 : i32
    %dma_start3A_11 = arith.constant 0 : i32
    %dma_start3A_12 = tpu.memref_slice %arg6[%dma_start3A, %dma_start3A_11] : memref<158x128xi32, #tpu.memory_space<vmem>> -> memref<1x128xi32, #tpu.memory_space<vmem>>
    %dma_start3A_13 = tpu.memref_squeeze %dma_start3A_12 : memref<1x128xi32, #tpu.memory_space<vmem>> -> memref<128xi32, #tpu.memory_space<vmem>>
    %dma_start3A_14 = arith.constant 0 : i32
    %dma_start3A_15 = arith.constant 0 : i32
    %dma_start3A_16 = tpu.memref_slice %arg2[%arg0, %dma_start3A_14, %dma_start3A_15] : memref<2x10240x64xbf16, #tpu.memory_space<hbm>> -> memref<1x10240x64xbf16, #tpu.memory_space<hbm>>
    %dma_start3A_17 = tpu.memref_squeeze %dma_start3A_16 : memref<1x10240x64xbf16, #tpu.memory_space<hbm>> -> memref<10240x64xbf16, #tpu.memory_space<hbm>>
    %dma_start3A_18 = arith.constant 0 : i32
    %dma_start3A_19 = arith.constant 0 : i32
    %dma_start3A_20 = tpu.memref_slice %dma_start3A_17[%dma_start3A_18, %dma_start3A_19] : memref<10240x64xbf16, #tpu.memory_space<hbm>> -> memref<10240x64xbf16, #tpu.memory_space<hbm>>
    tpu.enqueue_indirect_dma source(%dma_start3A_20 : memref<10240x64xbf16, #tpu.memory_space<hbm>>) target(%arg10 : memref<128x64xbf16, #tpu.memory_space<vmem>>) offsets(%dma_start3A_13 : memref<128xi32, #tpu.memory_space<vmem>>) semaphore(%arg12 : memref<!tpu.dma_semaphore, #tpu.memory_space<semaphore_mem>>)
    %dma_start3A_21 = arith.constant 1 : i32
    %dma_start3A_22 = arith.constant 0 : i32
    %dma_start3A_23 = tpu.memref_slice %arg6[%dma_start3A_21, %dma_start3A_22] : memref<158x128xi32, #tpu.memory_space<vmem>> -> memref<1x128xi32, #tpu.memory_space<vmem>>
    %dma_start3A_24 = tpu.memref_squeeze %dma_start3A_23 : memref<1x128xi32, #tpu.memory_space<vmem>> -> memref<128xi32, #tpu.memory_space<vmem>>
    %dma_start3A_25 = arith.constant 0 : i32
    %dma_start3A_26 = arith.constant 0 : i32
    %dma_start3A_27 = tpu.memref_slice %arg2[%arg0, %dma_start3A_25, %dma_start3A_26] : memref<2x10240x64xbf16, #tpu.memory_space<hbm>> -> memref<1x10240x64xbf16, #tpu.memory_space<hbm>>
    %dma_start3A_28 = tpu.memref_squeeze %dma_start3A_27 : memref<1x10240x64xbf16, #tpu.memory_space<hbm>> -> memref<10240x64xbf16, #tpu.memory_space<hbm>>
    %dma_start3A_29 = arith.constant 0 : i32
    %dma_start3A_30 = arith.constant 0 : i32
    %dma_start3A_31 = tpu.memref_slice %dma_start3A_28[%dma_start3A_29, %dma_start3A_30] : memref<10240x64xbf16, #tpu.memory_space<hbm>> -> memref<10240x64xbf16, #tpu.memory_space<hbm>>
    tpu.enqueue_indirect_dma source(%dma_start3A_31 : memref<10240x64xbf16, #tpu.memory_space<hbm>>) target(%arg11 : memref<128x64xbf16, #tpu.memory_space<vmem>>) offsets(%dma_start3A_24 : memref<128xi32, #tpu.memory_space<vmem>>) semaphore(%arg13 : memref<!tpu.dma_semaphore, #tpu.memory_space<semaphore_mem>>)
    %scan3A_32 = arith.constant 0 : i32
    %scan3A_33 = arith.constant 0 : i32
    %scan3A_34 = arith.constant 78 : i32
    %scan3A_35 = arith.addi %scan3A_33, %scan3A_34 : i32
    %scan3A_36 = arith.constant 1 : i32
    scf.for %scan3A_69 = %scan3A_33 to %scan3A_35 step %scan3A_36  : i32 {
      %mul3A_70 = arith.constant 2 : i32
      %mul3A_71 = arith.muli %scan3A_69, %mul3A_70 : i32
      %add3A = arith.constant 0 : i32
      %add3A_72 = arith.addi %mul3A_71, %add3A : i32
      %dma_wait3A_73 = arith.constant 0 : i32
      %dma_wait3A_74 = tpu.memref_slice %arg6[%add3A_72, %dma_wait3A_73] : memref<158x128xi32, #tpu.memory_space<vmem>> -> memref<1x128xi32, #tpu.memory_space<vmem>>
      %dma_wait3A_75 = tpu.memref_squeeze %dma_wait3A_74 : memref<1x128xi32, #tpu.memory_space<vmem>> -> memref<128xi32, #tpu.memory_space<vmem>>
      %dma_wait3A_76 = arith.constant 0 : i32
      %dma_wait3A_77 = arith.constant 0 : i32
      %dma_wait3A_78 = tpu.memref_slice %arg2[%arg0, %dma_wait3A_76, %dma_wait3A_77] : memref<2x10240x64xbf16, #tpu.memory_space<hbm>> -> memref<1x10240x64xbf16, #tpu.memory_space<hbm>>
      %dma_wait3A_79 = tpu.memref_squeeze %dma_wait3A_78 : memref<1x10240x64xbf16, #tpu.memory_space<hbm>> -> memref<10240x64xbf16, #tpu.memory_space<hbm>>
      %dma_wait3A_80 = arith.constant 0 : i32
      %dma_wait3A_81 = arith.constant 0 : i32
      %dma_wait3A_82 = tpu.memref_slice %dma_wait3A_79[%dma_wait3A_80, %dma_wait3A_81] : memref<10240x64xbf16, #tpu.memory_space<hbm>> -> memref<10240x64xbf16, #tpu.memory_space<hbm>>
      tpu.wait_indirect_dma semaphore(%arg12 : memref<!tpu.dma_semaphore, #tpu.memory_space<semaphore_mem>>) src(%dma_wait3A_82 : memref<10240x64xbf16, #tpu.memory_space<hbm>>) dst(%arg10 : memref<128x64xbf16, #tpu.memory_space<vmem>>)
      %parallel_loop3A_83 = arith.constant 0 : i32
      %parallel_loop3A_84 = arith.constant 128 : i32
      %parallel_loop3A_85 = arith.constant 1 : i32
      scf.for %parallel_loop3A_125 = %parallel_loop3A_83 to %parallel_loop3A_84 step %parallel_loop3A_85  : i32 {
        %parallel_loop3A_126 = arith.index_cast %parallel_loop3A_125 : i32 to index
        %parallel_loop3A_127 = arith.constant 0 : index
        %parallel_loop3A_128 = tpu.vector_load %arg10[%parallel_loop3A_126, %parallel_loop3A_127] {strides = array<i32>} : memref<128x64xbf16, #tpu.memory_space<vmem>>, vector<32xbf16>,
        %parallel_loop3A_129 = tpu.unpack_subelements %parallel_loop3A_128, 0 {pack_format = #tpu.pack_format<interleaved>} : vector<32xbf16> -> vector<16xf32>
        %parallel_loop3A_130 = tpu.unpack_subelements %parallel_loop3A_128, 1 {pack_format = #tpu.pack_format<interleaved>} : vector<32xbf16> -> vector<16xf32>
        %parallel_loop3A_131 = arith.index_cast %parallel_loop3A_125 : i32 to index
        %parallel_loop3A_132 = arith.constant 0 : index
        %parallel_loop3A_133 = tpu.vector_load %arg9[%parallel_loop3A_131, %parallel_loop3A_132] {strides = array<i32>} : memref<128x64xf32, #tpu.memory_space<vmem>>, vector<16xf32>,
        tpu.vector_store %arg9[%parallel_loop3A_131, %parallel_loop3A_132], %parallel_loop3A_129 {strides = array<i32>} : memref<128x64xf32, #tpu.memory_space<vmem>>, vector<16xf32>,
        %parallel_loop3A_134 = arith.index_cast %parallel_loop3A_125 : i32 to index
        %parallel_loop3A_135 = arith.constant 16 : index
        %parallel_loop3A_136 = tpu.vector_load %arg9[%parallel_loop3A_134, %parallel_loop3A_135] {strides = array<i32>} : memref<128x64xf32, #tpu.memory_space<vmem>>, vector<16xf32>,
        tpu.vector_store %arg9[%parallel_loop3A_134, %parallel_loop3A_135], %parallel_loop3A_130 {strides = array<i32>} : memref<128x64xf32, #tpu.memory_space<vmem>>, vector<16xf32>,
        %parallel_loop3A_137 = arith.index_cast %parallel_loop3A_125 : i32 to index
        %parallel_loop3A_138 = arith.constant 32 : index
        %parallel_loop3A_139 = tpu.vector_load %arg10[%parallel_loop3A_137, %parallel_loop3A_138] {strides = array<i32>} : memref<128x64xbf16, #tpu.memory_space<vmem>>, vector<32xbf16>,
        %parallel_loop3A_140 = tpu.unpack_subelements %parallel_loop3A_139, 0 {pack_format = #tpu.pack_format<interleaved>} : vector<32xbf16> -> vector<16xf32>
        %parallel_loop3A_141 = tpu.unpack_subelements %parallel_loop3A_139, 1 {pack_format = #tpu.pack_format<interleaved>} : vector<32xbf16> -> vector<16xf32>
        %parallel_loop3A_142 = arith.index_cast %parallel_loop3A_125 : i32 to index
        %parallel_loop3A_143 = arith.constant 32 : index
        %parallel_loop3A_144 = tpu.vector_load %arg9[%parallel_loop3A_142, %parallel_loop3A_143] {strides = array<i32>} : memref<128x64xf32, #tpu.memory_space<vmem>>, vector<16xf32>,
        tpu.vector_store %arg9[%parallel_loop3A_142, %parallel_loop3A_143], %parallel_loop3A_140 {strides = array<i32>} : memref<128x64xf32, #tpu.memory_space<vmem>>, vector<16xf32>,
        %parallel_loop3A_145 = arith.index_cast %parallel_loop3A_125 : i32 to index
        %parallel_loop3A_146 = arith.constant 48 : index
        %parallel_loop3A_147 = tpu.vector_load %arg9[%parallel_loop3A_145, %parallel_loop3A_146] {strides = array<i32>} : memref<128x64xf32, #tpu.memory_space<vmem>>, vector<16xf32>,
        tpu.vector_store %arg9[%parallel_loop3A_145, %parallel_loop3A_146], %parallel_loop3A_141 {strides = array<i32>} : memref<128x64xf32, #tpu.memory_space<vmem>>, vector<16xf32>,
      } {sc.loop_unroll_factor = 8 : i64, sc.parallel_access}
      %add3A_86 = arith.constant 2 : i32
      %add3A_87 = arith.addi %add3A_72, %add3A_86 : i32
      %dma_start3A_88 = arith.constant 0 : i32
      %dma_start3A_89 = tpu.memref_slice %arg6[%add3A_87, %dma_start3A_88] : memref<158x128xi32, #tpu.memory_space<vmem>> -> memref<1x128xi32, #tpu.memory_space<vmem>>
      %dma_start3A_90 = tpu.memref_squeeze %dma_start3A_89 : memref<1x128xi32, #tpu.memory_space<vmem>> -> memref<128xi32, #tpu.memory_space<vmem>>
      %dma_start3A_91 = arith.constant 0 : i32
      %dma_start3A_92 = arith.constant 0 : i32
      %dma_start3A_93 = tpu.memref_slice %arg2[%arg0, %dma_start3A_91, %dma_start3A_92] : memref<2x10240x64xbf16, #tpu.memory_space<hbm>> -> memref<1x10240x64xbf16, #tpu.memory_space<hbm>>
      %dma_start3A_94 = tpu.memref_squeeze %dma_start3A_93 : memref<1x10240x64xbf16, #tpu.memory_space<hbm>> -> memref<10240x64xbf16, #tpu.memory_space<hbm>>
      %dma_start3A_95 = arith.constant 0 : i32
      %dma_start3A_96 = arith.constant 0 : i32
      %dma_start3A_97 = tpu.memref_slice %dma_start3A_94[%dma_start3A_95, %dma_start3A_96] : memref<10240x64xbf16, #tpu.memory_space<hbm>> -> memref<10240x64xbf16, #tpu.memory_space<hbm>>
      tpu.enqueue_indirect_dma source(%dma_start3A_97 : memref<10240x64xbf16, #tpu.memory_space<hbm>>) target(%arg10 : memref<128x64xbf16, #tpu.memory_space<vmem>>) offsets(%dma_start3A_90 : memref<128xi32, #tpu.memory_space<vmem>>) semaphore(%arg12 : memref<!tpu.dma_semaphore, #tpu.memory_space<semaphore_mem>>)
      "tpu.region"() ({
        %run_scoped3A_125 = tpu.sem_alloc : memref<!tpu.dma_semaphore, #tpu.memory_space<semaphore_mem>>
        %dma_start3A_126 = arith.constant 0 : i32
        %dma_start3A_127 = tpu.memref_slice %arg7[%add3A_72, %dma_start3A_126] : memref<158x128xi32, #tpu.memory_space<vmem>> -> memref<1x128xi32, #tpu.memory_space<vmem>>
        %dma_start3A_128 = tpu.memref_squeeze %dma_start3A_127 : memref<1x128xi32, #tpu.memory_space<vmem>> -> memref<128xi32, #tpu.memory_space<vmem>>
        %dma_start3A_129 = arith.constant 0 : i32
        %dma_start3A_130 = arith.constant 0 : i32
        %dma_start3A_131 = tpu.memref_slice %arg8[%dma_start3A_129, %dma_start3A_130] : memref<10240x64xf32, #tpu.memory_space<vmem_shared>> -> memref<10240x64xf32, #tpu.memory_space<vmem_shared>>
        tpu.enqueue_indirect_dma source(%arg9 : memref<128x64xf32, #tpu.memory_space<vmem>>) target(%dma_start3A_131 : memref<10240x64xf32, #tpu.memory_space<vmem_shared>>) offsets(%dma_start3A_128 : memref<128xi32, #tpu.memory_space<vmem>>) semaphore(%run_scoped3A_125 : memref<!tpu.dma_semaphore, #tpu.memory_space<semaphore_mem>>) {add = true}
        %dma_wait3A_132 = arith.constant 0 : i32
        %dma_wait3A_133 = tpu.memref_slice %arg7[%add3A_72, %dma_wait3A_132] : memref<158x128xi32, #tpu.memory_space<vmem>> -> memref<1x128xi32, #tpu.memory_space<vmem>>
        %dma_wait3A_134 = tpu.memref_squeeze %dma_wait3A_133 : memref<1x128xi32, #tpu.memory_space<vmem>> -> memref<128xi32, #tpu.memory_space<vmem>>
        %dma_wait3A_135 = arith.constant 0 : i32
        %dma_wait3A_136 = arith.constant 0 : i32
        %dma_wait3A_137 = tpu.memref_slice %arg8[%dma_wait3A_135, %dma_wait3A_136] : memref<10240x64xf32, #tpu.memory_space<vmem_shared>> -> memref<10240x64xf32, #tpu.memory_space<vmem_shared>>
        tpu.wait_indirect_dma semaphore(%run_scoped3A_125 : memref<!tpu.dma_semaphore, #tpu.memory_space<semaphore_mem>>) src(%arg9 : memref<128x64xf32, #tpu.memory_space<vmem>>) dst(%dma_wait3A_137 : memref<10240x64xf32, #tpu.memory_space<vmem_shared>>)
        tpu.yield
      }) : () -> ()
      %add3A_98 = arith.constant 1 : i32
      %add3A_99 = arith.addi %mul3A_71, %add3A_98 : i32
      %dma_wait3A_100 = arith.constant 0 : i32
      %dma_wait3A_101 = tpu.memref_slice %arg6[%add3A_99, %dma_wait3A_100] : memref<158x128xi32, #tpu.memory_space<vmem>> -> memref<1x128xi32, #tpu.memory_space<vmem>>
      %dma_wait3A_102 = tpu.memref_squeeze %dma_wait3A_101 : memref<1x128xi32, #tpu.memory_space<vmem>> -> memref<128xi32, #tpu.memory_space<vmem>>
      %dma_wait3A_103 = arith.constant 0 : i32
      %dma_wait3A_104 = arith.constant 0 : i32
      %dma_wait3A_105 = tpu.memref_slice %arg2[%arg0, %dma_wait3A_103, %dma_wait3A_104] : memref<2x10240x64xbf16, #tpu.memory_space<hbm>> -> memref<1x10240x64xbf16, #tpu.memory_space<hbm>>
      %dma_wait3A_106 = tpu.memref_squeeze %dma_wait3A_105 : memref<1x10240x64xbf16, #tpu.memory_space<hbm>> -> memref<10240x64xbf16, #tpu.memory_space<hbm>>
      %dma_wait3A_107 = arith.constant 0 : i32
      %dma_wait3A_108 = arith.constant 0 : i32
      %dma_wait3A_109 = tpu.memref_slice %dma_wait3A_106[%dma_wait3A_107, %dma_wait3A_108] : memref<10240x64xbf16, #tpu.memory_space<hbm>> -> memref<10240x64xbf16, #tpu.memory_space<hbm>>
      tpu.wait_indirect_dma semaphore(%arg13 : memref<!tpu.dma_semaphore, #tpu.memory_space<semaphore_mem>>) src(%dma_wait3A_109 : memref<10240x64xbf16, #tpu.memory_space<hbm>>) dst(%arg11 : memref<128x64xbf16, #tpu.memory_space<vmem>>)
      %parallel_loop3A_110 = arith.constant 0 : i32
      %parallel_loop3A_111 = arith.constant 128 : i32
      %parallel_loop3A_112 = arith.constant 1 : i32
      scf.for %parallel_loop3A_125 = %parallel_loop3A_110 to %parallel_loop3A_111 step %parallel_loop3A_112  : i32 {
        %parallel_loop3A_126 = arith.index_cast %parallel_loop3A_125 : i32 to index
        %parallel_loop3A_127 = arith.constant 0 : index
        %parallel_loop3A_128 = tpu.vector_load %arg11[%parallel_loop3A_126, %parallel_loop3A_127] {strides = array<i32>} : memref<128x64xbf16, #tpu.memory_space<vmem>>, vector<32xbf16>,
        %parallel_loop3A_129 = tpu.unpack_subelements %parallel_loop3A_128, 0 {pack_format = #tpu.pack_format<interleaved>} : vector<32xbf16> -> vector<16xf32>
        %parallel_loop3A_130 = tpu.unpack_subelements %parallel_loop3A_128, 1 {pack_format = #tpu.pack_format<interleaved>} : vector<32xbf16> -> vector<16xf32>
        %parallel_loop3A_131 = arith.index_cast %parallel_loop3A_125 : i32 to index
        %parallel_loop3A_132 = arith.constant 0 : index
        %parallel_loop3A_133 = tpu.vector_load %arg9[%parallel_loop3A_131, %parallel_loop3A_132] {strides = array<i32>} : memref<128x64xf32, #tpu.memory_space<vmem>>, vector<16xf32>,
        tpu.vector_store %arg9[%parallel_loop3A_131, %parallel_loop3A_132], %parallel_loop3A_129 {strides = array<i32>} : memref<128x64xf32, #tpu.memory_space<vmem>>, vector<16xf32>,
        %parallel_loop3A_134 = arith.index_cast %parallel_loop3A_125 : i32 to index
        %parallel_loop3A_135 = arith.constant 16 : index
        %parallel_loop3A_136 = tpu.vector_load %arg9[%parallel_loop3A_134, %parallel_loop3A_135] {strides = array<i32>} : memref<128x64xf32, #tpu.memory_space<vmem>>, vector<16xf32>,
        tpu.vector_store %arg9[%parallel_loop3A_134, %parallel_loop3A_135], %parallel_loop3A_130 {strides = array<i32>} : memref<128x64xf32, #tpu.memory_space<vmem>>, vector<16xf32>,
        %parallel_loop3A_137 = arith.index_cast %parallel_loop3A_125 : i32 to index
        %parallel_loop3A_138 = arith.constant 32 : index
        %parallel_loop3A_139 = tpu.vector_load %arg11[%parallel_loop3A_137, %parallel_loop3A_138] {strides = array<i32>} : memref<128x64xbf16, #tpu.memory_space<vmem>>, vector<32xbf16>,
        %parallel_loop3A_140 = tpu.unpack_subelements %parallel_loop3A_139, 0 {pack_format = #tpu.pack_format<interleaved>} : vector<32xbf16> -> vector<16xf32>
        %parallel_loop3A_141 = tpu.unpack_subelements %parallel_loop3A_139, 1 {pack_format = #tpu.pack_format<interleaved>} : vector<32xbf16> -> vector<16xf32>
        %parallel_loop3A_142 = arith.index_cast %parallel_loop3A_125 : i32 to index
        %parallel_loop3A_143 = arith.constant 32 : index
        %parallel_loop3A_144 = tpu.vector_load %arg9[%parallel_loop3A_142, %parallel_loop3A_143] {strides = array<i32>} : memref<128x64xf32, #tpu.memory_space<vmem>>, vector<16xf32>,
        tpu.vector_store %arg9[%parallel_loop3A_142, %parallel_loop3A_143], %parallel_loop3A_140 {strides = array<i32>} : memref<128x64xf32, #tpu.memory_space<vmem>>, vector<16xf32>,
        %parallel_loop3A_145 = arith.index_cast %parallel_loop3A_125 : i32 to index
        %parallel_loop3A_146 = arith.constant 48 : index
        %parallel_loop3A_147 = tpu.vector_load %arg9[%parallel_loop3A_145, %parallel_loop3A_146] {strides = array<i32>} : memref<128x64xf32, #tpu.memory_space<vmem>>, vector<16xf32>,
        tpu.vector_store %arg9[%parallel_loop3A_145, %parallel_loop3A_146], %parallel_loop3A_141 {strides = array<i32>} : memref<128x64xf32, #tpu.memory_space<vmem>>, vector<16xf32>,
      } {sc.loop_unroll_factor = 8 : i64, sc.parallel_access}
      %add3A_113 = arith.constant 2 : i32
      %add3A_114 = arith.addi %add3A_99, %add3A_113 : i32
      %dma_start3A_115 = arith.constant 0 : i32
      %dma_start3A_116 = tpu.memref_slice %arg6[%add3A_114, %dma_start3A_115] : memref<158x128xi32, #tpu.memory_space<vmem>> -> memref<1x128xi32, #tpu.memory_space<vmem>>
      %dma_start3A_117 = tpu.memref_squeeze %dma_start3A_116 : memref<1x128xi32, #tpu.memory_space<vmem>> -> memref<128xi32, #tpu.memory_space<vmem>>
      %dma_start3A_118 = arith.constant 0 : i32
      %dma_start3A_119 = arith.constant 0 : i32
      %dma_start3A_120 = tpu.memref_slice %arg2[%arg0, %dma_start3A_118, %dma_start3A_119] : memref<2x10240x64xbf16, #tpu.memory_space<hbm>> -> memref<1x10240x64xbf16, #tpu.memory_space<hbm>>
      %dma_start3A_121 = tpu.memref_squeeze %dma_start3A_120 : memref<1x10240x64xbf16, #tpu.memory_space<hbm>> -> memref<10240x64xbf16, #tpu.memory_space<hbm>>
      %dma_start3A_122 = arith.constant 0 : i32
      %dma_start3A_123 = arith.constant 0 : i32
      %dma_start3A_124 = tpu.memref_slice %dma_start3A_121[%dma_start3A_122, %dma_start3A_123] : memref<10240x64xbf16, #tpu.memory_space<hbm>> -> memref<10240x64xbf16, #tpu.memory_space<hbm>>
      tpu.enqueue_indirect_dma source(%dma_start3A_124 : memref<10240x64xbf16, #tpu.memory_space<hbm>>) target(%arg11 : memref<128x64xbf16, #tpu.memory_space<vmem>>) offsets(%dma_start3A_117 : memref<128xi32, #tpu.memory_space<vmem>>) semaphore(%arg13 : memref<!tpu.dma_semaphore, #tpu.memory_space<semaphore_mem>>)
      "tpu.region"() ({
        %run_scoped3A_125 = tpu.sem_alloc : memref<!tpu.dma_semaphore, #tpu.memory_space<semaphore_mem>>
        %dma_start3A_126 = arith.constant 0 : i32
        %dma_start3A_127 = tpu.memref_slice %arg7[%add3A_99, %dma_start3A_126] : memref<158x128xi32, #tpu.memory_space<vmem>> -> memref<1x128xi32, #tpu.memory_space<vmem>>
        %dma_start3A_128 = tpu.memref_squeeze %dma_start3A_127 : memref<1x128xi32, #tpu.memory_space<vmem>> -> memref<128xi32, #tpu.memory_space<vmem>>
        %dma_start3A_129 = arith.constant 0 : i32
        %dma_start3A_130 = arith.constant 0 : i32
        %dma_start3A_131 = tpu.memref_slice %arg8[%dma_start3A_129, %dma_start3A_130] : memref<10240x64xf32, #tpu.memory_space<vmem_shared>> -> memref<10240x64xf32, #tpu.memory_space<vmem_shared>>
        tpu.enqueue_indirect_dma source(%arg9 : memref<128x64xf32, #tpu.memory_space<vmem>>) target(%dma_start3A_131 : memref<10240x64xf32, #tpu.memory_space<vmem_shared>>) offsets(%dma_start3A_128 : memref<128xi32, #tpu.memory_space<vmem>>) semaphore(%run_scoped3A_125 : memref<!tpu.dma_semaphore, #tpu.memory_space<semaphore_mem>>) {add = true}
        %dma_wait3A_132 = arith.constant 0 : i32
        %dma_wait3A_133 = tpu.memref_slice %arg7[%add3A_99, %dma_wait3A_132] : memref<158x128xi32, #tpu.memory_space<vmem>> -> memref<1x128xi32, #tpu.memory_space<vmem>>
        %dma_wait3A_134 = tpu.memref_squeeze %dma_wait3A_133 : memref<1x128xi32, #tpu.memory_space<vmem>> -> memref<128xi32, #tpu.memory_space<vmem>>
        %dma_wait3A_135 = arith.constant 0 : i32
        %dma_wait3A_136 = arith.constant 0 : i32
        %dma_wait3A_137 = tpu.memref_slice %arg8[%dma_wait3A_135, %dma_wait3A_136] : memref<10240x64xf32, #tpu.memory_space<vmem_shared>> -> memref<10240x64xf32, #tpu.memory_space<vmem_shared>>
        tpu.wait_indirect_dma semaphore(%run_scoped3A_125 : memref<!tpu.dma_semaphore, #tpu.memory_space<semaphore_mem>>) src(%arg9 : memref<128x64xf32, #tpu.memory_space<vmem>>) dst(%dma_wait3A_137 : memref<10240x64xf32, #tpu.memory_space<vmem_shared>>)
        tpu.yield
      }) : () -> ()
    }
    %scan3A_37 = arith.constant 78 : i32
    %dma_wait3A = arith.constant 156 : i32
    %dma_wait3A_38 = arith.constant 0 : i32
    %dma_wait3A_39 = tpu.memref_slice %arg6[%dma_wait3A, %dma_wait3A_38] : memref<158x128xi32, #tpu.memory_space<vmem>> -> memref<1x128xi32, #tpu.memory_space<vmem>>
    %dma_wait3A_40 = tpu.memref_squeeze %dma_wait3A_39 : memref<1x128xi32, #tpu.memory_space<vmem>> -> memref<128xi32, #tpu.memory_space<vmem>>
    %dma_wait3A_41 = arith.constant 0 : i32
    %dma_wait3A_42 = arith.constant 0 : i32
    %dma_wait3A_43 = tpu.memref_slice %arg2[%arg0, %dma_wait3A_41, %dma_wait3A_42] : memref<2x10240x64xbf16, #tpu.memory_space<hbm>> -> memref<1x10240x64xbf16, #tpu.memory_space<hbm>>
    %dma_wait3A_44 = tpu.memref_squeeze %dma_wait3A_43 : memref<1x10240x64xbf16, #tpu.memory_space<hbm>> -> memref<10240x64xbf16, #tpu.memory_space<hbm>>
    %dma_wait3A_45 = arith.constant 0 : i32
    %dma_wait3A_46 = arith.constant 0 : i32
    %dma_wait3A_47 = tpu.memref_slice %dma_wait3A_44[%dma_wait3A_45, %dma_wait3A_46] : memref<10240x64xbf16, #tpu.memory_space<hbm>> -> memref<10240x64xbf16, #tpu.memory_space<hbm>>
    tpu.wait_indirect_dma semaphore(%arg12 : memref<!tpu.dma_semaphore, #tpu.memory_space<semaphore_mem>>) src(%dma_wait3A_47 : memref<10240x64xbf16, #tpu.memory_space<hbm>>) dst(%arg10 : memref<128x64xbf16, #tpu.memory_space<vmem>>)
    %parallel_loop3A = arith.constant 0 : i32
    %parallel_loop3A_48 = arith.constant 128 : i32
    %parallel_loop3A_49 = arith.constant 1 : i32
    scf.for %parallel_loop3A_69 = %parallel_loop3A to %parallel_loop3A_48 step %parallel_loop3A_49  : i32 {
      %parallel_loop3A_70 = arith.index_cast %parallel_loop3A_69 : i32 to index
      %parallel_loop3A_71 = arith.constant 0 : index
      %parallel_loop3A_72 = tpu.vector_load %arg10[%parallel_loop3A_70, %parallel_loop3A_71] {strides = array<i32>} : memref<128x64xbf16, #tpu.memory_space<vmem>>, vector<32xbf16>,
      %parallel_loop3A_73 = tpu.unpack_subelements %parallel_loop3A_72, 0 {pack_format = #tpu.pack_format<interleaved>} : vector<32xbf16> -> vector<16xf32>
      %parallel_loop3A_74 = tpu.unpack_subelements %parallel_loop3A_72, 1 {pack_format = #tpu.pack_format<interleaved>} : vector<32xbf16> -> vector<16xf32>
      %parallel_loop3A_75 = arith.index_cast %parallel_loop3A_69 : i32 to index
      %parallel_loop3A_76 = arith.constant 0 : index
      %parallel_loop3A_77 = tpu.vector_load %arg9[%parallel_loop3A_75, %parallel_loop3A_76] {strides = array<i32>} : memref<128x64xf32, #tpu.memory_space<vmem>>, vector<16xf32>,
      tpu.vector_store %arg9[%parallel_loop3A_75, %parallel_loop3A_76], %parallel_loop3A_73 {strides = array<i32>} : memref<128x64xf32, #tpu.memory_space<vmem>>, vector<16xf32>,
      %parallel_loop3A_78 = arith.index_cast %parallel_loop3A_69 : i32 to index
      %parallel_loop3A_79 = arith.constant 16 : index
      %parallel_loop3A_80 = tpu.vector_load %arg9[%parallel_loop3A_78, %parallel_loop3A_79] {strides = array<i32>} : memref<128x64xf32, #tpu.memory_space<vmem>>, vector<16xf32>,
      tpu.vector_store %arg9[%parallel_loop3A_78, %parallel_loop3A_79], %parallel_loop3A_74 {strides = array<i32>} : memref<128x64xf32, #tpu.memory_space<vmem>>, vector<16xf32>,
      %parallel_loop3A_81 = arith.index_cast %parallel_loop3A_69 : i32 to index
      %parallel_loop3A_82 = arith.constant 32 : index
      %parallel_loop3A_83 = tpu.vector_load %arg10[%parallel_loop3A_81, %parallel_loop3A_82] {strides = array<i32>} : memref<128x64xbf16, #tpu.memory_space<vmem>>, vector<32xbf16>,
      %parallel_loop3A_84 = tpu.unpack_subelements %parallel_loop3A_83, 0 {pack_format = #tpu.pack_format<interleaved>} : vector<32xbf16> -> vector<16xf32>
      %parallel_loop3A_85 = tpu.unpack_subelements %parallel_loop3A_83, 1 {pack_format = #tpu.pack_format<interleaved>} : vector<32xbf16> -> vector<16xf32>
      %parallel_loop3A_86 = arith.index_cast %parallel_loop3A_69 : i32 to index
      %parallel_loop3A_87 = arith.constant 32 : index
      %parallel_loop3A_88 = tpu.vector_load %arg9[%parallel_loop3A_86, %parallel_loop3A_87] {strides = array<i32>} : memref<128x64xf32, #tpu.memory_space<vmem>>, vector<16xf32>,
      tpu.vector_store %arg9[%parallel_loop3A_86, %parallel_loop3A_87], %parallel_loop3A_84 {strides = array<i32>} : memref<128x64xf32, #tpu.memory_space<vmem>>, vector<16xf32>,
      %parallel_loop3A_89 = arith.index_cast %parallel_loop3A_69 : i32 to index
      %parallel_loop3A_90 = arith.constant 48 : index
      %parallel_loop3A_91 = tpu.vector_load %arg9[%parallel_loop3A_89, %parallel_loop3A_90] {strides = array<i32>} : memref<128x64xf32, #tpu.memory_space<vmem>>, vector<16xf32>,
      tpu.vector_store %arg9[%parallel_loop3A_89, %parallel_loop3A_90], %parallel_loop3A_85 {strides = array<i32>} : memref<128x64xf32, #tpu.memory_space<vmem>>, vector<16xf32>,
    } {sc.loop_unroll_factor = 8 : i64, sc.parallel_access}
    %run_scoped3A = arith.constant 156 : i32
    "tpu.region"() ({
      %run_scoped3A_69 = tpu.sem_alloc : memref<!tpu.dma_semaphore, #tpu.memory_space<semaphore_mem>>
      %dma_start3A_70 = arith.constant 0 : i32
      %dma_start3A_71 = tpu.memref_slice %arg7[%run_scoped3A, %dma_start3A_70] : memref<158x128xi32, #tpu.memory_space<vmem>> -> memref<1x128xi32, #tpu.memory_space<vmem>>
      %dma_start3A_72 = tpu.memref_squeeze %dma_start3A_71 : memref<1x128xi32, #tpu.memory_space<vmem>> -> memref<128xi32, #tpu.memory_space<vmem>>
      %dma_start3A_73 = arith.constant 0 : i32
      %dma_start3A_74 = arith.constant 0 : i32
      %dma_start3A_75 = tpu.memref_slice %arg8[%dma_start3A_73, %dma_start3A_74] : memref<10240x64xf32, #tpu.memory_space<vmem_shared>> -> memref<10240x64xf32, #tpu.memory_space<vmem_shared>>
      tpu.enqueue_indirect_dma source(%arg9 : memref<128x64xf32, #tpu.memory_space<vmem>>) target(%dma_start3A_75 : memref<10240x64xf32, #tpu.memory_space<vmem_shared>>) offsets(%dma_start3A_72 : memref<128xi32, #tpu.memory_space<vmem>>) semaphore(%run_scoped3A_69 : memref<!tpu.dma_semaphore, #tpu.memory_space<semaphore_mem>>) {add = true}
      %dma_wait3A_76 = arith.constant 0 : i32
      %dma_wait3A_77 = tpu.memref_slice %arg7[%run_scoped3A, %dma_wait3A_76] : memref<158x128xi32, #tpu.memory_space<vmem>> -> memref<1x128xi32, #tpu.memory_space<vmem>>
      %dma_wait3A_78 = tpu.memref_squeeze %dma_wait3A_77 : memref<1x128xi32, #tpu.memory_space<vmem>> -> memref<128xi32, #tpu.memory_space<vmem>>
      %dma_wait3A_79 = arith.constant 0 : i32
      %dma_wait3A_80 = arith.constant 0 : i32
      %dma_wait3A_81 = tpu.memref_slice %arg8[%dma_wait3A_79, %dma_wait3A_80] : memref<10240x64xf32, #tpu.memory_space<vmem_shared>> -> memref<10240x64xf32, #tpu.memory_space<vmem_shared>>
      tpu.wait_indirect_dma semaphore(%run_scoped3A_69 : memref<!tpu.dma_semaphore, #tpu.memory_space<semaphore_mem>>) src(%arg9 : memref<128x64xf32, #tpu.memory_space<vmem>>) dst(%dma_wait3A_81 : memref<10240x64xf32, #tpu.memory_space<vmem_shared>>)
      tpu.yield
    }) : () -> ()
    %dma_wait3A_50 = arith.constant 157 : i32
    %dma_wait3A_51 = arith.constant 0 : i32
    %dma_wait3A_52 = tpu.memref_slice %arg6[%dma_wait3A_50, %dma_wait3A_51] : memref<158x128xi32, #tpu.memory_space<vmem>> -> memref<1x128xi32, #tpu.memory_space<vmem>>
    %dma_wait3A_53 = tpu.memref_squeeze %dma_wait3A_52 : memref<1x128xi32, #tpu.memory_space<vmem>> -> memref<128xi32, #tpu.memory_space<vmem>>
    %dma_wait3A_54 = arith.constant 0 : i32
    %dma_wait3A_55 = arith.constant 0 : i32
    %dma_wait3A_56 = tpu.memref_slice %arg2[%arg0, %dma_wait3A_54, %dma_wait3A_55] : memref<2x10240x64xbf16, #tpu.memory_space<hbm>> -> memref<1x10240x64xbf16, #tpu.memory_space<hbm>>
    %dma_wait3A_57 = tpu.memref_squeeze %dma_wait3A_56 : memref<1x10240x64xbf16, #tpu.memory_space<hbm>> -> memref<10240x64xbf16, #tpu.memory_space<hbm>>
    %dma_wait3A_58 = arith.constant 0 : i32
    %dma_wait3A_59 = arith.constant 0 : i32
    %dma_wait3A_60 = tpu.memref_slice %dma_wait3A_57[%dma_wait3A_58, %dma_wait3A_59] : memref<10240x64xbf16, #tpu.memory_space<hbm>> -> memref<10240x64xbf16, #tpu.memory_space<hbm>>
    tpu.wait_indirect_dma semaphore(%arg13 : memref<!tpu.dma_semaphore, #tpu.memory_space<semaphore_mem>>) src(%dma_wait3A_60 : memref<10240x64xbf16, #tpu.memory_space<hbm>>) dst(%arg11 : memref<128x64xbf16, #tpu.memory_space<vmem>>)
    %parallel_loop3A_61 = arith.constant 0 : i32
    %parallel_loop3A_62 = arith.constant 128 : i32
    %parallel_loop3A_63 = arith.constant 1 : i32
    scf.for %parallel_loop3A_69 = %parallel_loop3A_61 to %parallel_loop3A_62 step %parallel_loop3A_63  : i32 {
      %parallel_loop3A_70 = arith.index_cast %parallel_loop3A_69 : i32 to index
      %parallel_loop3A_71 = arith.constant 0 : index
      %parallel_loop3A_72 = tpu.vector_load %arg11[%parallel_loop3A_70, %parallel_loop3A_71] {strides = array<i32>} : memref<128x64xbf16, #tpu.memory_space<vmem>>, vector<32xbf16>,
      %parallel_loop3A_73 = tpu.unpack_subelements %parallel_loop3A_72, 0 {pack_format = #tpu.pack_format<interleaved>} : vector<32xbf16> -> vector<16xf32>
      %parallel_loop3A_74 = tpu.unpack_subelements %parallel_loop3A_72, 1 {pack_format = #tpu.pack_format<interleaved>} : vector<32xbf16> -> vector<16xf32>
      %parallel_loop3A_75 = arith.index_cast %parallel_loop3A_69 : i32 to index
      %parallel_loop3A_76 = arith.constant 0 : index
      %parallel_loop3A_77 = tpu.vector_load %arg9[%parallel_loop3A_75, %parallel_loop3A_76] {strides = array<i32>} : memref<128x64xf32, #tpu.memory_space<vmem>>, vector<16xf32>,
      tpu.vector_store %arg9[%parallel_loop3A_75, %parallel_loop3A_76], %parallel_loop3A_73 {strides = array<i32>} : memref<128x64xf32, #tpu.memory_space<vmem>>, vector<16xf32>,
      %parallel_loop3A_78 = arith.index_cast %parallel_loop3A_69 : i32 to index
      %parallel_loop3A_79 = arith.constant 16 : index
      %parallel_loop3A_80 = tpu.vector_load %arg9[%parallel_loop3A_78, %parallel_loop3A_79] {strides = array<i32>} : memref<128x64xf32, #tpu.memory_space<vmem>>, vector<16xf32>,
      tpu.vector_store %arg9[%parallel_loop3A_78, %parallel_loop3A_79], %parallel_loop3A_74 {strides = array<i32>} : memref<128x64xf32, #tpu.memory_space<vmem>>, vector<16xf32>,
      %parallel_loop3A_81 = arith.index_cast %parallel_loop3A_69 : i32 to index
      %parallel_loop3A_82 = arith.constant 32 : index
      %parallel_loop3A_83 = tpu.vector_load %arg11[%parallel_loop3A_81, %parallel_loop3A_82] {strides = array<i32>} : memref<128x64xbf16, #tpu.memory_space<vmem>>, vector<32xbf16>,
      %parallel_loop3A_84 = tpu.unpack_subelements %parallel_loop3A_83, 0 {pack_format = #tpu.pack_format<interleaved>} : vector<32xbf16> -> vector<16xf32>
      %parallel_loop3A_85 = tpu.unpack_subelements %parallel_loop3A_83, 1 {pack_format = #tpu.pack_format<interleaved>} : vector<32xbf16> -> vector<16xf32>
      %parallel_loop3A_86 = arith.index_cast %parallel_loop3A_69 : i32 to index
      %parallel_loop3A_87 = arith.constant 32 : index
      %parallel_loop3A_88 = tpu.vector_load %arg9[%parallel_loop3A_86, %parallel_loop3A_87] {strides = array<i32>} : memref<128x64xf32, #tpu.memory_space<vmem>>, vector<16xf32>,
      tpu.vector_store %arg9[%parallel_loop3A_86, %parallel_loop3A_87], %parallel_loop3A_84 {strides = array<i32>} : memref<128x64xf32, #tpu.memory_space<vmem>>, vector<16xf32>,
      %parallel_loop3A_89 = arith.index_cast %parallel_loop3A_69 : i32 to index
      %parallel_loop3A_90 = arith.constant 48 : index
      %parallel_loop3A_91 = tpu.vector_load %arg9[%parallel_loop3A_89, %parallel_loop3A_90] {strides = array<i32>} : memref<128x64xf32, #tpu.memory_space<vmem>>, vector<16xf32>,
      tpu.vector_store %arg9[%parallel_loop3A_89, %parallel_loop3A_90], %parallel_loop3A_85 {strides = array<i32>} : memref<128x64xf32, #tpu.memory_space<vmem>>, vector<16xf32>,
    } {sc.loop_unroll_factor = 8 : i64, sc.parallel_access}
    %run_scoped3A_64 = arith.constant 157 : i32
    "tpu.region"() ({
      %run_scoped3A_69 = tpu.sem_alloc : memref<!tpu.dma_semaphore, #tpu.memory_space<semaphore_mem>>
      %dma_start3A_70 = arith.constant 0 : i32
      %dma_start3A_71 = tpu.memref_slice %arg7[%run_scoped3A_64, %dma_start3A_70] : memref<158x128xi32, #tpu.memory_space<vmem>> -> memref<1x128xi32, #tpu.memory_space<vmem>>
      %dma_start3A_72 = tpu.memref_squeeze %dma_start3A_71 : memref<1x128xi32, #tpu.memory_space<vmem>> -> memref<128xi32, #tpu.memory_space<vmem>>
      %dma_start3A_73 = arith.constant 0 : i32
      %dma_start3A_74 = arith.constant 0 : i32
      %dma_start3A_75 = tpu.memref_slice %arg8[%dma_start3A_73, %dma_start3A_74] : memref<10240x64xf32, #tpu.memory_space<vmem_shared>> -> memref<10240x64xf32, #tpu.memory_space<vmem_shared>>
      tpu.enqueue_indirect_dma source(%arg9 : memref<128x64xf32, #tpu.memory_space<vmem>>) target(%dma_start3A_75 : memref<10240x64xf32, #tpu.memory_space<vmem_shared>>) offsets(%dma_start3A_72 : memref<128xi32, #tpu.memory_space<vmem>>) semaphore(%run_scoped3A_69 : memref<!tpu.dma_semaphore, #tpu.memory_space<semaphore_mem>>) {add = true}
      %dma_wait3A_76 = arith.constant 0 : i32
      %dma_wait3A_77 = tpu.memref_slice %arg7[%run_scoped3A_64, %dma_wait3A_76] : memref<158x128xi32, #tpu.memory_space<vmem>> -> memref<1x128xi32, #tpu.memory_space<vmem>>
      %dma_wait3A_78 = tpu.memref_squeeze %dma_wait3A_77 : memref<1x128xi32, #tpu.memory_space<vmem>> -> memref<128xi32, #tpu.memory_space<vmem>>
      %dma_wait3A_79 = arith.constant 0 : i32
      %dma_wait3A_80 = arith.constant 0 : i32
      %dma_wait3A_81 = tpu.memref_slice %arg8[%dma_wait3A_79, %dma_wait3A_80] : memref<10240x64xf32, #tpu.memory_space<vmem_shared>> -> memref<10240x64xf32, #tpu.memory_space<vmem_shared>>
      tpu.wait_indirect_dma semaphore(%run_scoped3A_69 : memref<!tpu.dma_semaphore, #tpu.memory_space<semaphore_mem>>) src(%arg9 : memref<128x64xf32, #tpu.memory_space<vmem>>) dst(%dma_wait3A_81 : memref<10240x64xf32, #tpu.memory_space<vmem_shared>>)
      tpu.yield
    }) : () -> ()
    %barrier3A_65 = arith.constant 0 : index
    tpu.barrier barrier_id(%barrier3A_65)
    %mul3A = arith.constant 640 : i32
    %mul3A_66 = arith.muli %arg1, %mul3A : i32
    %mul3A_67 = arith.constant 640 : i32
    %mul3A_68 = arith.muli %arg1, %mul3A_67 : i32
    "tpu.region"() ({
      %run_scoped3A_69 = tpu.sem_alloc : memref<!tpu.dma_semaphore, #tpu.memory_space<semaphore_mem>>
      %dma_start3A_70 = arith.constant 0 : i32
      %dma_start3A_71 = tpu.memref_slice %arg5[%arg0, %mul3A_68, %dma_start3A_70] : memref<2x10240x64xf32, #tpu.memory_space<hbm>> -> memref<1x640x64xf32, #tpu.memory_space<hbm>>
      %dma_start3A_72 = tpu.memref_squeeze %dma_start3A_71 : memref<1x640x64xf32, #tpu.memory_space<hbm>> -> memref<640x64xf32, #tpu.memory_space<hbm>>
      %dma_start3A_73 = arith.constant 0 : i32
      %dma_start3A_74 = tpu.memref_slice %arg8[%mul3A_66, %dma_start3A_73] : memref<10240x64xf32, #tpu.memory_space<vmem_shared>> -> memref<640x64xf32, #tpu.memory_space<vmem_shared>>
      tpu.enqueue_dma source(%dma_start3A_74 : memref<640x64xf32, #tpu.memory_space<vmem_shared>>) target(%dma_start3A_72 : memref<640x64xf32, #tpu.memory_space<hbm>>) target_semaphore(%run_scoped3A_69 : memref<!tpu.dma_semaphore, #tpu.memory_space<semaphore_mem>>)
      %dma_wait3A_75 = arith.constant 0 : i32
      %dma_wait3A_76 = tpu.memref_slice %arg5[%arg0, %mul3A_68, %dma_wait3A_75] : memref<2x10240x64xf32, #tpu.memory_space<hbm>> -> memref<1x640x64xf32, #tpu.memory_space<hbm>>
      %dma_wait3A_77 = tpu.memref_squeeze %dma_wait3A_76 : memref<1x640x64xf32, #tpu.memory_space<hbm>> -> memref<640x64xf32, #tpu.memory_space<hbm>>
      %dma_wait3A_78 = arith.constant 0 : i32
      %dma_wait3A_79 = tpu.memref_slice %arg8[%mul3A_66, %dma_wait3A_78] : memref<10240x64xf32, #tpu.memory_space<vmem_shared>> -> memref<640x64xf32, #tpu.memory_space<vmem_shared>>
      tpu.wait_dma2 semaphore(%run_scoped3A_69 : memref<!tpu.dma_semaphore, #tpu.memory_space<semaphore_mem>>) src(%dma_wait3A_79 : memref<640x64xf32, #tpu.memory_space<vmem_shared>>) dst(%dma_wait3A_77 : memref<640x64xf32, #tpu.memory_space<hbm>>)
      tpu.yield
    }) : () -> ()
    return
  }
}

module attributes {stable_mosaic.version = 14 : i64} {
  func.func @_scale_body(%arg0: i32, %arg1: memref<1024x128xf32, #tpu.memory_space<vmem>>, %arg2: memref<128x128xf32, #tpu.memory_space<vmem>>, %arg3: memref<1024x1xf32, #tpu.memory_space<vmem>>, %arg4: memref<2x1024x64xbf16, #tpu.memory_space<vmem>>) attributes {dimension_semantics = [#tpu.dimension_semantics<arbitrary>], iteration_bounds = array<i64: 10>, scalar_prefetch = 0 : i64, scratch_operands = 0 : i64, tpu.core_type = #tpu.core_type<tc>, window_params = [{transform_indices = @transform_0, window_bounds = array<i64: 1024, 128>}, {pipeline_mode = #tpu.pipeline_mode<synchronous>, transform_indices = @transform_1, window_bounds = array<i64: 128, 128>}, {transform_indices = @transform_2, window_bounds = array<i64: 1024, 1>}, {transform_indices = @transform_3, window_bounds = array<i64: 2, 1024, 64>}]} {
    %get3A = arith.constant 0 : index
    %get3A_0 = arith.constant 0 : index
    %get3A_1 = vector.load %arg3[%get3A, %get3A_0] : memref<1024x1xf32, #tpu.memory_space<vmem>>, vector<1024x1xf32>
    %gt3A = arith.constant 0.000000e+00 : f32
    %gt3A_2 = vector.broadcast %gt3A : f32 to vector<1024x1xf32>
    %gt3A_3 = arith.cmpf ogt, %get3A_1, %gt3A_2 : vector<1024x1xf32>
    %jit3A = arith.constant 1.000000e+00 : f32
    %broadcast_in_dim3A = vector.broadcast %jit3A : f32 to vector<1024x1xf32>
    %select_n3A = arith.select %gt3A_3, %get3A_1, %broadcast_in_dim3A : vector<1024x1xi1>, vector<1024x1xf32>
    %gt3A_4 = arith.constant 0.000000e+00 : f32
    %gt3A_5 = vector.broadcast %gt3A_4 : f32 to vector<1024x1xf32>
    %gt3A_6 = arith.cmpf ogt, %get3A_1, %gt3A_5 : vector<1024x1xf32>
    %rsqrt3A = math.rsqrt %select_n3A : vector<1024x1xf32>
    %jit3A_7 = arith.constant 0.000000e+00 : f32
    %broadcast_in_dim3A_8 = vector.broadcast %jit3A_7 : f32 to vector<1024x1xf32>
    %select_n3A_9 = arith.select %gt3A_6, %rsqrt3A, %broadcast_in_dim3A_8 : vector<1024x1xi1>, vector<1024x1xf32>
    %get3A_10 = arith.constant 0 : index
    %get3A_11 = arith.constant 0 : index
    %get3A_12 = vector.load %arg1[%get3A_10, %get3A_11] : memref<1024x128xf32, #tpu.memory_space<vmem>>, vector<1024x128xf32>
    %get3A_13 = arith.constant 0 : index
    %get3A_14 = arith.constant 0 : index
    %get3A_15 = vector.load %arg2[%get3A_13, %get3A_14] : memref<128x128xf32, #tpu.memory_space<vmem>>, vector<128x128xf32>
    %dot_general3A = arith.constant dense<0.000000e+00> : vector<1024x128xf32>
    %dot_general3A_16 = tpu.matmul %get3A_12, %get3A_15, %dot_general3A {dimension_numbers = #tpu.dot_dimension_numbers<[1], [0], [0], [1], [0, 0, 1, 1], [], []>, transpose_lhs_hint = false} : vector<1024x128xf32>, vector<128x128xf32>, vector<1024x128xf32> -> vector<1024x128xf32>
    %mul3A = vector.broadcast %select_n3A_9 : vector<1024x1xf32> to vector<1024x128xf32>
    %mul3A_17 = arith.mulf %dot_general3A_16, %mul3A : vector<1024x128xf32>
    %convert_element_type3A = arith.truncf %mul3A_17 : vector<1024x128xf32> to vector<1024x128xbf16>
    %slice3A = vector.extract_strided_slice %convert_element_type3A {offsets = [0, 0], sizes = [1024, 64], strides = [1, 1]} : vector<1024x128xbf16> to vector<1024x64xbf16>
    %swap3A = arith.constant 0 : index
    %swap3A_18 = arith.constant 0 : index
    %swap3A_19 = arith.constant 0 : index
    %swap3A_20 = vector.load %arg4[%swap3A, %swap3A_18, %swap3A_19] : memref<2x1024x64xbf16, #tpu.memory_space<vmem>>, vector<1x1024x64xbf16>
    %swap3A_21 = vector.shape_cast %swap3A_20 : vector<1x1024x64xbf16> to vector<1024x64xbf16>
    %swap3A_22 = vector.shape_cast %slice3A : vector<1024x64xbf16> to vector<1x1024x64xbf16>
    tpu.vector_store %arg4[%swap3A, %swap3A_18, %swap3A_19], %swap3A_22 {strides = array<i32>} : memref<2x1024x64xbf16, #tpu.memory_space<vmem>>, vector<1x1024x64xbf16>,
    %slice3A_23 = vector.extract_strided_slice %convert_element_type3A {offsets = [0, 64], sizes = [1024, 64], strides = [1, 1]} : vector<1024x128xbf16> to vector<1024x64xbf16>
    %swap3A_24 = arith.constant 1 : index
    %swap3A_25 = arith.constant 0 : index
    %swap3A_26 = arith.constant 0 : index
    %swap3A_27 = vector.load %arg4[%swap3A_24, %swap3A_25, %swap3A_26] : memref<2x1024x64xbf16, #tpu.memory_space<vmem>>, vector<1x1024x64xbf16>
    %swap3A_28 = vector.shape_cast %swap3A_27 : vector<1x1024x64xbf16> to vector<1024x64xbf16>
    %swap3A_29 = vector.shape_cast %slice3A_23 : vector<1024x64xbf16> to vector<1x1024x64xbf16>
    tpu.vector_store %arg4[%swap3A_24, %swap3A_25, %swap3A_26], %swap3A_29 {strides = array<i32>} : memref<2x1024x64xbf16, #tpu.memory_space<vmem>>, vector<1x1024x64xbf16>,
    return
  }
  func.func @transform_0(%arg0: i32) -> (i32, i32) {
    %c0_i32 = arith.constant 0 : i32
    %c0_i32_0 = arith.constant 0 : i32
    return %arg0, %c0_i32 : i32, i32
  }
  func.func @transform_1(%arg0: i32) -> (i32, i32) {
    %c0_i32 = arith.constant 0 : i32
    %c0_i32_0 = arith.constant 0 : i32
    %c0_i32_1 = arith.constant 0 : i32
    return %c0_i32, %c0_i32_0 : i32, i32
  }
  func.func @transform_2(%arg0: i32) -> (i32, i32) {
    %c0_i32 = arith.constant 0 : i32
    %c0_i32_0 = arith.constant 0 : i32
    return %arg0, %c0_i32 : i32, i32
  }
  func.func @transform_3(%arg0: i32) -> (i32, i32, i32) {
    %c0_i32 = arith.constant 0 : i32
    %c0_i32_0 = arith.constant 0 : i32
    %c0_i32_1 = arith.constant 0 : i32
    return %c0_i32, %arg0, %c0_i32_0 : i32, i32, i32
  }
}

module attributes {stable_mosaic.version = 14 : i64} {
  func.func @_mid_body(%arg0: i32, %arg1: memref<2x1024x64xf32, #tpu.memory_space<vmem>>, %arg2: memref<1024x1xf32, #tpu.memory_space<vmem>>, %arg3: memref<1x128xf32, #tpu.memory_space<vmem>>, %arg4: memref<128x128xf32, #tpu.memory_space<vmem>>, %arg5: memref<2x1024x64xbf16, #tpu.memory_space<vmem>>) attributes {dimension_semantics = [#tpu.dimension_semantics<arbitrary>], iteration_bounds = array<i64: 10>, scalar_prefetch = 0 : i64, scratch_operands = 0 : i64, tpu.core_type = #tpu.core_type<tc>, window_params = [{transform_indices = @transform_0, window_bounds = array<i64: 2, 1024, 64>}, {transform_indices = @transform_1, window_bounds = array<i64: 1024, 1>}, {pipeline_mode = #tpu.pipeline_mode<synchronous>, transform_indices = @transform_2, window_bounds = array<i64: 1, 128>}, {pipeline_mode = #tpu.pipeline_mode<synchronous>, transform_indices = @transform_3, window_bounds = array<i64: 128, 128>}, {transform_indices = @transform_4, window_bounds = array<i64: 2, 1024, 64>}]} {
    %get3A = arith.constant 0 : index
    %get3A_0 = arith.constant 0 : index
    %get3A_1 = vector.load %arg2[%get3A, %get3A_0] : memref<1024x1xf32, #tpu.memory_space<vmem>>, vector<1024x1xf32>
    %gt3A = arith.constant 0.000000e+00 : f32
    %gt3A_2 = vector.broadcast %gt3A : f32 to vector<1024x1xf32>
    %gt3A_3 = arith.cmpf ogt, %get3A_1, %gt3A_2 : vector<1024x1xf32>
    %jit3A = arith.constant 1.000000e+00 : f32
    %broadcast_in_dim3A = vector.broadcast %jit3A : f32 to vector<1024x1xf32>
    %select_n3A = arith.select %gt3A_3, %get3A_1, %broadcast_in_dim3A : vector<1024x1xi1>, vector<1024x1xf32>
    %gt3A_4 = arith.constant 0.000000e+00 : f32
    %gt3A_5 = vector.broadcast %gt3A_4 : f32 to vector<1024x1xf32>
    %gt3A_6 = arith.cmpf ogt, %get3A_1, %gt3A_5 : vector<1024x1xf32>
    %rsqrt3A = math.rsqrt %select_n3A : vector<1024x1xf32>
    %jit3A_7 = arith.constant 0.000000e+00 : f32
    %broadcast_in_dim3A_8 = vector.broadcast %jit3A_7 : f32 to vector<1024x1xf32>
    %select_n3A_9 = arith.select %gt3A_6, %rsqrt3A, %broadcast_in_dim3A_8 : vector<1024x1xi1>, vector<1024x1xf32>
    %get3A_10 = arith.constant 0 : index
    %get3A_11 = arith.constant 0 : index
    %get3A_12 = arith.constant 0 : index
    %get3A_13 = vector.load %arg1[%get3A_10, %get3A_11, %get3A_12] : memref<2x1024x64xf32, #tpu.memory_space<vmem>>, vector<1x1024x64xf32>
    %get3A_14 = vector.shape_cast %get3A_13 : vector<1x1024x64xf32> to vector<1024x64xf32>
    %get3A_15 = arith.constant 1 : index
    %get3A_16 = arith.constant 0 : index
    %get3A_17 = arith.constant 0 : index
    %get3A_18 = vector.load %arg1[%get3A_15, %get3A_16, %get3A_17] : memref<2x1024x64xf32, #tpu.memory_space<vmem>>, vector<1x1024x64xf32>
    %get3A_19 = vector.shape_cast %get3A_18 : vector<1x1024x64xf32> to vector<1024x64xf32>
    %concatenate3A = tpu.concatenate %get3A_14, %get3A_19 in 1 : vector<1024x64xf32>, vector<1024x64xf32> -> vector<1024x128xf32>
    %mul3A = vector.broadcast %select_n3A_9 : vector<1024x1xf32> to vector<1024x128xf32>
    %mul3A_20 = arith.mulf %concatenate3A, %mul3A : vector<1024x128xf32>
    %get3A_21 = arith.constant 0 : index
    %get3A_22 = arith.constant 0 : index
    %get3A_23 = vector.load %arg3[%get3A_21, %get3A_22] : memref<1x128xf32, #tpu.memory_space<vmem>>, vector<1x128xf32>
    %add3A = vector.broadcast %get3A_23 : vector<1x128xf32> to vector<1024x128xf32>
    %add3A_24 = arith.addf %mul3A_20, %add3A : vector<1024x128xf32>
    %max3A = arith.constant 0.000000e+00 : f32
    %max3A_25 = vector.broadcast %max3A : f32 to vector<1024x128xf32>
    %max3A_26 = arith.maximumf %add3A_24, %max3A_25 : vector<1024x128xf32>
    %get3A_27 = arith.constant 0 : index
    %get3A_28 = arith.constant 0 : index
    %get3A_29 = vector.load %arg4[%get3A_27, %get3A_28] : memref<128x128xf32, #tpu.memory_space<vmem>>, vector<128x128xf32>
    %dot_general3A = arith.constant dense<0.000000e+00> : vector<1024x128xf32>
    %dot_general3A_30 = tpu.matmul %max3A_26, %get3A_29, %dot_general3A {dimension_numbers = #tpu.dot_dimension_numbers<[1], [0], [0], [1], [0, 0, 1, 1], [], []>, transpose_lhs_hint = false} : vector<1024x128xf32>, vector<128x128xf32>, vector<1024x128xf32> -> vector<1024x128xf32>
    %mul3A_31 = vector.broadcast %select_n3A_9 : vector<1024x1xf32> to vector<1024x128xf32>
    %mul3A_32 = arith.mulf %dot_general3A_30, %mul3A_31 : vector<1024x128xf32>
    %convert_element_type3A = arith.truncf %mul3A_32 : vector<1024x128xf32> to vector<1024x128xbf16>
    %slice3A = vector.extract_strided_slice %convert_element_type3A {offsets = [0, 0], sizes = [1024, 64], strides = [1, 1]} : vector<1024x128xbf16> to vector<1024x64xbf16>
    %swap3A = arith.constant 0 : index
    %swap3A_33 = arith.constant 0 : index
    %swap3A_34 = arith.constant 0 : index
    %swap3A_35 = vector.load %arg5[%swap3A, %swap3A_33, %swap3A_34] : memref<2x1024x64xbf16, #tpu.memory_space<vmem>>, vector<1x1024x64xbf16>
    %swap3A_36 = vector.shape_cast %swap3A_35 : vector<1x1024x64xbf16> to vector<1024x64xbf16>
    %swap3A_37 = vector.shape_cast %slice3A : vector<1024x64xbf16> to vector<1x1024x64xbf16>
    tpu.vector_store %arg5[%swap3A, %swap3A_33, %swap3A_34], %swap3A_37 {strides = array<i32>} : memref<2x1024x64xbf16, #tpu.memory_space<vmem>>, vector<1x1024x64xbf16>,
    %slice3A_38 = vector.extract_strided_slice %convert_element_type3A {offsets = [0, 64], sizes = [1024, 64], strides = [1, 1]} : vector<1024x128xbf16> to vector<1024x64xbf16>
    %swap3A_39 = arith.constant 1 : index
    %swap3A_40 = arith.constant 0 : index
    %swap3A_41 = arith.constant 0 : index
    %swap3A_42 = vector.load %arg5[%swap3A_39, %swap3A_40, %swap3A_41] : memref<2x1024x64xbf16, #tpu.memory_space<vmem>>, vector<1x1024x64xbf16>
    %swap3A_43 = vector.shape_cast %swap3A_42 : vector<1x1024x64xbf16> to vector<1024x64xbf16>
    %swap3A_44 = vector.shape_cast %slice3A_38 : vector<1024x64xbf16> to vector<1x1024x64xbf16>
    tpu.vector_store %arg5[%swap3A_39, %swap3A_40, %swap3A_41], %swap3A_44 {strides = array<i32>} : memref<2x1024x64xbf16, #tpu.memory_space<vmem>>, vector<1x1024x64xbf16>,
    return
  }
  func.func @transform_0(%arg0: i32) -> (i32, i32, i32) {
    %c0_i32 = arith.constant 0 : i32
    %c0_i32_0 = arith.constant 0 : i32
    %c0_i32_1 = arith.constant 0 : i32
    return %c0_i32, %arg0, %c0_i32_0 : i32, i32, i32
  }
  func.func @transform_1(%arg0: i32) -> (i32, i32) {
    %c0_i32 = arith.constant 0 : i32
    %c0_i32_0 = arith.constant 0 : i32
    return %arg0, %c0_i32 : i32, i32
  }
  func.func @transform_2(%arg0: i32) -> (i32, i32) {
    %c0_i32 = arith.constant 0 : i32
    %c0_i32_0 = arith.constant 0 : i32
    %c0_i32_1 = arith.constant 0 : i32
    return %c0_i32, %c0_i32_0 : i32, i32
  }
  func.func @transform_3(%arg0: i32) -> (i32, i32) {
    %c0_i32 = arith.constant 0 : i32
    %c0_i32_0 = arith.constant 0 : i32
    %c0_i32_1 = arith.constant 0 : i32
    return %c0_i32, %c0_i32_0 : i32, i32
  }
  func.func @transform_4(%arg0: i32) -> (i32, i32, i32) {
    %c0_i32 = arith.constant 0 : i32
    %c0_i32_0 = arith.constant 0 : i32
    %c0_i32_1 = arith.constant 0 : i32
    return %c0_i32, %arg0, %c0_i32_0 : i32, i32, i32
  }
}

module attributes {stable_mosaic.version = 14 : i64} {
  func.func @_tail_body(%arg0: i32, %arg1: memref<2x1024x64xf32, #tpu.memory_space<vmem>>, %arg2: memref<1024x1xf32, #tpu.memory_space<vmem>>, %arg3: memref<1x128xf32, #tpu.memory_space<vmem>>, %arg4: memref<128x128xf32, #tpu.memory_space<vmem>>, %arg5: memref<1x128xf32, #tpu.memory_space<vmem>>, %arg6: memref<128x16xf32, #tpu.memory_space<vmem>>, %arg7: memref<1x16xf32, #tpu.memory_space<vmem>>, %arg8: memref<1024x16xf32, #tpu.memory_space<vmem>>) attributes {dimension_semantics = [#tpu.dimension_semantics<arbitrary>], iteration_bounds = array<i64: 10>, scalar_prefetch = 0 : i64, scratch_operands = 0 : i64, tpu.core_type = #tpu.core_type<tc>, window_params = [{transform_indices = @transform_0, window_bounds = array<i64: 2, 1024, 64>}, {transform_indices = @transform_1, window_bounds = array<i64: 1024, 1>}, {pipeline_mode = #tpu.pipeline_mode<synchronous>, transform_indices = @transform_2, window_bounds = array<i64: 1, 128>}, {pipeline_mode = #tpu.pipeline_mode<synchronous>, transform_indices = @transform_3, window_bounds = array<i64: 128, 128>}, {pipeline_mode = #tpu.pipeline_mode<synchronous>, transform_indices = @transform_4, window_bounds = array<i64: 1, 128>}, {pipeline_mode = #tpu.pipeline_mode<synchronous>, transform_indices = @transform_5, window_bounds = array<i64: 128, 16>}, {pipeline_mode = #tpu.pipeline_mode<synchronous>, transform_indices = @transform_6, window_bounds = array<i64: 1, 16>}, {transform_indices = @transform_7, window_bounds = array<i64: 1024, 16>}]} {
    %get3A = arith.constant 0 : index
    %get3A_0 = arith.constant 0 : index
    %get3A_1 = vector.load %arg2[%get3A, %get3A_0] : memref<1024x1xf32, #tpu.memory_space<vmem>>, vector<1024x1xf32>
    %gt3A = arith.constant 0.000000e+00 : f32
    %gt3A_2 = vector.broadcast %gt3A : f32 to vector<1024x1xf32>
    %gt3A_3 = arith.cmpf ogt, %get3A_1, %gt3A_2 : vector<1024x1xf32>
    %jit3A = arith.constant 1.000000e+00 : f32
    %broadcast_in_dim3A = vector.broadcast %jit3A : f32 to vector<1024x1xf32>
    %select_n3A = arith.select %gt3A_3, %get3A_1, %broadcast_in_dim3A : vector<1024x1xi1>, vector<1024x1xf32>
    %gt3A_4 = arith.constant 0.000000e+00 : f32
    %gt3A_5 = vector.broadcast %gt3A_4 : f32 to vector<1024x1xf32>
    %gt3A_6 = arith.cmpf ogt, %get3A_1, %gt3A_5 : vector<1024x1xf32>
    %rsqrt3A = math.rsqrt %select_n3A : vector<1024x1xf32>
    %jit3A_7 = arith.constant 0.000000e+00 : f32
    %broadcast_in_dim3A_8 = vector.broadcast %jit3A_7 : f32 to vector<1024x1xf32>
    %select_n3A_9 = arith.select %gt3A_6, %rsqrt3A, %broadcast_in_dim3A_8 : vector<1024x1xi1>, vector<1024x1xf32>
    %get3A_10 = arith.constant 0 : index
    %get3A_11 = arith.constant 0 : index
    %get3A_12 = arith.constant 0 : index
    %get3A_13 = vector.load %arg1[%get3A_10, %get3A_11, %get3A_12] : memref<2x1024x64xf32, #tpu.memory_space<vmem>>, vector<1x1024x64xf32>
    %get3A_14 = vector.shape_cast %get3A_13 : vector<1x1024x64xf32> to vector<1024x64xf32>
    %get3A_15 = arith.constant 1 : index
    %get3A_16 = arith.constant 0 : index
    %get3A_17 = arith.constant 0 : index
    %get3A_18 = vector.load %arg1[%get3A_15, %get3A_16, %get3A_17] : memref<2x1024x64xf32, #tpu.memory_space<vmem>>, vector<1x1024x64xf32>
    %get3A_19 = vector.shape_cast %get3A_18 : vector<1x1024x64xf32> to vector<1024x64xf32>
    %concatenate3A = tpu.concatenate %get3A_14, %get3A_19 in 1 : vector<1024x64xf32>, vector<1024x64xf32> -> vector<1024x128xf32>
    %mul3A = vector.broadcast %select_n3A_9 : vector<1024x1xf32> to vector<1024x128xf32>
    %mul3A_20 = arith.mulf %concatenate3A, %mul3A : vector<1024x128xf32>
    %get3A_21 = arith.constant 0 : index
    %get3A_22 = arith.constant 0 : index
    %get3A_23 = vector.load %arg3[%get3A_21, %get3A_22] : memref<1x128xf32, #tpu.memory_space<vmem>>, vector<1x128xf32>
    %add3A = vector.broadcast %get3A_23 : vector<1x128xf32> to vector<1024x128xf32>
    %add3A_24 = arith.addf %mul3A_20, %add3A : vector<1024x128xf32>
    %max3A = arith.constant 0.000000e+00 : f32
    %max3A_25 = vector.broadcast %max3A : f32 to vector<1024x128xf32>
    %max3A_26 = arith.maximumf %add3A_24, %max3A_25 : vector<1024x128xf32>
    %get3A_27 = arith.constant 0 : index
    %get3A_28 = arith.constant 0 : index
    %get3A_29 = vector.load %arg4[%get3A_27, %get3A_28] : memref<128x128xf32, #tpu.memory_space<vmem>>, vector<128x128xf32>
    %dot_general3A = arith.constant dense<0.000000e+00> : vector<1024x128xf32>
    %dot_general3A_30 = tpu.matmul %max3A_26, %get3A_29, %dot_general3A {dimension_numbers = #tpu.dot_dimension_numbers<[1], [0], [0], [1], [0, 0, 1, 1], [], []>, transpose_lhs_hint = false} : vector<1024x128xf32>, vector<128x128xf32>, vector<1024x128xf32> -> vector<1024x128xf32>
    %get3A_31 = arith.constant 0 : index
    %get3A_32 = arith.constant 0 : index
    %get3A_33 = vector.load %arg5[%get3A_31, %get3A_32] : memref<1x128xf32, #tpu.memory_space<vmem>>, vector<1x128xf32>
    %add3A_34 = vector.broadcast %get3A_33 : vector<1x128xf32> to vector<1024x128xf32>
    %add3A_35 = arith.addf %dot_general3A_30, %add3A_34 : vector<1024x128xf32>
    %max3A_36 = arith.constant 0.000000e+00 : f32
    %max3A_37 = vector.broadcast %max3A_36 : f32 to vector<1024x128xf32>
    %max3A_38 = arith.maximumf %add3A_35, %max3A_37 : vector<1024x128xf32>
    %get3A_39 = arith.constant 0 : index
    %get3A_40 = arith.constant 0 : index
    %get3A_41 = vector.load %arg6[%get3A_39, %get3A_40] : memref<128x16xf32, #tpu.memory_space<vmem>>, vector<128x16xf32>
    %dot_general3A_42 = arith.constant dense<0.000000e+00> : vector<1024x16xf32>
    %dot_general3A_43 = tpu.matmul %max3A_38, %get3A_41, %dot_general3A_42 {dimension_numbers = #tpu.dot_dimension_numbers<[1], [0], [0], [1], [0, 0, 1, 1], [], []>, transpose_lhs_hint = false} : vector<1024x128xf32>, vector<128x16xf32>, vector<1024x16xf32> -> vector<1024x16xf32>
    %get3A_44 = arith.constant 0 : index
    %get3A_45 = arith.constant 0 : index
    %get3A_46 = vector.load %arg7[%get3A_44, %get3A_45] : memref<1x16xf32, #tpu.memory_space<vmem>>, vector<1x16xf32>
    %add3A_47 = vector.broadcast %get3A_46 : vector<1x16xf32> to vector<1024x16xf32>
    %add3A_48 = arith.addf %dot_general3A_43, %add3A_47 : vector<1024x16xf32>
    %max3A_49 = arith.constant 0.000000e+00 : f32
    %max3A_50 = vector.broadcast %max3A_49 : f32 to vector<1024x16xf32>
    %max3A_51 = arith.maximumf %add3A_48, %max3A_50 : vector<1024x16xf32>
    %swap3A = arith.constant 0 : index
    %swap3A_52 = arith.constant 0 : index
    %swap3A_53 = vector.load %arg8[%swap3A, %swap3A_52] : memref<1024x16xf32, #tpu.memory_space<vmem>>, vector<1024x16xf32>
    tpu.vector_store %arg8[%swap3A, %swap3A_52], %max3A_51 {strides = array<i32>} : memref<1024x16xf32, #tpu.memory_space<vmem>>, vector<1024x16xf32>,
    return
  }
  func.func @transform_0(%arg0: i32) -> (i32, i32, i32) {
    %c0_i32 = arith.constant 0 : i32
    %c0_i32_0 = arith.constant 0 : i32
    %c0_i32_1 = arith.constant 0 : i32
    return %c0_i32, %arg0, %c0_i32_0 : i32, i32, i32
  }
  func.func @transform_1(%arg0: i32) -> (i32, i32) {
    %c0_i32 = arith.constant 0 : i32
    %c0_i32_0 = arith.constant 0 : i32
    return %arg0, %c0_i32 : i32, i32
  }
  func.func @transform_2(%arg0: i32) -> (i32, i32) {
    %c0_i32 = arith.constant 0 : i32
    %c0_i32_0 = arith.constant 0 : i32
    %c0_i32_1 = arith.constant 0 : i32
    return %c0_i32, %c0_i32_0 : i32, i32
  }
  func.func @transform_3(%arg0: i32) -> (i32, i32) {
    %c0_i32 = arith.constant 0 : i32
    %c0_i32_0 = arith.constant 0 : i32
    %c0_i32_1 = arith.constant 0 : i32
    return %c0_i32, %c0_i32_0 : i32, i32
  }
  func.func @transform_4(%arg0: i32) -> (i32, i32) {
    %c0_i32 = arith.constant 0 : i32
    %c0_i32_0 = arith.constant 0 : i32
    %c0_i32_1 = arith.constant 0 : i32
    return %c0_i32, %c0_i32_0 : i32, i32
  }
  func.func @transform_5(%arg0: i32) -> (i32, i32) {
    %c0_i32 = arith.constant 0 : i32
    %c0_i32_0 = arith.constant 0 : i32
    %c0_i32_1 = arith.constant 0 : i32
    return %c0_i32, %c0_i32_0 : i32, i32
  }
  func.func @transform_6(%arg0: i32) -> (i32, i32) {
    %c0_i32 = arith.constant 0 : i32
    %c0_i32_0 = arith.constant 0 : i32
    %c0_i32_1 = arith.constant 0 : i32
    return %c0_i32, %c0_i32_0 : i32, i32
  }
  func.func @transform_7(%arg0: i32) -> (i32, i32) {
    %c0_i32 = arith.constant 0 : i32
    %c0_i32_0 = arith.constant 0 : i32
    return %arg0, %c0_i32 : i32, i32
  }
}

</mosaic_0001>

<sc_bundles>
// kernel: kernel.11.cloned.1.call-start
scs
__scs_entry_jumppad:
0x0: {  	(pc) =	sbr.rel $0x88, $3  }
0x1: {  	(tag) =	ssettag $0x0;
	lr =	simm.s32 $0x1  }
0x2: {  	[smem:$0x3F97] =	sst lr;
	_ =	strace $0xD0000000  }
0x3: {  	_ = 	snop  }
0x4: {  	_ = 	snop  }
0x5: {  	_ = 	snop  }
0x6: {  	_ = 	snop  }
0x7: {  	_ = 	snop  }
__scs_overlays_trampoline_lowered:
0x8: {  	[smem:$0x3FA6] =	sst s0  }
0x9: {  	[smem:$0x3FA7] =	sst s1  }
0xa: {  	[smem:$0x3FA8] =	sst s2  }
0xb: {  	[smem:$0x3FA9] =	sst s3  }
0xc: {  	[smem:$0x3FAA] =	sst s4  }
0xd: {  	[smem:$0x3FAB] =	sst s5  }
0xe: {  	[smem:$0x3FAC] =	sst s6  }
0xf: {  	[smem:$0x3FAD] =	sst s7  }
0x10: {  	[smem:$0x3FAE] =	sst s8  }
0x11: {  	[smem:$0x3FAF] =	sst s9;
	s0 =	simm.s32 @!p0 $0x0  }
0x12: {  	s1 =	sld [smem:$0x3F95];
	s0 =	simm.s32 @p0 $0x1  }
0x13: {  	[smem:$0x3FB0] =	sst s0;
	s0 =	simm.s32 @!p1 $0x0  }
0x14: {  	s2 =	sld [smem:$0x3F94];
	s0 =	simm.s32 @p1 $0x1  }
0x15: {  	[smem:$0x3FB1] =	sst s0;
	s0 =	simm.s32 @!p2 $0x0  }
0x16: {  	s3 =	sld [smem:$0x3FDB];
	s0 =	simm.s32 @p2 $0x1  }
0x17: {  	s4 =	simm.s32 $0x1BF5;
	[smem:$0x3FB3] =	sst s0  }
0x18: {  	s0 =	sld [smem:$0x3F96];
	_ =	swait.ge [sflag:s4], $0x0  }
0x19: {  	s7 =	sld [smem:$0x3F97]  }
0x1a: {  	s8 =	sadd.s32 $0xFFFFE003, lr  }
0x1b: {  	s9 =	sadd.s32 $0xFFFFFEF7, lr;
	s5 =	simm.s32 $0xFFFFFFFF;
	p2 =	slt.u32 s8, $0xFFFFF086  }
0x1c: {  	p1 =	slt.u32 s9, $0xF7A;
	s5 =	simm.s32 @!p2 $0x0  }
0x1d: {  	s5 =	simm.s32 @p1 $0x1;
	p0 =	seq.s32 s7, s2  }
0x1e: {  	s7 =	smul.u32 @!p0 $0xF7A, s2;
	p2 =	seq.s32 @!p0 s5, $0x0  }
0x1f: {  	s9 =	smul.u32 $0xF7A, s1;
	s8 =	simm.s32 @!p0 $0x1BF5;
	p2 =	por !p2, p0  }
0x20: {  	[sflag:s8] =	ssyncset.s32 @!p0 $0xFFFFF086;
	s6 =	sadd.s32 @!p0 s3, s7;
	s7 =	simm.s32 @!p0 $0x108  }
0x21: {  	s3 =	sadd.s32 s3, s9;
	s6 =	sadd.s32 @!p0 $0x88, s6;
	s7 =	simm.s32 @p2 $0x1082  }
0x22: {  	[simem:s7], [sflag:s8] =	dma.local @!p0 [hbm:s6], $0xF7A  }
0x23: {  	s9 =	sor.u32 $0xD0000000, s2;
	s6 =	simm.s32 $0x108;
	_ =	swait.ge @!p0 [sflag:s8], $0x0  }
0x24: {  	s3 =	sadd.s32 $0x88, s3;
	s6 =	simm.s32 @!p1 $0x1082;
	[sflag:s4] =	ssyncset.s32 $0xFFFFF086  }
0x25: {  	[simem:s6], [sflag:s4] =	dma.local [hbm:s3], $0xF7A  }
0x26: {  	[smem:$0x3F97] =	sst s1;
	(tag) =	ssettag s2;
	_ =	strace s9  }
0x27: {  	s1 =	sld [smem:$0x3FA7]  }
0x28: {  	s2 =	sld [smem:$0x3FA8]  }
0x29: {  	s4 =	sld [smem:$0x3FAA]  }
0x2a: {  	p0 =	seq.s32 s5, $0x0;
	s5 =	sld [smem:$0x3FAB]  }
0x2b: {  	s6 =	sld [smem:$0x3FAC]  }
0x2c: {  	s7 =	sld [smem:$0x3FAD]  }
0x2d: {  	s3 =	simm.s32 $0x108;
	s8 =	sld [smem:$0x3FAE]  }
0x2e: {  	s3 =	simm.s32 @!p0 $0x1082;
	s9 =	sld [smem:$0x3FAF]  }
0x2f: {  	lr =	sadd.s32 s0, s3;
	s0 =	sld [smem:$0x3FA6]  }
0x30: {  	s3 =	sld [smem:$0x3FA9]  }
0x31: {  	[smem:$0x3FB2] =	sst s10  }
0x32: {  	s10 =	sld [smem:$0x3FB0];
	_ =	sdelay $0x3  }
0x33: {  	p0 =	seq.s32 s10, $0x1;
	s10 =	sld [smem:$0x3FB2];
	_ =	sdelay $0x3  }
0x34: {  	[smem:$0x3FB2] =	sst s10  }
0x35: {  	s10 =	sld [smem:$0x3FB1];
	_ =	sdelay $0x3  }
0x36: {  	p1 =	seq.s32 s10, $0x1;
	s10 =	sld [smem:$0x3FB2];
	_ =	sdelay $0x3  }
0x37: {  	[smem:$0x3FB2] =	sst s10  }
0x38: {  	s10 =	sld [smem:$0x3FB3]  }
0x39: {  	_ = 	snop;
	(pc) =	sbr.ind lr, $3  }
0x3a: {  	_ = 	snop  }
0x3b: {  	_ = 	snop  }
0x3c: {  	p2 =	seq.s32 s10, $0x1;
	s10 =	sld [smem:$0x3FB2]  }
0x3d: {  	_ =	shalt  }
0x3e: {  	_ =	shalt  }
0x3f: {  	_ =	shalt  }
0x40: {  	_ =	shalt  }
0x41: {  	_ =	shalt  }
0x42: {  	_ =	shalt  }
0x43: {  	_ =	shalt  }
0x44: {  	_ =	shalt  }
0x45: {  	_ =	shalt  }
0x46: {  	_ =	shalt  }
0x47: {  	_ =	shalt  }
0x48: {  	_ =	shalt  }
0x49: {  	_ =	shalt  }
0x4a: {  	_ =	shalt  }
0x4b: {  	_ =	shalt  }
0x4c: {  	_ =	shalt  }
0x4d: {  	_ =	shalt  }
0x4e: {  	_ =	shalt  }
0x4f: {  	_ =	shalt  }
0x50: {  	_ =	shalt  }
0x51: {  	_ =	shalt  }
0x52: {  	_ =	shalt  }
0x53: {  	_ =	shalt  }
0x54: {  	_ =	shalt  }
0x55: {  	_ =	shalt  }
0x56: {  	_ =	shalt  }
0x57: {  	_ =	shalt  }
0x58: {  	_ =	shalt  }
0x59: {  	_ =	shalt  }
0x5a: {  	_ =	shalt  }
0x5b: {  	_ =	shalt  }
0x5c: {  	_ =	shalt  }
0x5d: {  	_ =	shalt  }
0x5e: {  	_ =	shalt  }
0x5f: {  	_ =	shalt  }
0x60: {  	_ =	shalt  }
0x61: {  	_ =	shalt  }
0x62: {  	_ =	shalt  }
0x63: {  	_ =	shalt  }
0x64: {  	_ =	shalt  }
0x65: {  	_ =	shalt  }
0x66: {  	_ =	shalt  }
0x67: {  	_ =	shalt  }
0x68: {  	_ =	shalt  }
0x69: {  	_ =	shalt  }
0x6a: {  	_ =	shalt  }
0x6b: {  	_ =	shalt  }
0x6c: {  	_ =	shalt  }
0x6d: {  	_ =	shalt  }
0x6e: {  	_ =	shalt  }
0x6f: {  	_ =	shalt  }
0x70: {  	_ =	shalt  }
0x71: {  	_ =	shalt  }
0x72: {  	_ =	shalt  }
0x73: {  	_ =	shalt  }
0x74: {  	_ =	shalt  }
0x75: {  	_ =	shalt  }
0x76: {  	_ =	shalt  }
0x77: {  	_ =	shalt  }
0x78: {  	_ =	shalt  }
0x79: {  	_ =	shalt  }
0x7a: {  	_ =	shalt  }
0x7b: {  	_ =	shalt  }
0x7c: {  	_ =	shalt  }
0x7d: {  	_ =	shalt  }
0x7e: {  	_ =	shalt  }
0x7f: {  	_ =	shalt  }
0x80: {  	_ =	shalt  }
0x81: {  	_ =	shalt  }
0x82: {  	_ =	shalt  }
0x83: {  	_ =	shalt  }
0x84: {  	_ =	shalt  }
0x85: {  	_ =	shalt  }
0x86: {  	_ =	shalt  }
0x87: {  	_ =	shalt  }
.Lfunc_end0:
.L_simem_size_0:
called_computation.1_lowered:
.L_overlay_start_0:
0x88: {  	s2 =	sld [smem:$0x3FD9]  }
0x89: {  	s3 =	sld [smem:$0x3FFE];
	_ =	sdelay $0x1  }
0x8a: {  	s1 =	srdreg.scid  }
0x8b: {  	s0 =	sand.u32 $0x1, s1  }
0x8c: {  	s16 =	sshll.u32 s0, $0xA;
	s2 =	sadd.s32 s3, s2  }
0x8d: {  	s2 =	sadd.s32 s2, s16  }
0x8e: {  	[smem:$0x3FBE] =	sst s2  }
0x8f: {  	_ = 	snop  }
0x90: {  	(tm) =	ssettm $0x1  }
0x91: {  	s17 =	sld [smem:$0x3FFB];
	_ =	sdelay $0x3  }
0x92: {  	_ =	strace s17  }
0x93: {  	s2 =	sld [smem:$0x3FFC];
	_ =	sdelay $0x3  }
0x94: {  	_ =	strace s2  }
0x95: {  	s2 =	sld [smem:$0x3FFD];
	_ =	sdelay $0x3  }
0x96: {  	_ =	strace s2  }
0x97: {  	_ =	strace $0x8FFFFFFF  }
0x98: {  	s18 =	sld [smem:$0x3FDB];
	_ =	sdelay $0x1  }
0x99: {  	s19 =	simm.s32 $_scs_section_size  }
0x9a: {  	s4 =	simm.s32 $_size__tile_overlayer_lowered;
	s5 =	simm.s32 $_tile_overlayer_lowered  }
0x9b: {  	s22 =	simm.s32 $0x1BFF;
	s21 =	sshll.u32 s5, $0x1;
	s2 =	sadd.s32 s19, s18  }
0x9c: {  	s6 =	simm.s32 $0x0;
	s20 =	sshll.u32 s4, $0x1;
	s4 =	sadd.s32 s21, s2  }
0x9d: {  	[timem:s6], [sflag:s22] =	dma.local [hbm:s4], s20  }
0x9e: {  	_ =	swait.ge [sflag:s22], s20  }
0x9f: {  	s3 =	ssub.s32 $0x0, s20;
	[sflag:s22] =	ssyncset.done $0x0  }
0xa0: {  	[sflag:s22] =	ssyncadd.s32 s3;
	_ =	sdelay $0x1  }
0xa1: {  	s23 =	simm.s32 $0x1B8B  }
0xa2: {  	_ =	swait.ge [sflag:s23], $0x1  }
0xa3: {  	[sflag:s23] =	ssyncset.done $0x0  }
0xa4: {  	s25 =	simm.s32 $0x1B8E;
	s24 =	sld [smem:$0x3FFE];
	[sflag:s23] =	ssyncadd.s32 $0xFFFFFFFF  }
0xa5: {  	s26 =	simm.s32 $execute0_lowered;
	[smem:$0x3FD2] =	sst s25  }
0xa6: {  	s4 =	sshll.u32 s26, $0x1;
	_ =	strace $0x80000049;
	[dreg:$0x1] =	wrdreg $0xFFFFFFFF  }
0xa7: {  	s28 =	simm.s32 $_size_execute0_lowered;
	s2 =	sadd.s32 s2, s4;
	[dreg:$0x0] =	wrdreg $0x0  }
0xa8: {  	s4 =	sshll.u32 s28, $0x1;
	[dreg:$0x2] =	wrdreg s2  }
0xa9: {  	[dreg:$0x3] =	wrdreg s4  }
0xaa: {  	[dreg:$0x4] =	wrdreg $0xC0  }
0xab: {  	_ =	task [dreg:s6], $0x5FFFF  }
0xac: {  	[dreg:$0x1] =	wrdreg $0xFFFFFFFF  }
0xad: {  	[dreg:$0x0] =	wrdreg $0x60  }
0xae: {  	[dreg:$0x2] =	wrdreg s24  }
0xaf: {  	[dreg:$0x3] =	wrdreg $0x9E000  }
0xb0: {  	[dreg:$0x4] =	wrdreg $0x9  }
0xb1: {  	_ =	task.clear_ibuf [dreg:s6], $0x5FFFF;
	_ =	strace $0x90000049  }
0xb2: {  	s29 =	simm.s32 $0x9;
	_ =	strace $0x8000004B  }
0xb3: {  	_ =	swait.ge [sflag:s29], $0x1  }
0xb4: {  	[sflag:s29] =	ssyncadd.s32 $0xFFFFFFFF  }
0xb5: {  	_ =	strace $0x9000004B  }
0xb6: {  	_ =	sfence  }
0xb7: {  	s30 =	sld [smem:$0x0];
	_ =	sdelay $0x2  }
0xb8: {  	s31 =	sshll.u32 s1, $0xD;
	s1 =	sshrl.u32 s1, $0x2  }
0xb9: {  	s3 =	sand.u32 $0x4000, s31;
	s1 =	sadd.s32 s1, s30  }
0xba: {  	s0 =	sor.u32 s3, s0;
	s1 =	sshll.u32 s1, $0x11  }
0xbb: {  	s0 =	sor.u32 s1, s0  }
0xbc: {  	s0 =	sadd.s32 $0x8F2B, s0  }
0xbd: {  	[sflag:s0] =	ssyncadd.remote.s32 $0x1  }
0xbe: {  	_ =	sfence.sel $0xFFFF  }
0xbf: {  	[dreg:$0x0] =	wrdreg $0xFFFFFFFF;
	(pc) =	sbr.abs _section_cstart, $3  }
0xc0: {  	[dreg:$0x1] =	wrdreg $0xFFFFFFFF  }
0xc1: {  	_ =	task.clear_ibuf [dreg:s6], $0x2FFFF;
	_ =	strace $0x9FFFFFFF  }
0xc2: {  	(tm) =	ssettm $0x7FFFFFFF  }
0xc3: {  	_ =	shalt  }
tec
execute0_lowered:
.L_overlay_start_1:
0x0: {  	(tag) =	ssettag $0x1  }
0x1: {  	s4 =	rddreg [dreg:$0x0]  }
0x2: {  	s0 =	srdreg.scid;
	s2 =	rddreg [dreg:$0x1]  }
0x3: {  	s1 =	stileid.u32;
	s3 =	simm.s32 $0x0;
	s14 =	simm.s32 $0x13E00  }
0x4: {  	s15 =	simm.s32 $0x3;
	s16 =	simm.s32 $0x4F00;
	s17 =	simm.s32 $0x80  }
0x5: {  	s18 =	simm.s32 $0x15E00;
	s19 =	simm.s32 $0x16E00;
	s20 =	simm.s32 $0x1  }
0x6: {  	s21 =	simm.s32 $0x2;
	s22 =	simm.s32 $0x9D00;
	s7 =	smul.u32 $0x9E0, s1  }
0x7: {  	s5 =	sand.u32 $0x1, s0;
	s0 =	rddreg [dreg:$0x2];
	s9 =	smul.u32 $0xA000, s1  }
0x8: {  	s23 =	simm.s32 $0x9D80;
	[smem:$0x7FF] =	sst s3;
	s10 =	smul.u32 $0x28000, s1  }
0x9: {  	s6 =	smul.u32 $0xA0000, s5;
	_ =	strace $0x8000004A;
	s5 =	ssub.s32 $0x2, s5  }
0xa: {  	s7 =	sadd.s32 s7, s4;
	s11 =	sshrl.u32 s5, $0x1;
	s10 =	sshrl.u32 s10, $0x2  }
0xb: {  	s24 =	sadd.s32 s9, s2;
	s8 =	sshrl.u32 s6, $0x4;
	s6 =	sadd.s32 s9, s6  }
0xc: {  	s11 =	ssub.s32 s5, s11;
	s5 =	sadd.s32 $0x15E00, s7;
	s24 =	sshrl.u32 s24, $0x3  }
0xd: {  	s8 =	sadd.s32 s8, s4;
	s6 =	sshrl.u32 s6, $0x3;
	s9 =	smax.u32 s11, $0x1  }
0xe: {  	s12 =	sadd.s32 s6, s4;
	s4 =	sadd.s32 s10, s2;
	s6 =	sadd.s32 $0x2000, s7  }
0xf: {  	s7 =	sadd.s32 $0x1FC00, s8;
	s8 =	sadd.s32 $0x33C00, s12;
	s10 =	sadd.s32 $0x2000, s4  }
0x10: {  	v0 =	vimm.f32 $0.0e+00;
	s11 =	sadd.s32 $0x4000, s4;
	s12 =	sadd.s32 $0x6000, s4;
	s13 =	sadd.s32 $0x8000, s4  }
.LBB2_1:
0x11: {  	s26 =	simm.s32 $0x100;
	s25 =	simm.s32 $0x0  }
.LBB2_2:
0x12: {  	p0 =	sne.s32 s26, $0x7F00;
	[tilespmem:s25+$0x13E30] =	vst v0;
	s28 =	smov.u32 s26;
	s26 =	sadd.s32 $0x100, s26  }
.Ltmp0:
0x13: {  	[tilespmem:s25+$0x13E20] =	vst v0;
	(pc) =	sbr.rel @p0 .LBB2_2-.Ltmp0, $3  }
0x14: {  	[tilespmem:s25+$0x13E00] =	vst v0  }
0x15: {  	[tilespmem:s25+$0x13E10] =	vst v0;
	_ =	sdelay $0x1  }
0x16: {  	s25 =	sshra.s32 s28, $0x2  }
0x17: {  	[tilespmem:s25+$0x13E30] =	vst v0  }
0x18: {  	[tilespmem:s25+$0x13E20] =	vst v0  }
0x19: {  	[tilespmem:s25+$0x13E00] =	vst v0  }
0x1a: {  	[tilespmem:s25+$0x13E10] =	vst v0  }
0x1b: {  	[spmem:s4] =	stream.linear.scatter [tilespmem:s14], [sflag:$0x3], $0x2000, $0x38;
	[tilespmem:$0x17E00] =	vst v63  }
0x1c: {  	_ =	swait.ge [sflag:s15], $0x2000  }
0x1d: {  	[sflag:s15] =	ssyncset.done $0x0  }
0x1e: {  	[sflag:s15] =	ssyncadd.s32 $0xFFFFE000  }
0x1f: {  	[spmem:s10] =	stream.linear.scatter [tilespmem:s14], [sflag:$0x3], $0x2000, $0x38;
	[tilespmem:$0x17E00] =	vst v63  }
0x20: {  	_ =	swait.ge [sflag:s15], $0x2000  }
0x21: {  	[sflag:s15] =	ssyncset.done $0x0  }
0x22: {  	[sflag:s15] =	ssyncadd.s32 $0xFFFFE000  }
0x23: {  	[spmem:s11] =	stream.linear.scatter [tilespmem:s14], [sflag:$0x3], $0x2000, $0x38;
	[tilespmem:$0x17E00] =	vst v63  }
0x24: {  	_ =	swait.ge [sflag:s15], $0x2000  }
0x25: {  	[sflag:s15] =	ssyncset.done $0x0  }
0x26: {  	[sflag:s15] =	ssyncadd.s32 $0xFFFFE000  }
0x27: {  	[spmem:s12] =	stream.linear.scatter [tilespmem:s14], [sflag:$0x3], $0x2000, $0x38;
	[tilespmem:$0x17E00] =	vst v63  }
0x28: {  	_ =	swait.ge [sflag:s15], $0x2000  }
0x29: {  	[sflag:s15] =	ssyncset.done $0x0  }
0x2a: {  	[sflag:s15] =	ssyncadd.s32 $0xFFFFE000  }
0x2b: {  	[spmem:s13] =	stream.linear.scatter [tilespmem:s14], [sflag:$0x3], $0x2000, $0x38;
	[tilespmem:$0x17E00] =	vst v63  }
0x2c: {  	_ =	swait.ge [sflag:s15], $0x2000  }
0x2d: {  	[sflag:s15] =	ssyncset.done $0x0  }
0x2e: {  	s25 =	simm.s32 $0x0;
	[sflag:s15] =	ssyncadd.s32 $0xFFFFE000  }
0x2f: {  	[tilespmem:s25], [sflag:$0x3] =	stream.linear.gather [hbm4b:s5+s25], $0x4F00, $0x38;
	[tilespmem:$0x17E00] =	vst v63  }
0x30: {  	_ =	swait.ge [sflag:s15], $0x4F00  }
0x31: {  	[sflag:s15] =	ssyncset.done $0x0  }
0x32: {  	[sflag:s15] =	ssyncadd.s32 $0xFFFFB100  }
0x33: {  	[tilespmem:s16], [sflag:$0x3] =	stream.linear.gather [hbm4b:s6+s25], $0x4F00, $0x38;
	[tilespmem:$0x17E00] =	vst v63  }
0x34: {  	_ =	swait.ge [sflag:s15], $0x4F00  }
0x35: {  	[sflag:s15] =	ssyncset.done $0x0  }
0x36: {  	[sflag:s15] =	ssyncadd.s32 $0xFFFFB100  }
0x37: {  	[bflag:$0x0] =	sbarrier.arrive $0xFFFF  }
0x38: {  	[tilespmem:s18], [sflag:$0x1] =	stream.indirect.gather [hbm4b:s7+s17], $0x20, s25, s17, $0xb8;
	[tilespmem:$0x17E00] =	vst v63  }
0x39: {  	_ = 	snop  }
0x3a: {  	[tilespmem:s19], [sflag:$0x2] =	stream.indirect.gather [hbm4b:s7+s17], $0x20, s17, s17, $0xb8;
	[tilespmem:$0x17E00] =	vst v63  }
.LBB2_4:
0x3b: {  	_ =	swait.ge [sflag:s20], $0x1000  }
0x3c: {  	[sflag:s20] =	ssyncset.done $0x0  }
0x3d: {  	s26 =	simm.s32 $0x15E80;
	[sflag:s20] =	ssyncadd.s32 $0xFFFFF000  }
0x3e: {  	v1 =	vld [tilespmem:s26+$0x60];
	_ =	sdelay $0x1  }
0x3f: {  	v2 =	vld [tilespmem:s26+$0xFFFFFFA0];
	_ =	sdelay $0x1  }
0x40: {  	v3 =	vld [tilespmem:s26+$0xFFFFFFC0]  }
0x41: {  	s28 =	simm.s32 $0x13F00;
	v4 =	vunpack.i.l.bf16.f32 v1  }
0x42: {  	v5 =	vld [tilespmem:s26+$0xFFFFFFE0];
	v1 =	vunpack.i.u.bf16.f32 v1;
	[tilespmem:s28+$0xC0] =	vst v4  }
0x43: {  	v6 =	vld [tilespmem:s26+$0xFFFFFF80];
	v4 =	vunpack.i.l.bf16.f32 v2;
	[tilespmem:s28+$0xD0] =	vst v1  }
0x44: {  	v1 =	vunpack.i.u.bf16.f32 v2;
	[tilespmem:s28+$0xFFFFFF40] =	vst v4  }
0x45: {  	v2 =	vld [tilespmem:s26+$0x70];
	v4 =	vunpack.i.l.bf16.f32 v3;
	[tilespmem:s28+$0xFFFFFF50] =	vst v1  }
0x46: {  	v1 =	vunpack.i.u.bf16.f32 v3;
	[tilespmem:s28+$0xFFFFFF80] =	vst v4  }
0x47: {  	v3 =	vld [tilespmem:s26+$0x0];
	v4 =	vunpack.i.l.bf16.f32 v5;
	[tilespmem:s28+$0xFFFFFF90] =	vst v1  }
0x48: {  	v1 =	vunpack.i.l.bf16.f32 v6;
	[tilespmem:s28+$0xFFFFFFC0] =	vst v4  }
0x49: {  	v6 =	vunpack.i.u.bf16.f32 v6;
	v4 =	vld [tilespmem:s26+$0x20];
	[tilespmem:s28+$0xFFFFFF00] =	vst v1  }
0x4a: {  	[tilespmem:s28+$0xFFFFFF10] =	vst v6;
	v1 =	vunpack.i.u.bf16.f32 v2  }
0x4b: {  	v5 =	vunpack.i.u.bf16.f32 v5;
	[tilespmem:s28+$0xF0] =	vst v1;
	v1 =	vld [tilespmem:s26+$0x40]  }
0x4c: {  	[tilespmem:s28+$0xFFFFFFD0] =	vst v5;
	v6 =	vunpack.i.l.bf16.f32 v3  }
0x4d: {  	v5 =	vld [tilespmem:s26+$0xFFFFFF90];
	v3 =	vunpack.i.u.bf16.f32 v3;
	[tilespmem:s28+$0x0] =	vst v6  }
0x4e: {  	[tilespmem:s28+$0x10] =	vst v3;
	v6 =	vunpack.i.l.bf16.f32 v4  }
0x4f: {  	v3 =	vld [tilespmem:s26+$0xFFFFFFB0];
	v4 =	vunpack.i.u.bf16.f32 v4;
	[tilespmem:s28+$0x40] =	vst v6  }
0x50: {  	[tilespmem:s28+$0x50] =	vst v4;
	v6 =	vunpack.i.l.bf16.f32 v1  }
0x51: {  	v4 =	vld [tilespmem:s26+$0xFFFFFFD0];
	v1 =	vunpack.i.u.bf16.f32 v1;
	[tilespmem:s28+$0x80] =	vst v6  }
0x52: {  	v6 =	vunpack.i.l.bf16.f32 v5;
	[tilespmem:s28+$0x90] =	vst v1  }
0x53: {  	v7 =	vld [tilespmem:s26+$0xFFFFFFF0];
	v1 =	vunpack.i.u.bf16.f32 v5;
	[tilespmem:s28+$0xFFFFFF20] =	vst v6  }
0x54: {  	v5 =	vunpack.i.l.bf16.f32 v3;
	v6 =	vld [tilespmem:s26+$0x10];
	[tilespmem:s28+$0xFFFFFF30] =	vst v1  }
0x55: {  	v1 =	vunpack.i.u.bf16.f32 v3;
	v3 =	vld [tilespmem:s26+$0x30];
	[tilespmem:s28+$0xFFFFFF60] =	vst v5  }
0x56: {  	v5 =	vunpack.i.l.bf16.f32 v4;
	v8 =	vld [tilespmem:s26+$0x50];
	[tilespmem:s28+$0xFFFFFF70] =	vst v1  }
0x57: {  	v1 =	vunpack.i.u.bf16.f32 v4;
	[tilespmem:s28+$0xFFFFFFA0] =	vst v5  }
0x58: {  	v4 =	vunpack.i.l.bf16.f32 v7;
	[tilespmem:s28+$0xFFFFFFB0] =	vst v1  }
0x59: {  	v5 =	vunpack.i.u.bf16.f32 v7;
	v1 =	vunpack.i.l.bf16.f32 v2;
	[tilespmem:s28+$0xFFFFFFE0] =	vst v4  }
0x5a: {  	[tilespmem:s28+$0xFFFFFFF0] =	vst v5;
	v4 =	vunpack.i.u.bf16.f32 v6;
	v7 =	vunpack.i.l.bf16.f32 v6;
	v2 =	vunpack.i.u.bf16.f32 v3  }
0x5b: {  	s29 =	simm.s32 $0x15F80;
	s26 =	simm.s32 $0x0;
	v6 =	vunpack.i.l.bf16.f32 v3;
	v3 =	vunpack.i.u.bf16.f32 v8;
	v5 =	vunpack.i.l.bf16.f32 v8;
	[tilespmem:s28+$0x20] =	vst v7  }
.LBB2_5:
0x5c: {  	v7 =	vld [tilespmem:s29+$0x60];
	[tilespmem:s28+$0x30] =	vst v4  }
0x5d: {  	s26 =	sadd.s32 $0x8, s26;
	v4 =	vld [tilespmem:s29+$0xFFFFFFA0];
	[tilespmem:s28+$0x60] =	vst v6  }
0x5e: {  	p0 =	slt.u32 s26, $0x78;
	v6 =	vld [tilespmem:s29+$0xFFFFFFC0];
	[tilespmem:s28+$0x70] =	vst v2  }
0x5f: {  	v2 =	vld [tilespmem:s29+$0xFFFFFFE0];
	[tilespmem:s28+$0xA0] =	vst v5  }
0x60: {  	v5 =	vld [tilespmem:s29+$0x0];
	[tilespmem:s28+$0xB0] =	vst v3  }
0x61: {  	v3 =	vld [tilespmem:s29+$0x20];
	v8 =	vunpack.i.l.bf16.f32 v7;
	[tilespmem:s28+$0xE0] =	vst v1;
	s28 =	sadd.s32 $0x200, s28  }
0x62: {  	v7 =	vunpack.i.u.bf16.f32 v7;
	v1 =	vunpack.i.u.bf16.f32 v4;
	v4 =	vunpack.i.l.bf16.f32 v4;
	v9 =	vld [tilespmem:s29+$0x40];
	[tilespmem:s28+$0xC0] =	vst v8  }
0x63: {  	v8 =	vld [tilespmem:s29+$0xFFFFFF80];
	v10 =	vunpack.i.u.bf16.f32 v6;
	v6 =	vunpack.i.l.bf16.f32 v6;
	[tilespmem:s28+$0xD0] =	vst v7  }
0x64: {  	[tilespmem:s28+$0xFFFFFF40] =	vst v4;
	v4 =	vunpack.i.u.bf16.f32 v2;
	v2 =	vunpack.i.l.bf16.f32 v2;
	v7 =	vld [tilespmem:s29+$0x70]  }
0x65: {  	[tilespmem:s28+$0xFFFFFF50] =	vst v1;
	v11 =	vunpack.i.u.bf16.f32 v5;
	v5 =	vunpack.i.l.bf16.f32 v5  }
0x66: {  	v12 =	vld [tilespmem:s29+$0xFFFFFFB0];
	[tilespmem:s28+$0xFFFFFF80] =	vst v6;
	v6 =	vunpack.i.u.bf16.f32 v3;
	v3 =	vunpack.i.l.bf16.f32 v3  }
0x67: {  	[tilespmem:s28+$0xFFFFFF90] =	vst v10;
	v10 =	vunpack.i.u.bf16.f32 v9;
	v9 =	vunpack.i.l.bf16.f32 v9  }
0x68: {  	v13 =	vunpack.i.u.bf16.f32 v8;
	v1 =	vunpack.i.l.bf16.f32 v8;
	v8 =	vld [tilespmem:s29+$0xFFFFFFD0];
	[tilespmem:s28+$0xFFFFFFC0] =	vst v2  }
0x69: {  	[tilespmem:s28+$0xFFFFFF00] =	vst v1;
	v2 =	vunpack.i.u.bf16.f32 v7;
	v1 =	vunpack.i.l.bf16.f32 v7  }
0x6a: {  	[tilespmem:s28+$0xF0] =	vst v2  }
0x6b: {  	[tilespmem:s28+$0xFFFFFF10] =	vst v13;
	v2 =	vunpack.i.u.bf16.f32 v12;
	v7 =	vunpack.i.l.bf16.f32 v12  }
0x6c: {  	v12 =	vld [tilespmem:s29+$0xFFFFFF90];
	[tilespmem:s28+$0xFFFFFFD0] =	vst v4  }
0x6d: {  	v13 =	vunpack.i.u.bf16.f32 v8;
	v8 =	vunpack.i.l.bf16.f32 v8;
	v4 =	vld [tilespmem:s29+$0xFFFFFFF0];
	[tilespmem:s28+$0x0] =	vst v5  }
0x6e: {  	[tilespmem:s28+$0x10] =	vst v11  }
0x6f: {  	v5 =	vld [tilespmem:s29+$0x10];
	[tilespmem:s28+$0x40] =	vst v3  }
0x70: {  	[tilespmem:s28+$0x50] =	vst v6  }
0x71: {  	v3 =	vunpack.i.u.bf16.f32 v12;
	v6 =	vunpack.i.l.bf16.f32 v12;
	v11 =	vld [tilespmem:s29+$0x30];
	[tilespmem:s28+$0x80] =	vst v9  }
0x72: {  	v9 =	vunpack.i.u.bf16.f32 v4;
	v12 =	vunpack.i.l.bf16.f32 v4;
	[tilespmem:s28+$0x90] =	vst v10  }
0x73: {  	[tilespmem:s28+$0xFFFFFF20] =	vst v6;
	v10 =	vld [tilespmem:s29+$0x50]  }
0x74: {  	[tilespmem:s28+$0xFFFFFF30] =	vst v3;
	v4 =	vunpack.i.u.bf16.f32 v5;
	v14 =	vunpack.i.l.bf16.f32 v5  }
0x75: {  	[tilespmem:s28+$0xFFFFFF60] =	vst v7  }
0x76: {  	[tilespmem:s28+$0xFFFFFF70] =	vst v2;
	v2 =	vunpack.i.u.bf16.f32 v11;
	v6 =	vunpack.i.l.bf16.f32 v11  }
.Ltmp1:
0x77: {  	[tilespmem:s28+$0xFFFFFFA0] =	vst v8;
	(pc) =	sbr.rel @p0 .LBB2_5-.Ltmp1, $4  }
0x78: {  	[tilespmem:s28+$0xFFFFFFB0] =	vst v13;
	v3 =	vunpack.i.u.bf16.f32 v10;
	v5 =	vunpack.i.l.bf16.f32 v10  }
0x79: {  	[tilespmem:s28+$0xFFFFFFE0] =	vst v12  }
0x7a: {  	[tilespmem:s28+$0xFFFFFFF0] =	vst v9  }
0x7b: {  	s29 =	sadd.s32 $0x100, s29;
	[tilespmem:s28+$0x20] =	vst v14  }
0x7c: {  	[tilespmem:s28+$0x30] =	vst v4  }
0x7d: {  	[tilespmem:s28+$0x60] =	vst v6  }
0x7e: {  	[tilespmem:s28+$0x70] =	vst v2  }
0x7f: {  	[tilespmem:s28+$0xA0] =	vst v5;
	s26 =	sshll.u32 s25, $0x8  }
0x80: {  	[tilespmem:s28+$0xB0] =	vst v3;
	s26 =	sand.u32 $0x3FFFFF00, s26  }
0x81: {  	[tilespmem:s28+$0xE0] =	vst v1;
	s28 =	sadd.s32 $0x100, s26  }
0x82: {  	[tilespmem:s18], [sflag:$0x1] =	stream.indirect.gather [hbm4b:s7+s17], $0x20, s28, s17, $0xb8;
	[tilespmem:$0x17E00] =	vst v63  }
0x83: {  	s28 =	sadd.s32 $0x4F00, s26  }
0x84: {  	[spmem:s2] =	stream.indirect.scatter.add.f32 [tilespmem:s14], [sflag:$0x3], $0x40, s28, s17, $0xb8;
	[tilespmem:$0x17E00] =	vst v63  }
0x85: {  	_ =	swait.ge [sflag:s15], $0x2000  }
0x86: {  	[sflag:s15] =	ssyncset.done $0x0  }
0x87: {  	[sflag:s15] =	ssyncadd.s32 $0xFFFFE000  }
0x88: {  	_ =	swait.ge [sflag:s21], $0x1000  }
0x89: {  	[sflag:s21] =	ssyncset.done $0x0  }
0x8a: {  	s29 =	simm.s32 $0x16E80;
	[sflag:s21] =	ssyncadd.s32 $0xFFFFF000  }
0x8b: {  	v1 =	vld [tilespmem:s29+$0x60];
	_ =	sdelay $0x1  }
0x8c: {  	v2 =	vld [tilespmem:s29+$0xFFFFFFA0];
	_ =	sdelay $0x1  }
0x8d: {  	v3 =	vld [tilespmem:s29+$0xFFFFFFC0]  }
0x8e: {  	s28 =	simm.s32 $0x13F00;
	v4 =	vunpack.i.l.bf16.f32 v1  }
0x8f: {  	v5 =	vld [tilespmem:s29+$0xFFFFFFE0];
	v1 =	vunpack.i.u.bf16.f32 v1;
	[tilespmem:s28+$0xC0] =	vst v4  }
0x90: {  	v6 =	vld [tilespmem:s29+$0xFFFFFF80];
	v4 =	vunpack.i.l.bf16.f32 v2;
	[tilespmem:s28+$0xD0] =	vst v1  }
0x91: {  	v1 =	vunpack.i.u.bf16.f32 v2;
	[tilespmem:s28+$0xFFFFFF40] =	vst v4  }
0x92: {  	v2 =	vld [tilespmem:s29+$0x70];
	v4 =	vunpack.i.l.bf16.f32 v3;
	[tilespmem:s28+$0xFFFFFF50] =	vst v1  }
0x93: {  	v1 =	vunpack.i.u.bf16.f32 v3;
	[tilespmem:s28+$0xFFFFFF80] =	vst v4  }
0x94: {  	v3 =	vld [tilespmem:s29+$0x0];
	v4 =	vunpack.i.l.bf16.f32 v5;
	[tilespmem:s28+$0xFFFFFF90] =	vst v1  }
0x95: {  	v1 =	vunpack.i.l.bf16.f32 v6;
	[tilespmem:s28+$0xFFFFFFC0] =	vst v4  }
0x96: {  	v6 =	vunpack.i.u.bf16.f32 v6;
	v4 =	vld [tilespmem:s29+$0x20];
	[tilespmem:s28+$0xFFFFFF00] =	vst v1  }
0x97: {  	[tilespmem:s28+$0xFFFFFF10] =	vst v6;
	v1 =	vunpack.i.u.bf16.f32 v2  }
0x98: {  	v5 =	vunpack.i.u.bf16.f32 v5;
	[tilespmem:s28+$0xF0] =	vst v1;
	v1 =	vld [tilespmem:s29+$0x40]  }
0x99: {  	[tilespmem:s28+$0xFFFFFFD0] =	vst v5;
	v6 =	vunpack.i.l.bf16.f32 v3  }
0x9a: {  	v5 =	vld [tilespmem:s29+$0xFFFFFF90];
	v3 =	vunpack.i.u.bf16.f32 v3;
	[tilespmem:s28+$0x0] =	vst v6  }
0x9b: {  	[tilespmem:s28+$0x10] =	vst v3;
	v6 =	vunpack.i.l.bf16.f32 v4  }
0x9c: {  	v3 =	vld [tilespmem:s29+$0xFFFFFFB0];
	v4 =	vunpack.i.u.bf16.f32 v4;
	[tilespmem:s28+$0x40] =	vst v6  }
0x9d: {  	[tilespmem:s28+$0x50] =	vst v4;
	v6 =	vunpack.i.l.bf16.f32 v1  }
0x9e: {  	v4 =	vld [tilespmem:s29+$0xFFFFFFD0];
	v1 =	vunpack.i.u.bf16.f32 v1;
	[tilespmem:s28+$0x80] =	vst v6  }
0x9f: {  	v6 =	vunpack.i.l.bf16.f32 v5;
	[tilespmem:s28+$0x90] =	vst v1  }
0xa0: {  	v7 =	vld [tilespmem:s29+$0xFFFFFFF0];
	v1 =	vunpack.i.u.bf16.f32 v5;
	[tilespmem:s28+$0xFFFFFF20] =	vst v6  }
0xa1: {  	v8 =	vld [tilespmem:s29+$0x30];
	v5 =	vunpack.i.l.bf16.f32 v3;
	[tilespmem:s28+$0xFFFFFF30] =	vst v1  }
0xa2: {  	v6 =	vld [tilespmem:s29+$0x10];
	v1 =	vunpack.i.u.bf16.f32 v3;
	[tilespmem:s28+$0xFFFFFF60] =	vst v5  }
0xa3: {  	v3 =	vunpack.i.l.bf16.f32 v4;
	v5 =	vld [tilespmem:s29+$0x50];
	[tilespmem:s28+$0xFFFFFF70] =	vst v1  }
0xa4: {  	v1 =	vunpack.i.u.bf16.f32 v4;
	[tilespmem:s28+$0xFFFFFFA0] =	vst v3  }
0xa5: {  	v3 =	vunpack.i.l.bf16.f32 v7;
	[tilespmem:s28+$0xFFFFFFB0] =	vst v1  }
0xa6: {  	v4 =	vunpack.i.u.bf16.f32 v7;
	v1 =	vunpack.i.l.bf16.f32 v2;
	[tilespmem:s28+$0xFFFFFFE0] =	vst v3  }
0xa7: {  	v2 =	vunpack.i.u.bf16.f32 v8;
	[tilespmem:s28+$0xFFFFFFF0] =	vst v4;
	v3 =	vunpack.i.u.bf16.f32 v6;
	v7 =	vunpack.i.l.bf16.f32 v6  }
0xa8: {  	s30 =	simm.s32 $0x16F80;
	s29 =	simm.s32 $0x0;
	v6 =	vunpack.i.l.bf16.f32 v8;
	v4 =	vunpack.i.u.bf16.f32 v5;
	v5 =	vunpack.i.l.bf16.f32 v5;
	[tilespmem:s28+$0x20] =	vst v7  }
.LBB2_7:
0xa9: {  	v7 =	vld [tilespmem:s30+$0x60];
	[tilespmem:s28+$0x30] =	vst v3  }
0xaa: {  	s29 =	sadd.s32 $0x8, s29;
	v3 =	vld [tilespmem:s30+$0xFFFFFFA0];
	[tilespmem:s28+$0x60] =	vst v6  }
0xab: {  	p0 =	slt.u32 s29, $0x78;
	v6 =	vld [tilespmem:s30+$0xFFFFFFC0];
	[tilespmem:s28+$0x70] =	vst v2  }
0xac: {  	v2 =	vld [tilespmem:s30+$0xFFFFFFE0];
	[tilespmem:s28+$0xA0] =	vst v5  }
0xad: {  	v5 =	vld [tilespmem:s30+$0x0];
	[tilespmem:s28+$0xB0] =	vst v4  }
0xae: {  	v4 =	vld [tilespmem:s30+$0x20];
	v8 =	vunpack.i.l.bf16.f32 v7;
	[tilespmem:s28+$0xE0] =	vst v1;
	s28 =	sadd.s32 $0x200, s28  }
0xaf: {  	v7 =	vunpack.i.u.bf16.f32 v7;
	v1 =	vunpack.i.u.bf16.f32 v3;
	v3 =	vunpack.i.l.bf16.f32 v3;
	v9 =	vld [tilespmem:s30+$0x40];
	[tilespmem:s28+$0xC0] =	vst v8  }
0xb0: {  	v8 =	vld [tilespmem:s30+$0xFFFFFF80];
	v10 =	vunpack.i.u.bf16.f32 v6;
	v6 =	vunpack.i.l.bf16.f32 v6;
	[tilespmem:s28+$0xD0] =	vst v7  }
0xb1: {  	[tilespmem:s28+$0xFFFFFF40] =	vst v3;
	v3 =	vunpack.i.u.bf16.f32 v2;
	v2 =	vunpack.i.l.bf16.f32 v2;
	v7 =	vld [tilespmem:s30+$0x70]  }
0xb2: {  	[tilespmem:s28+$0xFFFFFF50] =	vst v1;
	v11 =	vunpack.i.u.bf16.f32 v5;
	v5 =	vunpack.i.l.bf16.f32 v5  }
0xb3: {  	v12 =	vld [tilespmem:s30+$0xFFFFFFB0];
	[tilespmem:s28+$0xFFFFFF80] =	vst v6;
	v6 =	vunpack.i.u.bf16.f32 v4;
	v4 =	vunpack.i.l.bf16.f32 v4  }
0xb4: {  	[tilespmem:s28+$0xFFFFFF90] =	vst v10;
	v10 =	vunpack.i.u.bf16.f32 v9;
	v9 =	vunpack.i.l.bf16.f32 v9  }
0xb5: {  	v13 =	vunpack.i.u.bf16.f32 v8;
	v1 =	vunpack.i.l.bf16.f32 v8;
	v8 =	vld [tilespmem:s30+$0xFFFFFFD0];
	[tilespmem:s28+$0xFFFFFFC0] =	vst v2  }
0xb6: {  	[tilespmem:s28+$0xFFFFFF00] =	vst v1;
	v2 =	vunpack.i.u.bf16.f32 v7;
	v1 =	vunpack.i.l.bf16.f32 v7  }
0xb7: {  	[tilespmem:s28+$0xF0] =	vst v2  }
0xb8: {  	[tilespmem:s28+$0xFFFFFF10] =	vst v13;
	v2 =	vunpack.i.u.bf16.f32 v12;
	v7 =	vunpack.i.l.bf16.f32 v12  }
0xb9: {  	v12 =	vld [tilespmem:s30+$0xFFFFFF90];
	[tilespmem:s28+$0xFFFFFFD0] =	vst v3  }
0xba: {  	v13 =	vunpack.i.u.bf16.f32 v8;
	v8 =	vunpack.i.l.bf16.f32 v8;
	v3 =	vld [tilespmem:s30+$0xFFFFFFF0];
	[tilespmem:s28+$0x0] =	vst v5  }
0xbb: {  	[tilespmem:s28+$0x10] =	vst v11  }
0xbc: {  	v5 =	vld [tilespmem:s30+$0x10];
	[tilespmem:s28+$0x40] =	vst v4  }
0xbd: {  	[tilespmem:s28+$0x50] =	vst v6  }
0xbe: {  	v4 =	vunpack.i.u.bf16.f32 v12;
	v6 =	vunpack.i.l.bf16.f32 v12;
	v11 =	vld [tilespmem:s30+$0x30];
	[tilespmem:s28+$0x80] =	vst v9  }
0xbf: {  	v9 =	vunpack.i.u.bf16.f32 v3;
	v12 =	vunpack.i.l.bf16.f32 v3;
	[tilespmem:s28+$0x90] =	vst v10  }
0xc0: {  	[tilespmem:s28+$0xFFFFFF20] =	vst v6;
	v10 =	vld [tilespmem:s30+$0x50]  }
0xc1: {  	[tilespmem:s28+$0xFFFFFF30] =	vst v4;
	v3 =	vunpack.i.u.bf16.f32 v5;
	v14 =	vunpack.i.l.bf16.f32 v5  }
0xc2: {  	[tilespmem:s28+$0xFFFFFF60] =	vst v7  }
0xc3: {  	[tilespmem:s28+$0xFFFFFF70] =	vst v2;
	v2 =	vunpack.i.u.bf16.f32 v11;
	v6 =	vunpack.i.l.bf16.f32 v11  }
.Ltmp2:
0xc4: {  	[tilespmem:s28+$0xFFFFFFA0] =	vst v8;
	(pc) =	sbr.rel @p0 .LBB2_7-.Ltmp2, $4  }
0xc5: {  	[tilespmem:s28+$0xFFFFFFB0] =	vst v13;
	v4 =	vunpack.i.u.bf16.f32 v10;
	v5 =	vunpack.i.l.bf16.f32 v10  }
0xc6: {  	[tilespmem:s28+$0xFFFFFFE0] =	vst v12  }
0xc7: {  	[tilespmem:s28+$0xFFFFFFF0] =	vst v9  }
0xc8: {  	s30 =	sadd.s32 $0x100, s30;
	[tilespmem:s28+$0x20] =	vst v14  }
0xc9: {  	[tilespmem:s28+$0x30] =	vst v3  }
0xca: {  	[tilespmem:s28+$0x60] =	vst v6  }
0xcb: {  	[tilespmem:s28+$0x70] =	vst v2  }
0xcc: {  	[tilespmem:s28+$0xA0] =	vst v5  }
0xcd: {  	[tilespmem:s28+$0xB0] =	vst v4  }
0xce: {  	[tilespmem:s28+$0xE0] =	vst v1;
	s30 =	sadd.s32 $0x180, s26;
	s25 =	sadd.s32 $0x1, s25  }
0xcf: {  	[tilespmem:s19], [sflag:$0x2] =	stream.indirect.gather [hbm4b:s7+s17], $0x20, s30, s17, $0xb8;
	[tilespmem:$0x17E00] =	vst v63  }
0xd0: {  	p0 =	sne.s32 s25, $0x4E  }
.Ltmp3:
0xd1: {  	s31 =	sadd.s32 $0x4F80, s26;
	(pc) =	sbr.rel @p0 .LBB2_4-.Ltmp3, $4  }
0xd2: {  	[spmem:s2] =	stream.indirect.scatter.add.f32 [tilespmem:s14], [sflag:$0x3], $0x40, s31, s17, $0xb8;
	[tilespmem:$0x17E00] =	vst v63  }
0xd3: {  	_ =	swait.ge [sflag:s15], $0x2000  }
0xd4: {  	[sflag:s15] =	ssyncset.done $0x0  }
0xd5: {  	[sflag:s15] =	ssyncadd.s32 $0xFFFFE000  }
0xd6: {  	_ =	swait.ge [sflag:s20], $0x1000  }
0xd7: {  	[sflag:s20] =	ssyncset.done $0x0  }
0xd8: {  	s26 =	simm.s32 $0x15E80;
	[sflag:s20] =	ssyncadd.s32 $0xFFFFF000  }
0xd9: {  	v1 =	vld [tilespmem:s26+$0x60];
	_ =	sdelay $0x1  }
0xda: {  	v2 =	vld [tilespmem:s26+$0xFFFFFFA0];
	_ =	sdelay $0x1  }
0xdb: {  	v3 =	vld [tilespmem:s26+$0xFFFFFFC0]  }
0xdc: {  	s25 =	simm.s32 $0x13F00;
	v4 =	vunpack.i.l.bf16.f32 v1  }
0xdd: {  	v5 =	vld [tilespmem:s26+$0xFFFFFFE0];
	v1 =	vunpack.i.u.bf16.f32 v1;
	[tilespmem:s25+$0xC0] =	vst v4  }
0xde: {  	v6 =	vld [tilespmem:s26+$0xFFFFFF80];
	v4 =	vunpack.i.l.bf16.f32 v2;
	[tilespmem:s25+$0xD0] =	vst v1  }
0xdf: {  	v1 =	vunpack.i.u.bf16.f32 v2;
	[tilespmem:s25+$0xFFFFFF40] =	vst v4  }
0xe0: {  	v2 =	vld [tilespmem:s26+$0x70];
	v4 =	vunpack.i.l.bf16.f32 v3;
	[tilespmem:s25+$0xFFFFFF50] =	vst v1  }
0xe1: {  	v1 =	vunpack.i.u.bf16.f32 v3;
	[tilespmem:s25+$0xFFFFFF80] =	vst v4  }
0xe2: {  	v3 =	vld [tilespmem:s26+$0x0];
	v4 =	vunpack.i.l.bf16.f32 v5;
	[tilespmem:s25+$0xFFFFFF90] =	vst v1  }
0xe3: {  	v1 =	vunpack.i.l.bf16.f32 v6;
	[tilespmem:s25+$0xFFFFFFC0] =	vst v4  }
0xe4: {  	v6 =	vunpack.i.u.bf16.f32 v6;
	v4 =	vld [tilespmem:s26+$0x20];
	[tilespmem:s25+$0xFFFFFF00] =	vst v1  }
0xe5: {  	[tilespmem:s25+$0xFFFFFF10] =	vst v6;
	v1 =	vunpack.i.u.bf16.f32 v2  }
0xe6: {  	v5 =	vunpack.i.u.bf16.f32 v5;
	[tilespmem:s25+$0xF0] =	vst v1;
	v1 =	vld [tilespmem:s26+$0x40]  }
0xe7: {  	[tilespmem:s25+$0xFFFFFFD0] =	vst v5;
	v6 =	vunpack.i.l.bf16.f32 v3  }
0xe8: {  	v5 =	vld [tilespmem:s26+$0xFFFFFF90];
	v3 =	vunpack.i.u.bf16.f32 v3;
	[tilespmem:s25+$0x0] =	vst v6  }
0xe9: {  	[tilespmem:s25+$0x10] =	vst v3;
	v6 =	vunpack.i.l.bf16.f32 v4  }
0xea: {  	v3 =	vld [tilespmem:s26+$0xFFFFFFB0];
	v4 =	vunpack.i.u.bf16.f32 v4;
	[tilespmem:s25+$0x40] =	vst v6  }
0xeb: {  	[tilespmem:s25+$0x50] =	vst v4;
	v6 =	vunpack.i.l.bf16.f32 v1  }
0xec: {  	v4 =	vld [tilespmem:s26+$0xFFFFFFD0];
	v1 =	vunpack.i.u.bf16.f32 v1;
	[tilespmem:s25+$0x80] =	vst v6  }
0xed: {  	v6 =	vunpack.i.l.bf16.f32 v5;
	[tilespmem:s25+$0x90] =	vst v1  }
0xee: {  	v7 =	vld [tilespmem:s26+$0xFFFFFFF0];
	v1 =	vunpack.i.u.bf16.f32 v5;
	[tilespmem:s25+$0xFFFFFF20] =	vst v6  }
0xef: {  	v8 =	vld [tilespmem:s26+$0x30];
	v5 =	vunpack.i.l.bf16.f32 v3;
	[tilespmem:s25+$0xFFFFFF30] =	vst v1  }
0xf0: {  	v6 =	vld [tilespmem:s26+$0x10];
	v1 =	vunpack.i.u.bf16.f32 v3;
	[tilespmem:s25+$0xFFFFFF60] =	vst v5  }
0xf1: {  	v3 =	vunpack.i.l.bf16.f32 v4;
	v5 =	vld [tilespmem:s26+$0x50];
	[tilespmem:s25+$0xFFFFFF70] =	vst v1  }
0xf2: {  	v1 =	vunpack.i.u.bf16.f32 v4;
	[tilespmem:s25+$0xFFFFFFA0] =	vst v3  }
0xf3: {  	v3 =	vunpack.i.l.bf16.f32 v7;
	[tilespmem:s25+$0xFFFFFFB0] =	vst v1  }
0xf4: {  	v4 =	vunpack.i.u.bf16.f32 v7;
	v1 =	vunpack.i.l.bf16.f32 v2;
	[tilespmem:s25+$0xFFFFFFE0] =	vst v3  }
0xf5: {  	v2 =	vunpack.i.u.bf16.f32 v8;
	[tilespmem:s25+$0xFFFFFFF0] =	vst v4;
	v3 =	vunpack.i.u.bf16.f32 v6;
	v7 =	vunpack.i.l.bf16.f32 v6  }
0xf6: {  	s28 =	simm.s32 $0x15F80;
	s26 =	simm.s32 $0x0;
	v6 =	vunpack.i.l.bf16.f32 v8;
	v4 =	vunpack.i.u.bf16.f32 v5;
	v5 =	vunpack.i.l.bf16.f32 v5;
	[tilespmem:s25+$0x20] =	vst v7  }
.LBB2_10:
0xf7: {  	v7 =	vld [tilespmem:s28+$0x60];
	[tilespmem:s25+$0x30] =	vst v3  }
0xf8: {  	s26 =	sadd.s32 $0x8, s26;
	v3 =	vld [tilespmem:s28+$0xFFFFFFA0];
	[tilespmem:s25+$0x60] =	vst v6  }
0xf9: {  	p0 =	slt.u32 s26, $0x78;
	v6 =	vld [tilespmem:s28+$0xFFFFFFC0];
	[tilespmem:s25+$0x70] =	vst v2  }
0xfa: {  	v2 =	vld [tilespmem:s28+$0xFFFFFFE0];
	[tilespmem:s25+$0xA0] =	vst v5  }
0xfb: {  	v5 =	vld [tilespmem:s28+$0x0];
	[tilespmem:s25+$0xB0] =	vst v4  }
0xfc: {  	v4 =	vld [tilespmem:s28+$0x20];
	v8 =	vunpack.i.l.bf16.f32 v7;
	[tilespmem:s25+$0xE0] =	vst v1;
	s25 =	sadd.s32 $0x200, s25  }
0xfd: {  	v7 =	vunpack.i.u.bf16.f32 v7;
	v1 =	vunpack.i.u.bf16.f32 v3;
	v3 =	vunpack.i.l.bf16.f32 v3;
	v9 =	vld [tilespmem:s28+$0x40];
	[tilespmem:s25+$0xC0] =	vst v8  }
0xfe: {  	v8 =	vld [tilespmem:s28+$0xFFFFFF80];
	v10 =	vunpack.i.u.bf16.f32 v6;
	v6 =	vunpack.i.l.bf16.f32 v6;
	[tilespmem:s25+$0xD0] =	vst v7  }
0xff: {  	[tilespmem:s25+$0xFFFFFF40] =	vst v3;
	v3 =	vunpack.i.u.bf16.f32 v2;
	v2 =	vunpack.i.l.bf16.f32 v2;
	v7 =	vld [tilespmem:s28+$0x70]  }
0x100: {  	[tilespmem:s25+$0xFFFFFF50] =	vst v1;
	v11 =	vunpack.i.u.bf16.f32 v5;
	v5 =	vunpack.i.l.bf16.f32 v5  }
0x101: {  	v12 =	vld [tilespmem:s28+$0xFFFFFFB0];
	[tilespmem:s25+$0xFFFFFF80] =	vst v6;
	v6 =	vunpack.i.u.bf16.f32 v4;
	v4 =	vunpack.i.l.bf16.f32 v4  }
0x102: {  	[tilespmem:s25+$0xFFFFFF90] =	vst v10;
	v10 =	vunpack.i.u.bf16.f32 v9;
	v9 =	vunpack.i.l.bf16.f32 v9  }
0x103: {  	v13 =	vunpack.i.u.bf16.f32 v8;
	v1 =	vunpack.i.l.bf16.f32 v8;
	v8 =	vld [tilespmem:s28+$0xFFFFFFD0];
	[tilespmem:s25+$0xFFFFFFC0] =	vst v2  }
0x104: {  	[tilespmem:s25+$0xFFFFFF00] =	vst v1;
	v2 =	vunpack.i.u.bf16.f32 v7;
	v1 =	vunpack.i.l.bf16.f32 v7  }
0x105: {  	[tilespmem:s25+$0xF0] =	vst v2  }
0x106: {  	[tilespmem:s25+$0xFFFFFF10] =	vst v13;
	v2 =	vunpack.i.u.bf16.f32 v12;
	v7 =	vunpack.i.l.bf16.f32 v12  }
0x107: {  	v12 =	vld [tilespmem:s28+$0xFFFFFF90];
	[tilespmem:s25+$0xFFFFFFD0] =	vst v3  }
0x108: {  	v13 =	vunpack.i.u.bf16.f32 v8;
	v8 =	vunpack.i.l.bf16.f32 v8;
	v3 =	vld [tilespmem:s28+$0xFFFFFFF0];
	[tilespmem:s25+$0x0] =	vst v5  }
0x109: {  	[tilespmem:s25+$0x10] =	vst v11  }
0x10a: {  	v5 =	vld [tilespmem:s28+$0x10];
	[tilespmem:s25+$0x40] =	vst v4  }
0x10b: {  	[tilespmem:s25+$0x50] =	vst v6  }
0x10c: {  	v4 =	vunpack.i.u.bf16.f32 v12;
	v6 =	vunpack.i.l.bf16.f32 v12;
	v11 =	vld [tilespmem:s28+$0x30];
	[tilespmem:s25+$0x80] =	vst v9  }
0x10d: {  	v9 =	vunpack.i.u.bf16.f32 v3;
	v12 =	vunpack.i.l.bf16.f32 v3;
	[tilespmem:s25+$0x90] =	vst v10  }
0x10e: {  	[tilespmem:s25+$0xFFFFFF20] =	vst v6;
	v10 =	vld [tilespmem:s28+$0x50]  }
0x10f: {  	[tilespmem:s25+$0xFFFFFF30] =	vst v4;
	v3 =	vunpack.i.u.bf16.f32 v5;
	v14 =	vunpack.i.l.bf16.f32 v5  }
0x110: {  	[tilespmem:s25+$0xFFFFFF60] =	vst v7  }
0x111: {  	[tilespmem:s25+$0xFFFFFF70] =	vst v2;
	v2 =	vunpack.i.u.bf16.f32 v11;
	v6 =	vunpack.i.l.bf16.f32 v11  }
.Ltmp4:
0x112: {  	[tilespmem:s25+$0xFFFFFFA0] =	vst v8;
	(pc) =	sbr.rel @p0 .LBB2_10-.Ltmp4, $4  }
0x113: {  	[tilespmem:s25+$0xFFFFFFB0] =	vst v13;
	v4 =	vunpack.i.u.bf16.f32 v10;
	v5 =	vunpack.i.l.bf16.f32 v10  }
0x114: {  	[tilespmem:s25+$0xFFFFFFE0] =	vst v12  }
0x115: {  	[tilespmem:s25+$0xFFFFFFF0] =	vst v9  }
0x116: {  	s28 =	sadd.s32 $0x100, s28;
	[tilespmem:s25+$0x20] =	vst v14  }
0x117: {  	[tilespmem:s25+$0x30] =	vst v3  }
0x118: {  	[tilespmem:s25+$0x60] =	vst v6  }
0x119: {  	[tilespmem:s25+$0x70] =	vst v2  }
0x11a: {  	[tilespmem:s25+$0xA0] =	vst v5  }
0x11b: {  	[tilespmem:s25+$0xB0] =	vst v4  }
0x11c: {  	[tilespmem:s25+$0xE0] =	vst v1  }
0x11d: {  	[spmem:s2] =	stream.indirect.scatter.add.f32 [tilespmem:s14], [sflag:$0x3], $0x40, s22, s17, $0xb8;
	[tilespmem:$0x17E00] =	vst v63  }
0x11e: {  	_ =	swait.ge [sflag:s15], $0x2000  }
0x11f: {  	[sflag:s15] =	ssyncset.done $0x0  }
0x120: {  	[sflag:s15] =	ssyncadd.s32 $0xFFFFE000  }
0x121: {  	_ =	swait.ge [sflag:s21], $0x1000  }
0x122: {  	[sflag:s21] =	ssyncset.done $0x0  }
0x123: {  	s26 =	simm.s32 $0x16E80;
	[sflag:s21] =	ssyncadd.s32 $0xFFFFF000  }
0x124: {  	v1 =	vld [tilespmem:s26+$0x60];
	_ =	sdelay $0x1  }
0x125: {  	v2 =	vld [tilespmem:s26+$0xFFFFFFA0];
	_ =	sdelay $0x1  }
0x126: {  	v3 =	vld [tilespmem:s26+$0xFFFFFFC0]  }
0x127: {  	s25 =	simm.s32 $0x13F00;
	v4 =	vunpack.i.l.bf16.f32 v1  }
0x128: {  	v5 =	vld [tilespmem:s26+$0xFFFFFFE0];
	v1 =	vunpack.i.u.bf16.f32 v1;
	[tilespmem:s25+$0xC0] =	vst v4  }
0x129: {  	v6 =	vld [tilespmem:s26+$0xFFFFFF80];
	v4 =	vunpack.i.l.bf16.f32 v2;
	[tilespmem:s25+$0xD0] =	vst v1  }
0x12a: {  	v1 =	vunpack.i.u.bf16.f32 v2;
	[tilespmem:s25+$0xFFFFFF40] =	vst v4  }
0x12b: {  	v2 =	vld [tilespmem:s26+$0x70];
	v4 =	vunpack.i.l.bf16.f32 v3;
	[tilespmem:s25+$0xFFFFFF50] =	vst v1  }
0x12c: {  	v1 =	vunpack.i.u.bf16.f32 v3;
	[tilespmem:s25+$0xFFFFFF80] =	vst v4  }
0x12d: {  	v3 =	vld [tilespmem:s26+$0x0];
	v4 =	vunpack.i.l.bf16.f32 v5;
	[tilespmem:s25+$0xFFFFFF90] =	vst v1  }
0x12e: {  	v1 =	vunpack.i.l.bf16.f32 v6;
	[tilespmem:s25+$0xFFFFFFC0] =	vst v4  }
0x12f: {  	v6 =	vunpack.i.u.bf16.f32 v6;
	v4 =	vld [tilespmem:s26+$0x20];
	[tilespmem:s25+$0xFFFFFF00] =	vst v1  }
0x130: {  	[tilespmem:s25+$0xFFFFFF10] =	vst v6;
	v1 =	vunpack.i.u.bf16.f32 v2  }
0x131: {  	v5 =	vunpack.i.u.bf16.f32 v5;
	[tilespmem:s25+$0xF0] =	vst v1;
	v1 =	vld [tilespmem:s26+$0x40]  }
0x132: {  	[tilespmem:s25+$0xFFFFFFD0] =	vst v5;
	v6 =	vunpack.i.l.bf16.f32 v3  }
0x133: {  	v5 =	vld [tilespmem:s26+$0xFFFFFF90];
	v3 =	vunpack.i.u.bf16.f32 v3;
	[tilespmem:s25+$0x0] =	vst v6  }
0x134: {  	[tilespmem:s25+$0x10] =	vst v3;
	v6 =	vunpack.i.l.bf16.f32 v4  }
0x135: {  	v3 =	vld [tilespmem:s26+$0xFFFFFFB0];
	v4 =	vunpack.i.u.bf16.f32 v4;
	[tilespmem:s25+$0x40] =	vst v6  }
0x136: {  	[tilespmem:s25+$0x50] =	vst v4;
	v6 =	vunpack.i.l.bf16.f32 v1  }
0x137: {  	v4 =	vld [tilespmem:s26+$0xFFFFFFD0];
	v1 =	vunpack.i.u.bf16.f32 v1;
	[tilespmem:s25+$0x80] =	vst v6  }
0x138: {  	v6 =	vunpack.i.l.bf16.f32 v5;
	[tilespmem:s25+$0x90] =	vst v1  }
0x139: {  	v7 =	vld [tilespmem:s26+$0xFFFFFFF0];
	v1 =	vunpack.i.u.bf16.f32 v5;
	[tilespmem:s25+$0xFFFFFF20] =	vst v6  }
0x13a: {  	v8 =	vld [tilespmem:s26+$0x30];
	v5 =	vunpack.i.l.bf16.f32 v3;
	[tilespmem:s25+$0xFFFFFF30] =	vst v1  }
0x13b: {  	v6 =	vld [tilespmem:s26+$0x10];
	v1 =	vunpack.i.u.bf16.f32 v3;
	[tilespmem:s25+$0xFFFFFF60] =	vst v5  }
0x13c: {  	v3 =	vunpack.i.l.bf16.f32 v4;
	v5 =	vld [tilespmem:s26+$0x50];
	[tilespmem:s25+$0xFFFFFF70] =	vst v1  }
0x13d: {  	v1 =	vunpack.i.u.bf16.f32 v4;
	[tilespmem:s25+$0xFFFFFFA0] =	vst v3  }
0x13e: {  	v3 =	vunpack.i.l.bf16.f32 v7;
	[tilespmem:s25+$0xFFFFFFB0] =	vst v1  }
0x13f: {  	v4 =	vunpack.i.u.bf16.f32 v7;
	v1 =	vunpack.i.l.bf16.f32 v2;
	[tilespmem:s25+$0xFFFFFFE0] =	vst v3  }
0x140: {  	v2 =	vunpack.i.u.bf16.f32 v8;
	[tilespmem:s25+$0xFFFFFFF0] =	vst v4;
	v3 =	vunpack.i.u.bf16.f32 v6;
	v7 =	vunpack.i.l.bf16.f32 v6  }
0x141: {  	s28 =	simm.s32 $0x16F80;
	s26 =	simm.s32 $0x0;
	v6 =	vunpack.i.l.bf16.f32 v8;
	v4 =	vunpack.i.u.bf16.f32 v5;
	v5 =	vunpack.i.l.bf16.f32 v5;
	[tilespmem:s25+$0x20] =	vst v7  }
.LBB2_12:
0x142: {  	v7 =	vld [tilespmem:s28+$0x60];
	[tilespmem:s25+$0x30] =	vst v3  }
0x143: {  	s26 =	sadd.s32 $0x8, s26;
	v3 =	vld [tilespmem:s28+$0xFFFFFFA0];
	[tilespmem:s25+$0x60] =	vst v6  }
0x144: {  	p0 =	slt.u32 s26, $0x78;
	v6 =	vld [tilespmem:s28+$0xFFFFFFC0];
	[tilespmem:s25+$0x70] =	vst v2  }
0x145: {  	v2 =	vld [tilespmem:s28+$0xFFFFFFE0];
	[tilespmem:s25+$0xA0] =	vst v5  }
0x146: {  	v5 =	vld [tilespmem:s28+$0x0];
	[tilespmem:s25+$0xB0] =	vst v4  }
0x147: {  	v4 =	vld [tilespmem:s28+$0x20];
	v8 =	vunpack.i.l.bf16.f32 v7;
	[tilespmem:s25+$0xE0] =	vst v1;
	s25 =	sadd.s32 $0x200, s25  }
0x148: {  	v7 =	vunpack.i.u.bf16.f32 v7;
	v1 =	vunpack.i.u.bf16.f32 v3;
	v3 =	vunpack.i.l.bf16.f32 v3;
	v9 =	vld [tilespmem:s28+$0x40];
	[tilespmem:s25+$0xC0] =	vst v8  }
0x149: {  	v8 =	vld [tilespmem:s28+$0xFFFFFF80];
	v10 =	vunpack.i.u.bf16.f32 v6;
	v6 =	vunpack.i.l.bf16.f32 v6;
	[tilespmem:s25+$0xD0] =	vst v7  }
0x14a: {  	[tilespmem:s25+$0xFFFFFF40] =	vst v3;
	v3 =	vunpack.i.u.bf16.f32 v2;
	v2 =	vunpack.i.l.bf16.f32 v2;
	v7 =	vld [tilespmem:s28+$0x70]  }
0x14b: {  	[tilespmem:s25+$0xFFFFFF50] =	vst v1;
	v11 =	vunpack.i.u.bf16.f32 v5;
	v5 =	vunpack.i.l.bf16.f32 v5  }
0x14c: {  	v12 =	vld [tilespmem:s28+$0xFFFFFFB0];
	[tilespmem:s25+$0xFFFFFF80] =	vst v6;
	v6 =	vunpack.i.u.bf16.f32 v4;
	v4 =	vunpack.i.l.bf16.f32 v4  }
0x14d: {  	[tilespmem:s25+$0xFFFFFF90] =	vst v10;
	v10 =	vunpack.i.u.bf16.f32 v9;
	v9 =	vunpack.i.l.bf16.f32 v9  }
0x14e: {  	v13 =	vunpack.i.u.bf16.f32 v8;
	v1 =	vunpack.i.l.bf16.f32 v8;
	v8 =	vld [tilespmem:s28+$0xFFFFFFD0];
	[tilespmem:s25+$0xFFFFFFC0] =	vst v2  }
0x14f: {  	[tilespmem:s25+$0xFFFFFF00] =	vst v1;
	v2 =	vunpack.i.u.bf16.f32 v7;
	v1 =	vunpack.i.l.bf16.f32 v7  }
0x150: {  	[tilespmem:s25+$0xF0] =	vst v2  }
0x151: {  	[tilespmem:s25+$0xFFFFFF10] =	vst v13;
	v2 =	vunpack.i.u.bf16.f32 v12;
	v7 =	vunpack.i.l.bf16.f32 v12  }
0x152: {  	v12 =	vld [tilespmem:s28+$0xFFFFFF90];
	[tilespmem:s25+$0xFFFFFFD0] =	vst v3  }
0x153: {  	v13 =	vunpack.i.u.bf16.f32 v8;
	v8 =	vunpack.i.l.bf16.f32 v8;
	v3 =	vld [tilespmem:s28+$0xFFFFFFF0];
	[tilespmem:s25+$0x0] =	vst v5  }
0x154: {  	[tilespmem:s25+$0x10] =	vst v11  }
0x155: {  	v5 =	vld [tilespmem:s28+$0x10];
	[tilespmem:s25+$0x40] =	vst v4  }
0x156: {  	[tilespmem:s25+$0x50] =	vst v6  }
0x157: {  	v4 =	vunpack.i.u.bf16.f32 v12;
	v6 =	vunpack.i.l.bf16.f32 v12;
	v11 =	vld [tilespmem:s28+$0x30];
	[tilespmem:s25+$0x80] =	vst v9  }
0x158: {  	v9 =	vunpack.i.u.bf16.f32 v3;
	v12 =	vunpack.i.l.bf16.f32 v3;
	[tilespmem:s25+$0x90] =	vst v10  }
0x159: {  	[tilespmem:s25+$0xFFFFFF20] =	vst v6;
	v10 =	vld [tilespmem:s28+$0x50]  }
0x15a: {  	[tilespmem:s25+$0xFFFFFF30] =	vst v4;
	v3 =	vunpack.i.u.bf16.f32 v5;
	v14 =	vunpack.i.l.bf16.f32 v5  }
0x15b: {  	[tilespmem:s25+$0xFFFFFF60] =	vst v7  }
0x15c: {  	[tilespmem:s25+$0xFFFFFF70] =	vst v2;
	v2 =	vunpack.i.u.bf16.f32 v11;
	v6 =	vunpack.i.l.bf16.f32 v11  }
.Ltmp5:
0x15d: {  	[tilespmem:s25+$0xFFFFFFA0] =	vst v8;
	(pc) =	sbr.rel @p0 .LBB2_12-.Ltmp5, $4  }
0x15e: {  	[tilespmem:s25+$0xFFFFFFB0] =	vst v13;
	v4 =	vunpack.i.u.bf16.f32 v10;
	v5 =	vunpack.i.l.bf16.f32 v10  }
0x15f: {  	[tilespmem:s25+$0xFFFFFFE0] =	vst v12  }
0x160: {  	[tilespmem:s25+$0xFFFFFFF0] =	vst v9  }
0x161: {  	s28 =	sadd.s32 $0x100, s28;
	[tilespmem:s25+$0x20] =	vst v14  }
0x162: {  	[tilespmem:s25+$0x30] =	vst v3  }
0x163: {  	[tilespmem:s25+$0x60] =	vst v6  }
0x164: {  	[tilespmem:s25+$0x70] =	vst v2  }
0x165: {  	[tilespmem:s25+$0xA0] =	vst v5  }
0x166: {  	[tilespmem:s25+$0xB0] =	vst v4  }
0x167: {  	[tilespmem:s25+$0xE0] =	vst v1  }
0x168: {  	[spmem:s2] =	stream.indirect.scatter.add.f32 [tilespmem:s14], [sflag:$0x3], $0x40, s23, s17, $0xb8;
	[tilespmem:$0x17E00] =	vst v63  }
0x169: {  	_ =	swait.ge [sflag:s15], $0x2000  }
0x16a: {  	s3 =	sadd.s32 $0x1, s3;
	[sflag:s15] =	ssyncset.done $0x0  }
0x16b: {  	s31 =	sshll.u32 s1, $0x6;
	p0 =	sne.s32 s3, s9;
	[sflag:s15] =	ssyncadd.s32 $0xFFFFE000  }
.Ltmp6:
0x16c: {  	s25 =	sor.u32 $0x1C03, s31;
	[bflag:$0x0] =	sbarrier.arrive $0xFFFF;
	(pc) =	sbr.rel @p0 .LBB2_1-.Ltmp6, $4  }
0x16d: {  	[hbm:s8], [sflag:s25] =	dma.local [spmem:s24], $0x1400  }
0x16e: {  	_ =	swait.ge [sflag:s15], $0x1400  }
0x16f: {  	[sflag:s15] =	ssyncset.done $0x0  }
0x170: {  	[sflag:s15] =	ssyncadd.s32 $0xFFFFEC00  }
0x171: {  	_ =	sfence.sel $0x180000  }
0x172: {  	[bflag:$0x0] =	sbarrier.arrive $0xFFFF  }
0x173: {  	p0 =	sne.s32 s1, $0x0;
	_ =	strace $0x9000004A  }
0x174: {  	s0 =	sadd.s32 @!p0 $0x100000, s0;
	[bflag:$0x2] =	sbarrier.arrive $0xFFFF  }
0x175: {  	[sflag:s0] =	ssyncadd.tile.s32 @!p0 $0x1;
	_ =	shalt  }
.Lfunc_end2:
_tile_overlayer_lowered:
.L_overlay_start_2:
0x176: {  	(tag) =	ssettag $0x2  }
0x177: {  	s0 =	rddreg [dreg:$0x0];
	s2 =	stileid.u32  }
0x178: {  	s1 =	rddreg [dreg:$0x1];
	p0 =	sne.s32 s2, $0x0  }
0x179: {  	s3 =	rddreg [dreg:$0x2];
	[bflag:$0x3] =	sbarrier.arrive $0xFFFF;
	s2 =	simm.s32 @!p0 $0x1C03  }
0x17a: {  	[timem:s3], [sflag:s2] =	dma.local @!p0 [hbm:s0], s1  }
0x17b: {  	s0 =	simm.s32 @!p0 $0x3  }
0x17c: {  	_ =	swait.ge @!p0 [sflag:s0], s1  }
0x17d: {  	s1 =	ssub.s32 @!p0 $0x0, s1;
	[sflag:s0] =	ssyncset.done @!p0 $0x0  }
0x17e: {  	[sflag:s0] =	ssyncadd.s32 @!p0 s1  }
0x17f: {  	[bflag:$0x3] =	sbarrier.arrive $0xFFFF  }
0x180: {  	_ =	shalt  }

// kernel: kernel.14.cloned.1.call-start
scs
__scs_entry_jumppad:
0x0: {  	(pc) =	sbr.rel $0x88, $3  }
0x1: {  	(tag) =	ssettag $0x0;
	lr =	simm.s32 $0x1  }
0x2: {  	[smem:$0x3F97] =	sst lr;
	_ =	strace $0xD0000000  }
0x3: {  	_ = 	snop  }
0x4: {  	_ = 	snop  }
0x5: {  	_ = 	snop  }
0x6: {  	_ = 	snop  }
0x7: {  	_ = 	snop  }
__scs_overlays_trampoline_lowered:
0x8: {  	[smem:$0x3FA6] =	sst s0  }
0x9: {  	[smem:$0x3FA7] =	sst s1  }
0xa: {  	[smem:$0x3FA8] =	sst s2  }
0xb: {  	[smem:$0x3FA9] =	sst s3  }
0xc: {  	[smem:$0x3FAA] =	sst s4  }
0xd: {  	[smem:$0x3FAB] =	sst s5  }
0xe: {  	[smem:$0x3FAC] =	sst s6  }
0xf: {  	[smem:$0x3FAD] =	sst s7  }
0x10: {  	[smem:$0x3FAE] =	sst s8  }
0x11: {  	[smem:$0x3FAF] =	sst s9;
	s0 =	simm.s32 @!p0 $0x0  }
0x12: {  	s1 =	sld [smem:$0x3F95];
	s0 =	simm.s32 @p0 $0x1  }
0x13: {  	[smem:$0x3FB0] =	sst s0;
	s0 =	simm.s32 @!p1 $0x0  }
0x14: {  	s2 =	sld [smem:$0x3F94];
	s0 =	simm.s32 @p1 $0x1  }
0x15: {  	[smem:$0x3FB1] =	sst s0;
	s0 =	simm.s32 @!p2 $0x0  }
0x16: {  	s3 =	sld [smem:$0x3FDB];
	s0 =	simm.s32 @p2 $0x1  }
0x17: {  	s4 =	simm.s32 $0x1BF5;
	[smem:$0x3FB3] =	sst s0  }
0x18: {  	s0 =	sld [smem:$0x3F96];
	_ =	swait.ge [sflag:s4], $0x0  }
0x19: {  	s7 =	sld [smem:$0x3F97]  }
0x1a: {  	s8 =	sadd.s32 $0xFFFFE003, lr  }
0x1b: {  	s9 =	sadd.s32 $0xFFFFFEF7, lr;
	s5 =	simm.s32 $0xFFFFFFFF;
	p2 =	slt.u32 s8, $0xFFFFF086  }
0x1c: {  	p1 =	slt.u32 s9, $0xF7A;
	s5 =	simm.s32 @!p2 $0x0  }
0x1d: {  	s5 =	simm.s32 @p1 $0x1;
	p0 =	seq.s32 s7, s2  }
0x1e: {  	s7 =	smul.u32 @!p0 $0xF7A, s2;
	p2 =	seq.s32 @!p0 s5, $0x0  }
0x1f: {  	s9 =	smul.u32 $0xF7A, s1;
	s8 =	simm.s32 @!p0 $0x1BF5;
	p2 =	por !p2, p0  }
0x20: {  	[sflag:s8] =	ssyncset.s32 @!p0 $0xFFFFF086;
	s6 =	sadd.s32 @!p0 s3, s7;
	s7 =	simm.s32 @!p0 $0x108  }
0x21: {  	s3 =	sadd.s32 s3, s9;
	s6 =	sadd.s32 @!p0 $0x88, s6;
	s7 =	simm.s32 @p2 $0x1082  }
0x22: {  	[simem:s7], [sflag:s8] =	dma.local @!p0 [hbm:s6], $0xF7A  }
0x23: {  	s9 =	sor.u32 $0xD0000000, s2;
	s6 =	simm.s32 $0x108;
	_ =	swait.ge @!p0 [sflag:s8], $0x0  }
0x24: {  	s3 =	sadd.s32 $0x88, s3;
	s6 =	simm.s32 @!p1 $0x1082;
	[sflag:s4] =	ssyncset.s32 $0xFFFFF086  }
0x25: {  	[simem:s6], [sflag:s4] =	dma.local [hbm:s3], $0xF7A  }
0x26: {  	[smem:$0x3F97] =	sst s1;
	(tag) =	ssettag s2;
	_ =	strace s9  }
0x27: {  	s1 =	sld [smem:$0x3FA7]  }
0x28: {  	s2 =	sld [smem:$0x3FA8]  }
0x29: {  	s4 =	sld [smem:$0x3FAA]  }
0x2a: {  	p0 =	seq.s32 s5, $0x0;
	s5 =	sld [smem:$0x3FAB]  }
0x2b: {  	s6 =	sld [smem:$0x3FAC]  }
0x2c: {  	s7 =	sld [smem:$0x3FAD]  }
0x2d: {  	s3 =	simm.s32 $0x108;
	s8 =	sld [smem:$0x3FAE]  }
0x2e: {  	s3 =	simm.s32 @!p0 $0x1082;
	s9 =	sld [smem:$0x3FAF]  }
0x2f: {  	lr =	sadd.s32 s0, s3;
	s0 =	sld [smem:$0x3FA6]  }
0x30: {  	s3 =	sld [smem:$0x3FA9]  }
0x31: {  	[smem:$0x3FB2] =	sst s10  }
0x32: {  	s10 =	sld [smem:$0x3FB0];
	_ =	sdelay $0x3  }
0x33: {  	p0 =	seq.s32 s10, $0x1;
	s10 =	sld [smem:$0x3FB2];
	_ =	sdelay $0x3  }
0x34: {  	[smem:$0x3FB2] =	sst s10  }
0x35: {  	s10 =	sld [smem:$0x3FB1];
	_ =	sdelay $0x3  }
0x36: {  	p1 =	seq.s32 s10, $0x1;
	s10 =	sld [smem:$0x3FB2];
	_ =	sdelay $0x3  }
0x37: {  	[smem:$0x3FB2] =	sst s10  }
0x38: {  	s10 =	sld [smem:$0x3FB3]  }
0x39: {  	_ = 	snop;
	(pc) =	sbr.ind lr, $3  }
0x3a: {  	_ = 	snop  }
0x3b: {  	_ = 	snop  }
0x3c: {  	p2 =	seq.s32 s10, $0x1;
	s10 =	sld [smem:$0x3FB2]  }
0x3d: {  	_ =	shalt  }
0x3e: {  	_ =	shalt  }
0x3f: {  	_ =	shalt  }
0x40: {  	_ =	shalt  }
0x41: {  	_ =	shalt  }
0x42: {  	_ =	shalt  }
0x43: {  	_ =	shalt  }
0x44: {  	_ =	shalt  }
0x45: {  	_ =	shalt  }
0x46: {  	_ =	shalt  }
0x47: {  	_ =	shalt  }
0x48: {  	_ =	shalt  }
0x49: {  	_ =	shalt  }
0x4a: {  	_ =	shalt  }
0x4b: {  	_ =	shalt  }
0x4c: {  	_ =	shalt  }
0x4d: {  	_ =	shalt  }
0x4e: {  	_ =	shalt  }
0x4f: {  	_ =	shalt  }
0x50: {  	_ =	shalt  }
0x51: {  	_ =	shalt  }
0x52: {  	_ =	shalt  }
0x53: {  	_ =	shalt  }
0x54: {  	_ =	shalt  }
0x55: {  	_ =	shalt  }
0x56: {  	_ =	shalt  }
0x57: {  	_ =	shalt  }
0x58: {  	_ =	shalt  }
0x59: {  	_ =	shalt  }
0x5a: {  	_ =	shalt  }
0x5b: {  	_ =	shalt  }
0x5c: {  	_ =	shalt  }
0x5d: {  	_ =	shalt  }
0x5e: {  	_ =	shalt  }
0x5f: {  	_ =	shalt  }
0x60: {  	_ =	shalt  }
0x61: {  	_ =	shalt  }
0x62: {  	_ =	shalt  }
0x63: {  	_ =	shalt  }
0x64: {  	_ =	shalt  }
0x65: {  	_ =	shalt  }
0x66: {  	_ =	shalt  }
0x67: {  	_ =	shalt  }
0x68: {  	_ =	shalt  }
0x69: {  	_ =	shalt  }
0x6a: {  	_ =	shalt  }
0x6b: {  	_ =	shalt  }
0x6c: {  	_ =	shalt  }
0x6d: {  	_ =	shalt  }
0x6e: {  	_ =	shalt  }
0x6f: {  	_ =	shalt  }
0x70: {  	_ =	shalt  }
0x71: {  	_ =	shalt  }
0x72: {  	_ =	shalt  }
0x73: {  	_ =	shalt  }
0x74: {  	_ =	shalt  }
0x75: {  	_ =	shalt  }
0x76: {  	_ =	shalt  }
0x77: {  	_ =	shalt  }
0x78: {  	_ =	shalt  }
0x79: {  	_ =	shalt  }
0x7a: {  	_ =	shalt  }
0x7b: {  	_ =	shalt  }
0x7c: {  	_ =	shalt  }
0x7d: {  	_ =	shalt  }
0x7e: {  	_ =	shalt  }
0x7f: {  	_ =	shalt  }
0x80: {  	_ =	shalt  }
0x81: {  	_ =	shalt  }
0x82: {  	_ =	shalt  }
0x83: {  	_ =	shalt  }
0x84: {  	_ =	shalt  }
0x85: {  	_ =	shalt  }
0x86: {  	_ =	shalt  }
0x87: {  	_ =	shalt  }
.Lfunc_end0:
.L_simem_size_0:
called_computation.2_lowered:
.L_overlay_start_0:
0x88: {  	s2 =	sld [smem:$0x3FD9]  }
0x89: {  	s3 =	sld [smem:$0x3FFE];
	_ =	sdelay $0x1  }
0x8a: {  	s1 =	srdreg.scid  }
0x8b: {  	s0 =	sand.u32 $0x1, s1  }
0x8c: {  	s16 =	sshll.u32 s0, $0xA;
	s2 =	sadd.s32 s3, s2  }
0x8d: {  	s2 =	sadd.s32 s2, s16  }
0x8e: {  	[smem:$0x3FBE] =	sst s2  }
0x8f: {  	_ = 	snop  }
0x90: {  	(tm) =	ssettm $0x1  }
0x91: {  	s17 =	sld [smem:$0x3FFB];
	_ =	sdelay $0x3  }
0x92: {  	_ =	strace s17  }
0x93: {  	s2 =	sld [smem:$0x3FFC];
	_ =	sdelay $0x3  }
0x94: {  	_ =	strace s2  }
0x95: {  	s2 =	sld [smem:$0x3FFD];
	_ =	sdelay $0x3  }
0x96: {  	_ =	strace s2  }
0x97: {  	_ =	strace $0x8FFFFFFF  }
0x98: {  	s18 =	sld [smem:$0x3FDB];
	_ =	sdelay $0x1  }
0x99: {  	s19 =	simm.s32 $_scs_section_size  }
0x9a: {  	s4 =	simm.s32 $_size__tile_overlayer_lowered;
	s5 =	simm.s32 $_tile_overlayer_lowered  }
0x9b: {  	s22 =	simm.s32 $0x1BFF;
	s21 =	sshll.u32 s5, $0x1;
	s2 =	sadd.s32 s19, s18  }
0x9c: {  	s6 =	simm.s32 $0x0;
	s20 =	sshll.u32 s4, $0x1;
	s4 =	sadd.s32 s21, s2  }
0x9d: {  	[timem:s6], [sflag:s22] =	dma.local [hbm:s4], s20  }
0x9e: {  	_ =	swait.ge [sflag:s22], s20  }
0x9f: {  	s3 =	ssub.s32 $0x0, s20;
	[sflag:s22] =	ssyncset.done $0x0  }
0xa0: {  	[sflag:s22] =	ssyncadd.s32 s3;
	_ =	sdelay $0x1  }
0xa1: {  	s23 =	simm.s32 $0x1B8B  }
0xa2: {  	_ =	swait.ge [sflag:s23], $0x1  }
0xa3: {  	[sflag:s23] =	ssyncset.done $0x0  }
0xa4: {  	s25 =	simm.s32 $0x1B8E;
	s24 =	sld [smem:$0x3FFE];
	[sflag:s23] =	ssyncadd.s32 $0xFFFFFFFF  }
0xa5: {  	s26 =	simm.s32 $execute0_lowered;
	[smem:$0x3FD2] =	sst s25  }
0xa6: {  	s4 =	sshll.u32 s26, $0x1;
	_ =	strace $0x8000004C;
	[dreg:$0x1] =	wrdreg $0xFFFFFFFF  }
0xa7: {  	s28 =	simm.s32 $_size_execute0_lowered;
	s2 =	sadd.s32 s2, s4;
	[dreg:$0x0] =	wrdreg $0x0  }
0xa8: {  	s4 =	sshll.u32 s28, $0x1;
	[dreg:$0x2] =	wrdreg s2  }
0xa9: {  	[dreg:$0x3] =	wrdreg s4  }
0xaa: {  	[dreg:$0x4] =	wrdreg $0xC0  }
0xab: {  	_ =	task [dreg:s6], $0x5FFFF  }
0xac: {  	[dreg:$0x1] =	wrdreg $0xFFFFFFFF  }
0xad: {  	[dreg:$0x0] =	wrdreg $0x60  }
0xae: {  	[dreg:$0x2] =	wrdreg s24  }
0xaf: {  	[dreg:$0x3] =	wrdreg $0x9E000  }
0xb0: {  	[dreg:$0x4] =	wrdreg $0x9  }
0xb1: {  	_ =	task.clear_ibuf [dreg:s6], $0x5FFFF;
	_ =	strace $0x9000004C  }
0xb2: {  	s29 =	simm.s32 $0x9;
	_ =	strace $0x8000004E  }
0xb3: {  	_ =	swait.ge [sflag:s29], $0x1  }
0xb4: {  	[sflag:s29] =	ssyncadd.s32 $0xFFFFFFFF  }
0xb5: {  	_ =	strace $0x9000004E  }
0xb6: {  	_ =	sfence  }
0xb7: {  	s30 =	sld [smem:$0x0];
	_ =	sdelay $0x2  }
0xb8: {  	s31 =	sshll.u32 s1, $0xD;
	s1 =	sshrl.u32 s1, $0x2  }
0xb9: {  	s3 =	sand.u32 $0x4000, s31;
	s1 =	sadd.s32 s1, s30  }
0xba: {  	s0 =	sor.u32 s3, s0;
	s1 =	sshll.u32 s1, $0x11  }
0xbb: {  	s0 =	sor.u32 s1, s0  }
0xbc: {  	s0 =	sadd.s32 $0x8F2B, s0  }
0xbd: {  	[sflag:s0] =	ssyncadd.remote.s32 $0x1  }
0xbe: {  	_ =	sfence.sel $0xFFFF  }
0xbf: {  	[dreg:$0x0] =	wrdreg $0xFFFFFFFF;
	(pc) =	sbr.abs _section_cstart, $3  }
0xc0: {  	[dreg:$0x1] =	wrdreg $0xFFFFFFFF  }
0xc1: {  	_ =	task.clear_ibuf [dreg:s6], $0x2FFFF;
	_ =	strace $0x9FFFFFFF  }
0xc2: {  	(tm) =	ssettm $0x7FFFFFFF  }
0xc3: {  	_ =	shalt  }
tec
execute0_lowered:
.L_overlay_start_1:
0x0: {  	(tag) =	ssettag $0x1  }
0x1: {  	s4 =	rddreg [dreg:$0x0]  }
0x2: {  	s0 =	srdreg.scid;
	s2 =	rddreg [dreg:$0x1]  }
0x3: {  	s1 =	stileid.u32;
	s3 =	simm.s32 $0x0;
	s14 =	simm.s32 $0x13E00  }
0x4: {  	s15 =	simm.s32 $0x3;
	s16 =	simm.s32 $0x4F00;
	s17 =	simm.s32 $0x80  }
0x5: {  	s18 =	simm.s32 $0x15E00;
	s19 =	simm.s32 $0x16E00;
	s20 =	simm.s32 $0x1  }
0x6: {  	s21 =	simm.s32 $0x2;
	s22 =	simm.s32 $0x9D00;
	s7 =	smul.u32 $0x9E0, s1  }
0x7: {  	s5 =	sand.u32 $0x1, s0;
	s0 =	rddreg [dreg:$0x2];
	s9 =	smul.u32 $0xA000, s1  }
0x8: {  	s23 =	simm.s32 $0x9D80;
	[smem:$0x7FF] =	sst s3;
	s10 =	smul.u32 $0x28000, s1  }
0x9: {  	s6 =	smul.u32 $0xA0000, s5;
	_ =	strace $0x8000004D;
	s5 =	ssub.s32 $0x2, s5  }
0xa: {  	s7 =	sadd.s32 s7, s4;
	s11 =	sshrl.u32 s5, $0x1;
	s10 =	sshrl.u32 s10, $0x2  }
0xb: {  	s24 =	sadd.s32 s9, s2;
	s8 =	sshrl.u32 s6, $0x4;
	s6 =	sadd.s32 s9, s6  }
0xc: {  	s11 =	ssub.s32 s5, s11;
	s5 =	sadd.s32 $0x15E00, s7;
	s24 =	sshrl.u32 s24, $0x3  }
0xd: {  	s8 =	sadd.s32 s8, s4;
	s6 =	sshrl.u32 s6, $0x3;
	s9 =	smax.u32 s11, $0x1  }
0xe: {  	s12 =	sadd.s32 s6, s4;
	s4 =	sadd.s32 s10, s2;
	s6 =	sadd.s32 $0x2000, s7  }
0xf: {  	s7 =	sadd.s32 $0x1FC00, s8;
	s8 =	sadd.s32 $0x33C00, s12;
	s10 =	sadd.s32 $0x2000, s4  }
0x10: {  	v0 =	vimm.f32 $0.0e+00;
	s11 =	sadd.s32 $0x4000, s4;
	s12 =	sadd.s32 $0x6000, s4;
	s13 =	sadd.s32 $0x8000, s4  }
.LBB2_1:
0x11: {  	s26 =	simm.s32 $0x100;
	s25 =	simm.s32 $0x0  }
.LBB2_2:
0x12: {  	p0 =	sne.s32 s26, $0x7F00;
	[tilespmem:s25+$0x13E30] =	vst v0;
	s28 =	smov.u32 s26;
	s26 =	sadd.s32 $0x100, s26  }
.Ltmp0:
0x13: {  	[tilespmem:s25+$0x13E20] =	vst v0;
	(pc) =	sbr.rel @p0 .LBB2_2-.Ltmp0, $3  }
0x14: {  	[tilespmem:s25+$0x13E00] =	vst v0  }
0x15: {  	[tilespmem:s25+$0x13E10] =	vst v0;
	_ =	sdelay $0x1  }
0x16: {  	s25 =	sshra.s32 s28, $0x2  }
0x17: {  	[tilespmem:s25+$0x13E30] =	vst v0  }
0x18: {  	[tilespmem:s25+$0x13E20] =	vst v0  }
0x19: {  	[tilespmem:s25+$0x13E00] =	vst v0  }
0x1a: {  	[tilespmem:s25+$0x13E10] =	vst v0  }
0x1b: {  	[spmem:s4] =	stream.linear.scatter [tilespmem:s14], [sflag:$0x3], $0x2000, $0x38;
	[tilespmem:$0x17E00] =	vst v63  }
0x1c: {  	_ =	swait.ge [sflag:s15], $0x2000  }
0x1d: {  	[sflag:s15] =	ssyncset.done $0x0  }
0x1e: {  	[sflag:s15] =	ssyncadd.s32 $0xFFFFE000  }
0x1f: {  	[spmem:s10] =	stream.linear.scatter [tilespmem:s14], [sflag:$0x3], $0x2000, $0x38;
	[tilespmem:$0x17E00] =	vst v63  }
0x20: {  	_ =	swait.ge [sflag:s15], $0x2000  }
0x21: {  	[sflag:s15] =	ssyncset.done $0x0  }
0x22: {  	[sflag:s15] =	ssyncadd.s32 $0xFFFFE000  }
0x23: {  	[spmem:s11] =	stream.linear.scatter [tilespmem:s14], [sflag:$0x3], $0x2000, $0x38;
	[tilespmem:$0x17E00] =	vst v63  }
0x24: {  	_ =	swait.ge [sflag:s15], $0x2000  }
0x25: {  	[sflag:s15] =	ssyncset.done $0x0  }
0x26: {  	[sflag:s15] =	ssyncadd.s32 $0xFFFFE000  }
0x27: {  	[spmem:s12] =	stream.linear.scatter [tilespmem:s14], [sflag:$0x3], $0x2000, $0x38;
	[tilespmem:$0x17E00] =	vst v63  }
0x28: {  	_ =	swait.ge [sflag:s15], $0x2000  }
0x29: {  	[sflag:s15] =	ssyncset.done $0x0  }
0x2a: {  	[sflag:s15] =	ssyncadd.s32 $0xFFFFE000  }
0x2b: {  	[spmem:s13] =	stream.linear.scatter [tilespmem:s14], [sflag:$0x3], $0x2000, $0x38;
	[tilespmem:$0x17E00] =	vst v63  }
0x2c: {  	_ =	swait.ge [sflag:s15], $0x2000  }
0x2d: {  	[sflag:s15] =	ssyncset.done $0x0  }
0x2e: {  	s25 =	simm.s32 $0x0;
	[sflag:s15] =	ssyncadd.s32 $0xFFFFE000  }
0x2f: {  	[tilespmem:s25], [sflag:$0x3] =	stream.linear.gather [hbm4b:s5+s25], $0x4F00, $0x38;
	[tilespmem:$0x17E00] =	vst v63  }
0x30: {  	_ =	swait.ge [sflag:s15], $0x4F00  }
0x31: {  	[sflag:s15] =	ssyncset.done $0x0  }
0x32: {  	[sflag:s15] =	ssyncadd.s32 $0xFFFFB100  }
0x33: {  	[tilespmem:s16], [sflag:$0x3] =	stream.linear.gather [hbm4b:s6+s25], $0x4F00, $0x38;
	[tilespmem:$0x17E00] =	vst v63  }
0x34: {  	_ =	swait.ge [sflag:s15], $0x4F00  }
0x35: {  	[sflag:s15] =	ssyncset.done $0x0  }
0x36: {  	[sflag:s15] =	ssyncadd.s32 $0xFFFFB100  }
0x37: {  	[bflag:$0x0] =	sbarrier.arrive $0xFFFF  }
0x38: {  	[tilespmem:s18], [sflag:$0x1] =	stream.indirect.gather [hbm4b:s7+s17], $0x20, s25, s17, $0xb8;
	[tilespmem:$0x17E00] =	vst v63  }
0x39: {  	_ = 	snop  }
0x3a: {  	[tilespmem:s19], [sflag:$0x2] =	stream.indirect.gather [hbm4b:s7+s17], $0x20, s17, s17, $0xb8;
	[tilespmem:$0x17E00] =	vst v63  }
.LBB2_4:
0x3b: {  	_ =	swait.ge [sflag:s20], $0x1000  }
0x3c: {  	[sflag:s20] =	ssyncset.done $0x0  }
0x3d: {  	s26 =	simm.s32 $0x15E80;
	[sflag:s20] =	ssyncadd.s32 $0xFFFFF000  }
0x3e: {  	v1 =	vld [tilespmem:s26+$0x60];
	_ =	sdelay $0x1  }
0x3f: {  	v2 =	vld [tilespmem:s26+$0xFFFFFFA0];
	_ =	sdelay $0x1  }
0x40: {  	v3 =	vld [tilespmem:s26+$0xFFFFFFC0]  }
0x41: {  	s28 =	simm.s32 $0x13F00;
	v4 =	vunpack.i.l.bf16.f32 v1  }
0x42: {  	v5 =	vld [tilespmem:s26+$0xFFFFFFE0];
	v1 =	vunpack.i.u.bf16.f32 v1;
	[tilespmem:s28+$0xC0] =	vst v4  }
0x43: {  	v6 =	vld [tilespmem:s26+$0xFFFFFF80];
	v4 =	vunpack.i.l.bf16.f32 v2;
	[tilespmem:s28+$0xD0] =	vst v1  }
0x44: {  	v1 =	vunpack.i.u.bf16.f32 v2;
	[tilespmem:s28+$0xFFFFFF40] =	vst v4  }
0x45: {  	v2 =	vld [tilespmem:s26+$0x70];
	v4 =	vunpack.i.l.bf16.f32 v3;
	[tilespmem:s28+$0xFFFFFF50] =	vst v1  }
0x46: {  	v1 =	vunpack.i.u.bf16.f32 v3;
	[tilespmem:s28+$0xFFFFFF80] =	vst v4  }
0x47: {  	v3 =	vld [tilespmem:s26+$0x0];
	v4 =	vunpack.i.l.bf16.f32 v5;
	[tilespmem:s28+$0xFFFFFF90] =	vst v1  }
0x48: {  	v1 =	vunpack.i.l.bf16.f32 v6;
	[tilespmem:s28+$0xFFFFFFC0] =	vst v4  }
0x49: {  	v6 =	vunpack.i.u.bf16.f32 v6;
	v4 =	vld [tilespmem:s26+$0x20];
	[tilespmem:s28+$0xFFFFFF00] =	vst v1  }
0x4a: {  	[tilespmem:s28+$0xFFFFFF10] =	vst v6;
	v1 =	vunpack.i.u.bf16.f32 v2  }
0x4b: {  	v5 =	vunpack.i.u.bf16.f32 v5;
	[tilespmem:s28+$0xF0] =	vst v1;
	v1 =	vld [tilespmem:s26+$0x40]  }
0x4c: {  	[tilespmem:s28+$0xFFFFFFD0] =	vst v5;
	v6 =	vunpack.i.l.bf16.f32 v3  }
0x4d: {  	v5 =	vld [tilespmem:s26+$0xFFFFFF90];
	v3 =	vunpack.i.u.bf16.f32 v3;
	[tilespmem:s28+$0x0] =	vst v6  }
0x4e: {  	[tilespmem:s28+$0x10] =	vst v3;
	v6 =	vunpack.i.l.bf16.f32 v4  }
0x4f: {  	v3 =	vld [tilespmem:s26+$0xFFFFFFB0];
	v4 =	vunpack.i.u.bf16.f32 v4;
	[tilespmem:s28+$0x40] =	vst v6  }
0x50: {  	[tilespmem:s28+$0x50] =	vst v4;
	v6 =	vunpack.i.l.bf16.f32 v1  }
0x51: {  	v4 =	vld [tilespmem:s26+$0xFFFFFFD0];
	v1 =	vunpack.i.u.bf16.f32 v1;
	[tilespmem:s28+$0x80] =	vst v6  }
0x52: {  	v6 =	vunpack.i.l.bf16.f32 v5;
	[tilespmem:s28+$0x90] =	vst v1  }
0x53: {  	v7 =	vld [tilespmem:s26+$0xFFFFFFF0];
	v1 =	vunpack.i.u.bf16.f32 v5;
	[tilespmem:s28+$0xFFFFFF20] =	vst v6  }
0x54: {  	v5 =	vunpack.i.l.bf16.f32 v3;
	v6 =	vld [tilespmem:s26+$0x10];
	[tilespmem:s28+$0xFFFFFF30] =	vst v1  }
0x55: {  	v1 =	vunpack.i.u.bf16.f32 v3;
	v3 =	vld [tilespmem:s26+$0x30];
	[tilespmem:s28+$0xFFFFFF60] =	vst v5  }
0x56: {  	v5 =	vunpack.i.l.bf16.f32 v4;
	v8 =	vld [tilespmem:s26+$0x50];
	[tilespmem:s28+$0xFFFFFF70] =	vst v1  }
0x57: {  	v1 =	vunpack.i.u.bf16.f32 v4;
	[tilespmem:s28+$0xFFFFFFA0] =	vst v5  }
0x58: {  	v4 =	vunpack.i.l.bf16.f32 v7;
	[tilespmem:s28+$0xFFFFFFB0] =	vst v1  }
0x59: {  	v5 =	vunpack.i.u.bf16.f32 v7;
	v1 =	vunpack.i.l.bf16.f32 v2;
	[tilespmem:s28+$0xFFFFFFE0] =	vst v4  }
0x5a: {  	[tilespmem:s28+$0xFFFFFFF0] =	vst v5;
	v4 =	vunpack.i.u.bf16.f32 v6;
	v7 =	vunpack.i.l.bf16.f32 v6;
	v2 =	vunpack.i.u.bf16.f32 v3  }
0x5b: {  	s29 =	simm.s32 $0x15F80;
	s26 =	simm.s32 $0x0;
	v6 =	vunpack.i.l.bf16.f32 v3;
	v3 =	vunpack.i.u.bf16.f32 v8;
	v5 =	vunpack.i.l.bf16.f32 v8;
	[tilespmem:s28+$0x20] =	vst v7  }
.LBB2_5:
0x5c: {  	v7 =	vld [tilespmem:s29+$0x60];
	[tilespmem:s28+$0x30] =	vst v4  }
0x5d: {  	s26 =	sadd.s32 $0x8, s26;
	v4 =	vld [tilespmem:s29+$0xFFFFFFA0];
	[tilespmem:s28+$0x60] =	vst v6  }
0x5e: {  	p0 =	slt.u32 s26, $0x78;
	v6 =	vld [tilespmem:s29+$0xFFFFFFC0];
	[tilespmem:s28+$0x70] =	vst v2  }
0x5f: {  	v2 =	vld [tilespmem:s29+$0xFFFFFFE0];
	[tilespmem:s28+$0xA0] =	vst v5  }
0x60: {  	v5 =	vld [tilespmem:s29+$0x0];
	[tilespmem:s28+$0xB0] =	vst v3  }
0x61: {  	v3 =	vld [tilespmem:s29+$0x20];
	v8 =	vunpack.i.l.bf16.f32 v7;
	[tilespmem:s28+$0xE0] =	vst v1;
	s28 =	sadd.s32 $0x200, s28  }
0x62: {  	v7 =	vunpack.i.u.bf16.f32 v7;
	v1 =	vunpack.i.u.bf16.f32 v4;
	v4 =	vunpack.i.l.bf16.f32 v4;
	v9 =	vld [tilespmem:s29+$0x40];
	[tilespmem:s28+$0xC0] =	vst v8  }
0x63: {  	v8 =	vld [tilespmem:s29+$0xFFFFFF80];
	v10 =	vunpack.i.u.bf16.f32 v6;
	v6 =	vunpack.i.l.bf16.f32 v6;
	[tilespmem:s28+$0xD0] =	vst v7  }
0x64: {  	[tilespmem:s28+$0xFFFFFF40] =	vst v4;
	v4 =	vunpack.i.u.bf16.f32 v2;
	v2 =	vunpack.i.l.bf16.f32 v2;
	v7 =	vld [tilespmem:s29+$0x70]  }
0x65: {  	[tilespmem:s28+$0xFFFFFF50] =	vst v1;
	v11 =	vunpack.i.u.bf16.f32 v5;
	v5 =	vunpack.i.l.bf16.f32 v5  }
0x66: {  	v12 =	vld [tilespmem:s29+$0xFFFFFFB0];
	[tilespmem:s28+$0xFFFFFF80] =	vst v6;
	v6 =	vunpack.i.u.bf16.f32 v3;
	v3 =	vunpack.i.l.bf16.f32 v3  }
0x67: {  	[tilespmem:s28+$0xFFFFFF90] =	vst v10;
	v10 =	vunpack.i.u.bf16.f32 v9;
	v9 =	vunpack.i.l.bf16.f32 v9  }
0x68: {  	v13 =	vunpack.i.u.bf16.f32 v8;
	v1 =	vunpack.i.l.bf16.f32 v8;
	v8 =	vld [tilespmem:s29+$0xFFFFFFD0];
	[tilespmem:s28+$0xFFFFFFC0] =	vst v2  }
0x69: {  	[tilespmem:s28+$0xFFFFFF00] =	vst v1;
	v2 =	vunpack.i.u.bf16.f32 v7;
	v1 =	vunpack.i.l.bf16.f32 v7  }
0x6a: {  	[tilespmem:s28+$0xF0] =	vst v2  }
0x6b: {  	[tilespmem:s28+$0xFFFFFF10] =	vst v13;
	v2 =	vunpack.i.u.bf16.f32 v12;
	v7 =	vunpack.i.l.bf16.f32 v12  }
0x6c: {  	v12 =	vld [tilespmem:s29+$0xFFFFFF90];
	[tilespmem:s28+$0xFFFFFFD0] =	vst v4  }
0x6d: {  	v13 =	vunpack.i.u.bf16.f32 v8;
	v8 =	vunpack.i.l.bf16.f32 v8;
	v4 =	vld [tilespmem:s29+$0xFFFFFFF0];
	[tilespmem:s28+$0x0] =	vst v5  }
0x6e: {  	[tilespmem:s28+$0x10] =	vst v11  }
0x6f: {  	v5 =	vld [tilespmem:s29+$0x10];
	[tilespmem:s28+$0x40] =	vst v3  }
0x70: {  	[tilespmem:s28+$0x50] =	vst v6  }
0x71: {  	v3 =	vunpack.i.u.bf16.f32 v12;
	v6 =	vunpack.i.l.bf16.f32 v12;
	v11 =	vld [tilespmem:s29+$0x30];
	[tilespmem:s28+$0x80] =	vst v9  }
0x72: {  	v9 =	vunpack.i.u.bf16.f32 v4;
	v12 =	vunpack.i.l.bf16.f32 v4;
	[tilespmem:s28+$0x90] =	vst v10  }
0x73: {  	[tilespmem:s28+$0xFFFFFF20] =	vst v6;
	v10 =	vld [tilespmem:s29+$0x50]  }
0x74: {  	[tilespmem:s28+$0xFFFFFF30] =	vst v3;
	v4 =	vunpack.i.u.bf16.f32 v5;
	v14 =	vunpack.i.l.bf16.f32 v5  }
0x75: {  	[tilespmem:s28+$0xFFFFFF60] =	vst v7  }
0x76: {  	[tilespmem:s28+$0xFFFFFF70] =	vst v2;
	v2 =	vunpack.i.u.bf16.f32 v11;
	v6 =	vunpack.i.l.bf16.f32 v11  }
.Ltmp1:
0x77: {  	[tilespmem:s28+$0xFFFFFFA0] =	vst v8;
	(pc) =	sbr.rel @p0 .LBB2_5-.Ltmp1, $4  }
0x78: {  	[tilespmem:s28+$0xFFFFFFB0] =	vst v13;
	v3 =	vunpack.i.u.bf16.f32 v10;
	v5 =	vunpack.i.l.bf16.f32 v10  }
0x79: {  	[tilespmem:s28+$0xFFFFFFE0] =	vst v12  }
0x7a: {  	[tilespmem:s28+$0xFFFFFFF0] =	vst v9  }
0x7b: {  	s29 =	sadd.s32 $0x100, s29;
	[tilespmem:s28+$0x20] =	vst v14  }
0x7c: {  	[tilespmem:s28+$0x30] =	vst v4  }
0x7d: {  	[tilespmem:s28+$0x60] =	vst v6  }
0x7e: {  	[tilespmem:s28+$0x70] =	vst v2  }
0x7f: {  	[tilespmem:s28+$0xA0] =	vst v5;
	s26 =	sshll.u32 s25, $0x8  }
0x80: {  	[tilespmem:s28+$0xB0] =	vst v3;
	s26 =	sand.u32 $0x3FFFFF00, s26  }
0x81: {  	[tilespmem:s28+$0xE0] =	vst v1;
	s28 =	sadd.s32 $0x100, s26  }
0x82: {  	[tilespmem:s18], [sflag:$0x1] =	stream.indirect.gather [hbm4b:s7+s17], $0x20, s28, s17, $0xb8;
	[tilespmem:$0x17E00] =	vst v63  }
0x83: {  	s28 =	sadd.s32 $0x4F00, s26  }
0x84: {  	[spmem:s2] =	stream.indirect.scatter.add.f32 [tilespmem:s14], [sflag:$0x3], $0x40, s28, s17, $0xb8;
	[tilespmem:$0x17E00] =	vst v63  }
0x85: {  	_ =	swait.ge [sflag:s15], $0x2000  }
0x86: {  	[sflag:s15] =	ssyncset.done $0x0  }
0x87: {  	[sflag:s15] =	ssyncadd.s32 $0xFFFFE000  }
0x88: {  	_ =	swait.ge [sflag:s21], $0x1000  }
0x89: {  	[sflag:s21] =	ssyncset.done $0x0  }
0x8a: {  	s29 =	simm.s32 $0x16E80;
	[sflag:s21] =	ssyncadd.s32 $0xFFFFF000  }
0x8b: {  	v1 =	vld [tilespmem:s29+$0x60];
	_ =	sdelay $0x1  }
0x8c: {  	v2 =	vld [tilespmem:s29+$0xFFFFFFA0];
	_ =	sdelay $0x1  }
0x8d: {  	v3 =	vld [tilespmem:s29+$0xFFFFFFC0]  }
0x8e: {  	s28 =	simm.s32 $0x13F00;
	v4 =	vunpack.i.l.bf16.f32 v1  }
0x8f: {  	v5 =	vld [tilespmem:s29+$0xFFFFFFE0];
	v1 =	vunpack.i.u.bf16.f32 v1;
	[tilespmem:s28+$0xC0] =	vst v4  }
0x90: {  	v6 =	vld [tilespmem:s29+$0xFFFFFF80];
	v4 =	vunpack.i.l.bf16.f32 v2;
	[tilespmem:s28+$0xD0] =	vst v1  }
0x91: {  	v1 =	vunpack.i.u.bf16.f32 v2;
	[tilespmem:s28+$0xFFFFFF40] =	vst v4  }
0x92: {  	v2 =	vld [tilespmem:s29+$0x70];
	v4 =	vunpack.i.l.bf16.f32 v3;
	[tilespmem:s28+$0xFFFFFF50] =	vst v1  }
0x93: {  	v1 =	vunpack.i.u.bf16.f32 v3;
	[tilespmem:s28+$0xFFFFFF80] =	vst v4  }
0x94: {  	v3 =	vld [tilespmem:s29+$0x0];
	v4 =	vunpack.i.l.bf16.f32 v5;
	[tilespmem:s28+$0xFFFFFF90] =	vst v1  }
0x95: {  	v1 =	vunpack.i.l.bf16.f32 v6;
	[tilespmem:s28+$0xFFFFFFC0] =	vst v4  }
0x96: {  	v6 =	vunpack.i.u.bf16.f32 v6;
	v4 =	vld [tilespmem:s29+$0x20];
	[tilespmem:s28+$0xFFFFFF00] =	vst v1  }
0x97: {  	[tilespmem:s28+$0xFFFFFF10] =	vst v6;
	v1 =	vunpack.i.u.bf16.f32 v2  }
0x98: {  	v5 =	vunpack.i.u.bf16.f32 v5;
	[tilespmem:s28+$0xF0] =	vst v1;
	v1 =	vld [tilespmem:s29+$0x40]  }
0x99: {  	[tilespmem:s28+$0xFFFFFFD0] =	vst v5;
	v6 =	vunpack.i.l.bf16.f32 v3  }
0x9a: {  	v5 =	vld [tilespmem:s29+$0xFFFFFF90];
	v3 =	vunpack.i.u.bf16.f32 v3;
	[tilespmem:s28+$0x0] =	vst v6  }
0x9b: {  	[tilespmem:s28+$0x10] =	vst v3;
	v6 =	vunpack.i.l.bf16.f32 v4  }
0x9c: {  	v3 =	vld [tilespmem:s29+$0xFFFFFFB0];
	v4 =	vunpack.i.u.bf16.f32 v4;
	[tilespmem:s28+$0x40] =	vst v6  }
0x9d: {  	[tilespmem:s28+$0x50] =	vst v4;
	v6 =	vunpack.i.l.bf16.f32 v1  }
0x9e: {  	v4 =	vld [tilespmem:s29+$0xFFFFFFD0];
	v1 =	vunpack.i.u.bf16.f32 v1;
	[tilespmem:s28+$0x80] =	vst v6  }
0x9f: {  	v6 =	vunpack.i.l.bf16.f32 v5;
	[tilespmem:s28+$0x90] =	vst v1  }
0xa0: {  	v7 =	vld [tilespmem:s29+$0xFFFFFFF0];
	v1 =	vunpack.i.u.bf16.f32 v5;
	[tilespmem:s28+$0xFFFFFF20] =	vst v6  }
0xa1: {  	v8 =	vld [tilespmem:s29+$0x30];
	v5 =	vunpack.i.l.bf16.f32 v3;
	[tilespmem:s28+$0xFFFFFF30] =	vst v1  }
0xa2: {  	v6 =	vld [tilespmem:s29+$0x10];
	v1 =	vunpack.i.u.bf16.f32 v3;
	[tilespmem:s28+$0xFFFFFF60] =	vst v5  }
0xa3: {  	v3 =	vunpack.i.l.bf16.f32 v4;
	v5 =	vld [tilespmem:s29+$0x50];
	[tilespmem:s28+$0xFFFFFF70] =	vst v1  }
0xa4: {  	v1 =	vunpack.i.u.bf16.f32 v4;
	[tilespmem:s28+$0xFFFFFFA0] =	vst v3  }
0xa5: {  	v3 =	vunpack.i.l.bf16.f32 v7;
	[tilespmem:s28+$0xFFFFFFB0] =	vst v1  }
0xa6: {  	v4 =	vunpack.i.u.bf16.f32 v7;
	v1 =	vunpack.i.l.bf16.f32 v2;
	[tilespmem:s28+$0xFFFFFFE0] =	vst v3  }
0xa7: {  	v2 =	vunpack.i.u.bf16.f32 v8;
	[tilespmem:s28+$0xFFFFFFF0] =	vst v4;
	v3 =	vunpack.i.u.bf16.f32 v6;
	v7 =	vunpack.i.l.bf16.f32 v6  }
0xa8: {  	s30 =	simm.s32 $0x16F80;
	s29 =	simm.s32 $0x0;
	v6 =	vunpack.i.l.bf16.f32 v8;
	v4 =	vunpack.i.u.bf16.f32 v5;
	v5 =	vunpack.i.l.bf16.f32 v5;
	[tilespmem:s28+$0x20] =	vst v7  }
.LBB2_7:
0xa9: {  	v7 =	vld [tilespmem:s30+$0x60];
	[tilespmem:s28+$0x30] =	vst v3  }
0xaa: {  	s29 =	sadd.s32 $0x8, s29;
	v3 =	vld [tilespmem:s30+$0xFFFFFFA0];
	[tilespmem:s28+$0x60] =	vst v6  }
0xab: {  	p0 =	slt.u32 s29, $0x78;
	v6 =	vld [tilespmem:s30+$0xFFFFFFC0];
	[tilespmem:s28+$0x70] =	vst v2  }
0xac: {  	v2 =	vld [tilespmem:s30+$0xFFFFFFE0];
	[tilespmem:s28+$0xA0] =	vst v5  }
0xad: {  	v5 =	vld [tilespmem:s30+$0x0];
	[tilespmem:s28+$0xB0] =	vst v4  }
0xae: {  	v4 =	vld [tilespmem:s30+$0x20];
	v8 =	vunpack.i.l.bf16.f32 v7;
	[tilespmem:s28+$0xE0] =	vst v1;
	s28 =	sadd.s32 $0x200, s28  }
0xaf: {  	v7 =	vunpack.i.u.bf16.f32 v7;
	v1 =	vunpack.i.u.bf16.f32 v3;
	v3 =	vunpack.i.l.bf16.f32 v3;
	v9 =	vld [tilespmem:s30+$0x40];
	[tilespmem:s28+$0xC0] =	vst v8  }
0xb0: {  	v8 =	vld [tilespmem:s30+$0xFFFFFF80];
	v10 =	vunpack.i.u.bf16.f32 v6;
	v6 =	vunpack.i.l.bf16.f32 v6;
	[tilespmem:s28+$0xD0] =	vst v7  }
0xb1: {  	[tilespmem:s28+$0xFFFFFF40] =	vst v3;
	v3 =	vunpack.i.u.bf16.f32 v2;
	v2 =	vunpack.i.l.bf16.f32 v2;
	v7 =	vld [tilespmem:s30+$0x70]  }
0xb2: {  	[tilespmem:s28+$0xFFFFFF50] =	vst v1;
	v11 =	vunpack.i.u.bf16.f32 v5;
	v5 =	vunpack.i.l.bf16.f32 v5  }
0xb3: {  	v12 =	vld [tilespmem:s30+$0xFFFFFFB0];
	[tilespmem:s28+$0xFFFFFF80] =	vst v6;
	v6 =	vunpack.i.u.bf16.f32 v4;
	v4 =	vunpack.i.l.bf16.f32 v4  }
0xb4: {  	[tilespmem:s28+$0xFFFFFF90] =	vst v10;
	v10 =	vunpack.i.u.bf16.f32 v9;
	v9 =	vunpack.i.l.bf16.f32 v9  }
0xb5: {  	v13 =	vunpack.i.u.bf16.f32 v8;
	v1 =	vunpack.i.l.bf16.f32 v8;
	v8 =	vld [tilespmem:s30+$0xFFFFFFD0];
	[tilespmem:s28+$0xFFFFFFC0] =	vst v2  }
0xb6: {  	[tilespmem:s28+$0xFFFFFF00] =	vst v1;
	v2 =	vunpack.i.u.bf16.f32 v7;
	v1 =	vunpack.i.l.bf16.f32 v7  }
0xb7: {  	[tilespmem:s28+$0xF0] =	vst v2  }
0xb8: {  	[tilespmem:s28+$0xFFFFFF10] =	vst v13;
	v2 =	vunpack.i.u.bf16.f32 v12;
	v7 =	vunpack.i.l.bf16.f32 v12  }
0xb9: {  	v12 =	vld [tilespmem:s30+$0xFFFFFF90];
	[tilespmem:s28+$0xFFFFFFD0] =	vst v3  }
0xba: {  	v13 =	vunpack.i.u.bf16.f32 v8;
	v8 =	vunpack.i.l.bf16.f32 v8;
	v3 =	vld [tilespmem:s30+$0xFFFFFFF0];
	[tilespmem:s28+$0x0] =	vst v5  }
0xbb: {  	[tilespmem:s28+$0x10] =	vst v11  }
0xbc: {  	v5 =	vld [tilespmem:s30+$0x10];
	[tilespmem:s28+$0x40] =	vst v4  }
0xbd: {  	[tilespmem:s28+$0x50] =	vst v6  }
0xbe: {  	v4 =	vunpack.i.u.bf16.f32 v12;
	v6 =	vunpack.i.l.bf16.f32 v12;
	v11 =	vld [tilespmem:s30+$0x30];
	[tilespmem:s28+$0x80] =	vst v9  }
0xbf: {  	v9 =	vunpack.i.u.bf16.f32 v3;
	v12 =	vunpack.i.l.bf16.f32 v3;
	[tilespmem:s28+$0x90] =	vst v10  }
0xc0: {  	[tilespmem:s28+$0xFFFFFF20] =	vst v6;
	v10 =	vld [tilespmem:s30+$0x50]  }
0xc1: {  	[tilespmem:s28+$0xFFFFFF30] =	vst v4;
	v3 =	vunpack.i.u.bf16.f32 v5;
	v14 =	vunpack.i.l.bf16.f32 v5  }
0xc2: {  	[tilespmem:s28+$0xFFFFFF60] =	vst v7  }
0xc3: {  	[tilespmem:s28+$0xFFFFFF70] =	vst v2;
	v2 =	vunpack.i.u.bf16.f32 v11;
	v6 =	vunpack.i.l.bf16.f32 v11  }
.Ltmp2:
0xc4: {  	[tilespmem:s28+$0xFFFFFFA0] =	vst v8;
	(pc) =	sbr.rel @p0 .LBB2_7-.Ltmp2, $4  }
0xc5: {  	[tilespmem:s28+$0xFFFFFFB0] =	vst v13;
	v4 =	vunpack.i.u.bf16.f32 v10;
	v5 =	vunpack.i.l.bf16.f32 v10  }
0xc6: {  	[tilespmem:s28+$0xFFFFFFE0] =	vst v12  }
0xc7: {  	[tilespmem:s28+$0xFFFFFFF0] =	vst v9  }
0xc8: {  	s30 =	sadd.s32 $0x100, s30;
	[tilespmem:s28+$0x20] =	vst v14  }
0xc9: {  	[tilespmem:s28+$0x30] =	vst v3  }
0xca: {  	[tilespmem:s28+$0x60] =	vst v6  }
0xcb: {  	[tilespmem:s28+$0x70] =	vst v2  }
0xcc: {  	[tilespmem:s28+$0xA0] =	vst v5  }
0xcd: {  	[tilespmem:s28+$0xB0] =	vst v4  }
0xce: {  	[tilespmem:s28+$0xE0] =	vst v1;
	s30 =	sadd.s32 $0x180, s26;
	s25 =	sadd.s32 $0x1, s25  }
0xcf: {  	[tilespmem:s19], [sflag:$0x2] =	stream.indirect.gather [hbm4b:s7+s17], $0x20, s30, s17, $0xb8;
	[tilespmem:$0x17E00] =	vst v63  }
0xd0: {  	p0 =	sne.s32 s25, $0x4E  }
.Ltmp3:
0xd1: {  	s31 =	sadd.s32 $0x4F80, s26;
	(pc) =	sbr.rel @p0 .LBB2_4-.Ltmp3, $4  }
0xd2: {  	[spmem:s2] =	stream.indirect.scatter.add.f32 [tilespmem:s14], [sflag:$0x3], $0x40, s31, s17, $0xb8;
	[tilespmem:$0x17E00] =	vst v63  }
0xd3: {  	_ =	swait.ge [sflag:s15], $0x2000  }
0xd4: {  	[sflag:s15] =	ssyncset.done $0x0  }
0xd5: {  	[sflag:s15] =	ssyncadd.s32 $0xFFFFE000  }
0xd6: {  	_ =	swait.ge [sflag:s20], $0x1000  }
0xd7: {  	[sflag:s20] =	ssyncset.done $0x0  }
0xd8: {  	s26 =	simm.s32 $0x15E80;
	[sflag:s20] =	ssyncadd.s32 $0xFFFFF000  }
0xd9: {  	v1 =	vld [tilespmem:s26+$0x60];
	_ =	sdelay $0x1  }
0xda: {  	v2 =	vld [tilespmem:s26+$0xFFFFFFA0];
	_ =	sdelay $0x1  }
0xdb: {  	v3 =	vld [tilespmem:s26+$0xFFFFFFC0]  }
0xdc: {  	s25 =	simm.s32 $0x13F00;
	v4 =	vunpack.i.l.bf16.f32 v1  }
0xdd: {  	v5 =	vld [tilespmem:s26+$0xFFFFFFE0];
	v1 =	vunpack.i.u.bf16.f32 v1;
	[tilespmem:s25+$0xC0] =	vst v4  }
0xde: {  	v6 =	vld [tilespmem:s26+$0xFFFFFF80];
	v4 =	vunpack.i.l.bf16.f32 v2;
	[tilespmem:s25+$0xD0] =	vst v1  }
0xdf: {  	v1 =	vunpack.i.u.bf16.f32 v2;
	[tilespmem:s25+$0xFFFFFF40] =	vst v4  }
0xe0: {  	v2 =	vld [tilespmem:s26+$0x70];
	v4 =	vunpack.i.l.bf16.f32 v3;
	[tilespmem:s25+$0xFFFFFF50] =	vst v1  }
0xe1: {  	v1 =	vunpack.i.u.bf16.f32 v3;
	[tilespmem:s25+$0xFFFFFF80] =	vst v4  }
0xe2: {  	v3 =	vld [tilespmem:s26+$0x0];
	v4 =	vunpack.i.l.bf16.f32 v5;
	[tilespmem:s25+$0xFFFFFF90] =	vst v1  }
0xe3: {  	v1 =	vunpack.i.l.bf16.f32 v6;
	[tilespmem:s25+$0xFFFFFFC0] =	vst v4  }
0xe4: {  	v6 =	vunpack.i.u.bf16.f32 v6;
	v4 =	vld [tilespmem:s26+$0x20];
	[tilespmem:s25+$0xFFFFFF00] =	vst v1  }
0xe5: {  	[tilespmem:s25+$0xFFFFFF10] =	vst v6;
	v1 =	vunpack.i.u.bf16.f32 v2  }
0xe6: {  	v5 =	vunpack.i.u.bf16.f32 v5;
	[tilespmem:s25+$0xF0] =	vst v1;
	v1 =	vld [tilespmem:s26+$0x40]  }
0xe7: {  	[tilespmem:s25+$0xFFFFFFD0] =	vst v5;
	v6 =	vunpack.i.l.bf16.f32 v3  }
0xe8: {  	v5 =	vld [tilespmem:s26+$0xFFFFFF90];
	v3 =	vunpack.i.u.bf16.f32 v3;
	[tilespmem:s25+$0x0] =	vst v6  }
0xe9: {  	[tilespmem:s25+$0x10] =	vst v3;
	v6 =	vunpack.i.l.bf16.f32 v4  }
0xea: {  	v3 =	vld [tilespmem:s26+$0xFFFFFFB0];
	v4 =	vunpack.i.u.bf16.f32 v4;
	[tilespmem:s25+$0x40] =	vst v6  }
0xeb: {  	[tilespmem:s25+$0x50] =	vst v4;
	v6 =	vunpack.i.l.bf16.f32 v1  }
0xec: {  	v4 =	vld [tilespmem:s26+$0xFFFFFFD0];
	v1 =	vunpack.i.u.bf16.f32 v1;
	[tilespmem:s25+$0x80] =	vst v6  }
0xed: {  	v6 =	vunpack.i.l.bf16.f32 v5;
	[tilespmem:s25+$0x90] =	vst v1  }
0xee: {  	v7 =	vld [tilespmem:s26+$0xFFFFFFF0];
	v1 =	vunpack.i.u.bf16.f32 v5;
	[tilespmem:s25+$0xFFFFFF20] =	vst v6  }
0xef: {  	v8 =	vld [tilespmem:s26+$0x30];
	v5 =	vunpack.i.l.bf16.f32 v3;
	[tilespmem:s25+$0xFFFFFF30] =	vst v1  }
0xf0: {  	v6 =	vld [tilespmem:s26+$0x10];
	v1 =	vunpack.i.u.bf16.f32 v3;
	[tilespmem:s25+$0xFFFFFF60] =	vst v5  }
0xf1: {  	v3 =	vunpack.i.l.bf16.f32 v4;
	v5 =	vld [tilespmem:s26+$0x50];
	[tilespmem:s25+$0xFFFFFF70] =	vst v1  }
0xf2: {  	v1 =	vunpack.i.u.bf16.f32 v4;
	[tilespmem:s25+$0xFFFFFFA0] =	vst v3  }
0xf3: {  	v3 =	vunpack.i.l.bf16.f32 v7;
	[tilespmem:s25+$0xFFFFFFB0] =	vst v1  }
0xf4: {  	v4 =	vunpack.i.u.bf16.f32 v7;
	v1 =	vunpack.i.l.bf16.f32 v2;
	[tilespmem:s25+$0xFFFFFFE0] =	vst v3  }
0xf5: {  	v2 =	vunpack.i.u.bf16.f32 v8;
	[tilespmem:s25+$0xFFFFFFF0] =	vst v4;
	v3 =	vunpack.i.u.bf16.f32 v6;
	v7 =	vunpack.i.l.bf16.f32 v6  }
0xf6: {  	s28 =	simm.s32 $0x15F80;
	s26 =	simm.s32 $0x0;
	v6 =	vunpack.i.l.bf16.f32 v8;
	v4 =	vunpack.i.u.bf16.f32 v5;
	v5 =	vunpack.i.l.bf16.f32 v5;
	[tilespmem:s25+$0x20] =	vst v7  }
.LBB2_10:
0xf7: {  	v7 =	vld [tilespmem:s28+$0x60];
	[tilespmem:s25+$0x30] =	vst v3  }
0xf8: {  	s26 =	sadd.s32 $0x8, s26;
	v3 =	vld [tilespmem:s28+$0xFFFFFFA0];
	[tilespmem:s25+$0x60] =	vst v6  }
0xf9: {  	p0 =	slt.u32 s26, $0x78;
	v6 =	vld [tilespmem:s28+$0xFFFFFFC0];
	[tilespmem:s25+$0x70] =	vst v2  }
0xfa: {  	v2 =	vld [tilespmem:s28+$0xFFFFFFE0];
	[tilespmem:s25+$0xA0] =	vst v5  }
0xfb: {  	v5 =	vld [tilespmem:s28+$0x0];
	[tilespmem:s25+$0xB0] =	vst v4  }
0xfc: {  	v4 =	vld [tilespmem:s28+$0x20];
	v8 =	vunpack.i.l.bf16.f32 v7;
	[tilespmem:s25+$0xE0] =	vst v1;
	s25 =	sadd.s32 $0x200, s25  }
0xfd: {  	v7 =	vunpack.i.u.bf16.f32 v7;
	v1 =	vunpack.i.u.bf16.f32 v3;
	v3 =	vunpack.i.l.bf16.f32 v3;
	v9 =	vld [tilespmem:s28+$0x40];
	[tilespmem:s25+$0xC0] =	vst v8  }
0xfe: {  	v8 =	vld [tilespmem:s28+$0xFFFFFF80];
	v10 =	vunpack.i.u.bf16.f32 v6;
	v6 =	vunpack.i.l.bf16.f32 v6;
	[tilespmem:s25+$0xD0] =	vst v7  }
0xff: {  	[tilespmem:s25+$0xFFFFFF40] =	vst v3;
	v3 =	vunpack.i.u.bf16.f32 v2;
	v2 =	vunpack.i.l.bf16.f32 v2;
	v7 =	vld [tilespmem:s28+$0x70]  }
0x100: {  	[tilespmem:s25+$0xFFFFFF50] =	vst v1;
	v11 =	vunpack.i.u.bf16.f32 v5;
	v5 =	vunpack.i.l.bf16.f32 v5  }
0x101: {  	v12 =	vld [tilespmem:s28+$0xFFFFFFB0];
	[tilespmem:s25+$0xFFFFFF80] =	vst v6;
	v6 =	vunpack.i.u.bf16.f32 v4;
	v4 =	vunpack.i.l.bf16.f32 v4  }
0x102: {  	[tilespmem:s25+$0xFFFFFF90] =	vst v10;
	v10 =	vunpack.i.u.bf16.f32 v9;
	v9 =	vunpack.i.l.bf16.f32 v9  }
0x103: {  	v13 =	vunpack.i.u.bf16.f32 v8;
	v1 =	vunpack.i.l.bf16.f32 v8;
	v8 =	vld [tilespmem:s28+$0xFFFFFFD0];
	[tilespmem:s25+$0xFFFFFFC0] =	vst v2  }
0x104: {  	[tilespmem:s25+$0xFFFFFF00] =	vst v1;
	v2 =	vunpack.i.u.bf16.f32 v7;
	v1 =	vunpack.i.l.bf16.f32 v7  }
0x105: {  	[tilespmem:s25+$0xF0] =	vst v2  }
0x106: {  	[tilespmem:s25+$0xFFFFFF10] =	vst v13;
	v2 =	vunpack.i.u.bf16.f32 v12;
	v7 =	vunpack.i.l.bf16.f32 v12  }
0x107: {  	v12 =	vld [tilespmem:s28+$0xFFFFFF90];
	[tilespmem:s25+$0xFFFFFFD0] =	vst v3  }
0x108: {  	v13 =	vunpack.i.u.bf16.f32 v8;
	v8 =	vunpack.i.l.bf16.f32 v8;
	v3 =	vld [tilespmem:s28+$0xFFFFFFF0];
	[tilespmem:s25+$0x0] =	vst v5  }
0x109: {  	[tilespmem:s25+$0x10] =	vst v11  }
0x10a: {  	v5 =	vld [tilespmem:s28+$0x10];
	[tilespmem:s25+$0x40] =	vst v4  }
0x10b: {  	[tilespmem:s25+$0x50] =	vst v6  }
0x10c: {  	v4 =	vunpack.i.u.bf16.f32 v12;
	v6 =	vunpack.i.l.bf16.f32 v12;
	v11 =	vld [tilespmem:s28+$0x30];
	[tilespmem:s25+$0x80] =	vst v9  }
0x10d: {  	v9 =	vunpack.i.u.bf16.f32 v3;
	v12 =	vunpack.i.l.bf16.f32 v3;
	[tilespmem:s25+$0x90] =	vst v10  }
0x10e: {  	[tilespmem:s25+$0xFFFFFF20] =	vst v6;
	v10 =	vld [tilespmem:s28+$0x50]  }
0x10f: {  	[tilespmem:s25+$0xFFFFFF30] =	vst v4;
	v3 =	vunpack.i.u.bf16.f32 v5;
	v14 =	vunpack.i.l.bf16.f32 v5  }
0x110: {  	[tilespmem:s25+$0xFFFFFF60] =	vst v7  }
0x111: {  	[tilespmem:s25+$0xFFFFFF70] =	vst v2;
	v2 =	vunpack.i.u.bf16.f32 v11;
	v6 =	vunpack.i.l.bf16.f32 v11  }
.Ltmp4:
0x112: {  	[tilespmem:s25+$0xFFFFFFA0] =	vst v8;
	(pc) =	sbr.rel @p0 .LBB2_10-.Ltmp4, $4  }
0x113: {  	[tilespmem:s25+$0xFFFFFFB0] =	vst v13;
	v4 =	vunpack.i.u.bf16.f32 v10;
	v5 =	vunpack.i.l.bf16.f32 v10  }
0x114: {  	[tilespmem:s25+$0xFFFFFFE0] =	vst v12  }
0x115: {  	[tilespmem:s25+$0xFFFFFFF0] =	vst v9  }
0x116: {  	s28 =	sadd.s32 $0x100, s28;
	[tilespmem:s25+$0x20] =	vst v14  }
0x117: {  	[tilespmem:s25+$0x30] =	vst v3  }
0x118: {  	[tilespmem:s25+$0x60] =	vst v6  }
0x119: {  	[tilespmem:s25+$0x70] =	vst v2  }
0x11a: {  	[tilespmem:s25+$0xA0] =	vst v5  }
0x11b: {  	[tilespmem:s25+$0xB0] =	vst v4  }
0x11c: {  	[tilespmem:s25+$0xE0] =	vst v1  }
0x11d: {  	[spmem:s2] =	stream.indirect.scatter.add.f32 [tilespmem:s14], [sflag:$0x3], $0x40, s22, s17, $0xb8;
	[tilespmem:$0x17E00] =	vst v63  }
0x11e: {  	_ =	swait.ge [sflag:s15], $0x2000  }
0x11f: {  	[sflag:s15] =	ssyncset.done $0x0  }
0x120: {  	[sflag:s15] =	ssyncadd.s32 $0xFFFFE000  }
0x121: {  	_ =	swait.ge [sflag:s21], $0x1000  }
0x122: {  	[sflag:s21] =	ssyncset.done $0x0  }
0x123: {  	s26 =	simm.s32 $0x16E80;
	[sflag:s21] =	ssyncadd.s32 $0xFFFFF000  }
0x124: {  	v1 =	vld [tilespmem:s26+$0x60];
	_ =	sdelay $0x1  }
0x125: {  	v2 =	vld [tilespmem:s26+$0xFFFFFFA0];
	_ =	sdelay $0x1  }
0x126: {  	v3 =	vld [tilespmem:s26+$0xFFFFFFC0]  }
0x127: {  	s25 =	simm.s32 $0x13F00;
	v4 =	vunpack.i.l.bf16.f32 v1  }
0x128: {  	v5 =	vld [tilespmem:s26+$0xFFFFFFE0];
	v1 =	vunpack.i.u.bf16.f32 v1;
	[tilespmem:s25+$0xC0] =	vst v4  }
0x129: {  	v6 =	vld [tilespmem:s26+$0xFFFFFF80];
	v4 =	vunpack.i.l.bf16.f32 v2;
	[tilespmem:s25+$0xD0] =	vst v1  }
0x12a: {  	v1 =	vunpack.i.u.bf16.f32 v2;
	[tilespmem:s25+$0xFFFFFF40] =	vst v4  }
0x12b: {  	v2 =	vld [tilespmem:s26+$0x70];
	v4 =	vunpack.i.l.bf16.f32 v3;
	[tilespmem:s25+$0xFFFFFF50] =	vst v1  }
0x12c: {  	v1 =	vunpack.i.u.bf16.f32 v3;
	[tilespmem:s25+$0xFFFFFF80] =	vst v4  }
0x12d: {  	v3 =	vld [tilespmem:s26+$0x0];
	v4 =	vunpack.i.l.bf16.f32 v5;
	[tilespmem:s25+$0xFFFFFF90] =	vst v1  }
0x12e: {  	v1 =	vunpack.i.l.bf16.f32 v6;
	[tilespmem:s25+$0xFFFFFFC0] =	vst v4  }
0x12f: {  	v6 =	vunpack.i.u.bf16.f32 v6;
	v4 =	vld [tilespmem:s26+$0x20];
	[tilespmem:s25+$0xFFFFFF00] =	vst v1  }
0x130: {  	[tilespmem:s25+$0xFFFFFF10] =	vst v6;
	v1 =	vunpack.i.u.bf16.f32 v2  }
0x131: {  	v5 =	vunpack.i.u.bf16.f32 v5;
	[tilespmem:s25+$0xF0] =	vst v1;
	v1 =	vld [tilespmem:s26+$0x40]  }
0x132: {  	[tilespmem:s25+$0xFFFFFFD0] =	vst v5;
	v6 =	vunpack.i.l.bf16.f32 v3  }
0x133: {  	v5 =	vld [tilespmem:s26+$0xFFFFFF90];
	v3 =	vunpack.i.u.bf16.f32 v3;
	[tilespmem:s25+$0x0] =	vst v6  }
0x134: {  	[tilespmem:s25+$0x10] =	vst v3;
	v6 =	vunpack.i.l.bf16.f32 v4  }
0x135: {  	v3 =	vld [tilespmem:s26+$0xFFFFFFB0];
	v4 =	vunpack.i.u.bf16.f32 v4;
	[tilespmem:s25+$0x40] =	vst v6  }
0x136: {  	[tilespmem:s25+$0x50] =	vst v4;
	v6 =	vunpack.i.l.bf16.f32 v1  }
0x137: {  	v4 =	vld [tilespmem:s26+$0xFFFFFFD0];
	v1 =	vunpack.i.u.bf16.f32 v1;
	[tilespmem:s25+$0x80] =	vst v6  }
0x138: {  	v6 =	vunpack.i.l.bf16.f32 v5;
	[tilespmem:s25+$0x90] =	vst v1  }
0x139: {  	v7 =	vld [tilespmem:s26+$0xFFFFFFF0];
	v1 =	vunpack.i.u.bf16.f32 v5;
	[tilespmem:s25+$0xFFFFFF20] =	vst v6  }
0x13a: {  	v8 =	vld [tilespmem:s26+$0x30];
	v5 =	vunpack.i.l.bf16.f32 v3;
	[tilespmem:s25+$0xFFFFFF30] =	vst v1  }
0x13b: {  	v6 =	vld [tilespmem:s26+$0x10];
	v1 =	vunpack.i.u.bf16.f32 v3;
	[tilespmem:s25+$0xFFFFFF60] =	vst v5  }
0x13c: {  	v3 =	vunpack.i.l.bf16.f32 v4;
	v5 =	vld [tilespmem:s26+$0x50];
	[tilespmem:s25+$0xFFFFFF70] =	vst v1  }
0x13d: {  	v1 =	vunpack.i.u.bf16.f32 v4;
	[tilespmem:s25+$0xFFFFFFA0] =	vst v3  }
0x13e: {  	v3 =	vunpack.i.l.bf16.f32 v7;
	[tilespmem:s25+$0xFFFFFFB0] =	vst v1  }
0x13f: {  	v4 =	vunpack.i.u.bf16.f32 v7;
	v1 =	vunpack.i.l.bf16.f32 v2;
	[tilespmem:s25+$0xFFFFFFE0] =	vst v3  }
0x140: {  	v2 =	vunpack.i.u.bf16.f32 v8;
	[tilespmem:s25+$0xFFFFFFF0] =	vst v4;
	v3 =	vunpack.i.u.bf16.f32 v6;
	v7 =	vunpack.i.l.bf16.f32 v6  }
0x141: {  	s28 =	simm.s32 $0x16F80;
	s26 =	simm.s32 $0x0;
	v6 =	vunpack.i.l.bf16.f32 v8;
	v4 =	vunpack.i.u.bf16.f32 v5;
	v5 =	vunpack.i.l.bf16.f32 v5;
	[tilespmem:s25+$0x20] =	vst v7  }
.LBB2_12:
0x142: {  	v7 =	vld [tilespmem:s28+$0x60];
	[tilespmem:s25+$0x30] =	vst v3  }
0x143: {  	s26 =	sadd.s32 $0x8, s26;
	v3 =	vld [tilespmem:s28+$0xFFFFFFA0];
	[tilespmem:s25+$0x60] =	vst v6  }
0x144: {  	p0 =	slt.u32 s26, $0x78;
	v6 =	vld [tilespmem:s28+$0xFFFFFFC0];
	[tilespmem:s25+$0x70] =	vst v2  }
0x145: {  	v2 =	vld [tilespmem:s28+$0xFFFFFFE0];
	[tilespmem:s25+$0xA0] =	vst v5  }
0x146: {  	v5 =	vld [tilespmem:s28+$0x0];
	[tilespmem:s25+$0xB0] =	vst v4  }
0x147: {  	v4 =	vld [tilespmem:s28+$0x20];
	v8 =	vunpack.i.l.bf16.f32 v7;
	[tilespmem:s25+$0xE0] =	vst v1;
	s25 =	sadd.s32 $0x200, s25  }
0x148: {  	v7 =	vunpack.i.u.bf16.f32 v7;
	v1 =	vunpack.i.u.bf16.f32 v3;
	v3 =	vunpack.i.l.bf16.f32 v3;
	v9 =	vld [tilespmem:s28+$0x40];
	[tilespmem:s25+$0xC0] =	vst v8  }
0x149: {  	v8 =	vld [tilespmem:s28+$0xFFFFFF80];
	v10 =	vunpack.i.u.bf16.f32 v6;
	v6 =	vunpack.i.l.bf16.f32 v6;
	[tilespmem:s25+$0xD0] =	vst v7  }
0x14a: {  	[tilespmem:s25+$0xFFFFFF40] =	vst v3;
	v3 =	vunpack.i.u.bf16.f32 v2;
	v2 =	vunpack.i.l.bf16.f32 v2;
	v7 =	vld [tilespmem:s28+$0x70]  }
0x14b: {  	[tilespmem:s25+$0xFFFFFF50] =	vst v1;
	v11 =	vunpack.i.u.bf16.f32 v5;
	v5 =	vunpack.i.l.bf16.f32 v5  }
0x14c: {  	v12 =	vld [tilespmem:s28+$0xFFFFFFB0];
	[tilespmem:s25+$0xFFFFFF80] =	vst v6;
	v6 =	vunpack.i.u.bf16.f32 v4;
	v4 =	vunpack.i.l.bf16.f32 v4  }
0x14d: {  	[tilespmem:s25+$0xFFFFFF90] =	vst v10;
	v10 =	vunpack.i.u.bf16.f32 v9;
	v9 =	vunpack.i.l.bf16.f32 v9  }
0x14e: {  	v13 =	vunpack.i.u.bf16.f32 v8;
	v1 =	vunpack.i.l.bf16.f32 v8;
	v8 =	vld [tilespmem:s28+$0xFFFFFFD0];
	[tilespmem:s25+$0xFFFFFFC0] =	vst v2  }
0x14f: {  	[tilespmem:s25+$0xFFFFFF00] =	vst v1;
	v2 =	vunpack.i.u.bf16.f32 v7;
	v1 =	vunpack.i.l.bf16.f32 v7  }
0x150: {  	[tilespmem:s25+$0xF0] =	vst v2  }
0x151: {  	[tilespmem:s25+$0xFFFFFF10] =	vst v13;
	v2 =	vunpack.i.u.bf16.f32 v12;
	v7 =	vunpack.i.l.bf16.f32 v12  }
0x152: {  	v12 =	vld [tilespmem:s28+$0xFFFFFF90];
	[tilespmem:s25+$0xFFFFFFD0] =	vst v3  }
0x153: {  	v13 =	vunpack.i.u.bf16.f32 v8;
	v8 =	vunpack.i.l.bf16.f32 v8;
	v3 =	vld [tilespmem:s28+$0xFFFFFFF0];
	[tilespmem:s25+$0x0] =	vst v5  }
0x154: {  	[tilespmem:s25+$0x10] =	vst v11  }
0x155: {  	v5 =	vld [tilespmem:s28+$0x10];
	[tilespmem:s25+$0x40] =	vst v4  }
0x156: {  	[tilespmem:s25+$0x50] =	vst v6  }
0x157: {  	v4 =	vunpack.i.u.bf16.f32 v12;
	v6 =	vunpack.i.l.bf16.f32 v12;
	v11 =	vld [tilespmem:s28+$0x30];
	[tilespmem:s25+$0x80] =	vst v9  }
0x158: {  	v9 =	vunpack.i.u.bf16.f32 v3;
	v12 =	vunpack.i.l.bf16.f32 v3;
	[tilespmem:s25+$0x90] =	vst v10  }
0x159: {  	[tilespmem:s25+$0xFFFFFF20] =	vst v6;
	v10 =	vld [tilespmem:s28+$0x50]  }
0x15a: {  	[tilespmem:s25+$0xFFFFFF30] =	vst v4;
	v3 =	vunpack.i.u.bf16.f32 v5;
	v14 =	vunpack.i.l.bf16.f32 v5  }
0x15b: {  	[tilespmem:s25+$0xFFFFFF60] =	vst v7  }
0x15c: {  	[tilespmem:s25+$0xFFFFFF70] =	vst v2;
	v2 =	vunpack.i.u.bf16.f32 v11;
	v6 =	vunpack.i.l.bf16.f32 v11  }
.Ltmp5:
0x15d: {  	[tilespmem:s25+$0xFFFFFFA0] =	vst v8;
	(pc) =	sbr.rel @p0 .LBB2_12-.Ltmp5, $4  }
0x15e: {  	[tilespmem:s25+$0xFFFFFFB0] =	vst v13;
	v4 =	vunpack.i.u.bf16.f32 v10;
	v5 =	vunpack.i.l.bf16.f32 v10  }
0x15f: {  	[tilespmem:s25+$0xFFFFFFE0] =	vst v12  }
0x160: {  	[tilespmem:s25+$0xFFFFFFF0] =	vst v9  }
0x161: {  	s28 =	sadd.s32 $0x100, s28;
	[tilespmem:s25+$0x20] =	vst v14  }
0x162: {  	[tilespmem:s25+$0x30] =	vst v3  }
0x163: {  	[tilespmem:s25+$0x60] =	vst v6  }
0x164: {  	[tilespmem:s25+$0x70] =	vst v2  }
0x165: {  	[tilespmem:s25+$0xA0] =	vst v5  }
0x166: {  	[tilespmem:s25+$0xB0] =	vst v4  }
0x167: {  	[tilespmem:s25+$0xE0] =	vst v1  }
0x168: {  	[spmem:s2] =	stream.indirect.scatter.add.f32 [tilespmem:s14], [sflag:$0x3], $0x40, s23, s17, $0xb8;
	[tilespmem:$0x17E00] =	vst v63  }
0x169: {  	_ =	swait.ge [sflag:s15], $0x2000  }
0x16a: {  	s3 =	sadd.s32 $0x1, s3;
	[sflag:s15] =	ssyncset.done $0x0  }
0x16b: {  	s31 =	sshll.u32 s1, $0x6;
	p0 =	sne.s32 s3, s9;
	[sflag:s15] =	ssyncadd.s32 $0xFFFFE000  }
.Ltmp6:
0x16c: {  	s25 =	sor.u32 $0x1C03, s31;
	[bflag:$0x0] =	sbarrier.arrive $0xFFFF;
	(pc) =	sbr.rel @p0 .LBB2_1-.Ltmp6, $4  }
0x16d: {  	[hbm:s8], [sflag:s25] =	dma.local [spmem:s24], $0x1400  }
0x16e: {  	_ =	swait.ge [sflag:s15], $0x1400  }
0x16f: {  	[sflag:s15] =	ssyncset.done $0x0  }
0x170: {  	[sflag:s15] =	ssyncadd.s32 $0xFFFFEC00  }
0x171: {  	_ =	sfence.sel $0x180000  }
0x172: {  	[bflag:$0x0] =	sbarrier.arrive $0xFFFF  }
0x173: {  	p0 =	sne.s32 s1, $0x0;
	_ =	strace $0x9000004D  }
0x174: {  	s0 =	sadd.s32 @!p0 $0x100000, s0;
	[bflag:$0x2] =	sbarrier.arrive $0xFFFF  }
0x175: {  	[sflag:s0] =	ssyncadd.tile.s32 @!p0 $0x1;
	_ =	shalt  }
.Lfunc_end2:
_tile_overlayer_lowered:
.L_overlay_start_2:
0x176: {  	(tag) =	ssettag $0x2  }
0x177: {  	s0 =	rddreg [dreg:$0x0];
	s2 =	stileid.u32  }
0x178: {  	s1 =	rddreg [dreg:$0x1];
	p0 =	sne.s32 s2, $0x0  }
0x179: {  	s3 =	rddreg [dreg:$0x2];
	[bflag:$0x3] =	sbarrier.arrive $0xFFFF;
	s2 =	simm.s32 @!p0 $0x1C03  }
0x17a: {  	[timem:s3], [sflag:s2] =	dma.local @!p0 [hbm:s0], s1  }
0x17b: {  	s0 =	simm.s32 @!p0 $0x3  }
0x17c: {  	_ =	swait.ge @!p0 [sflag:s0], s1  }
0x17d: {  	s1 =	ssub.s32 @!p0 $0x0, s1;
	[sflag:s0] =	ssyncset.done @!p0 $0x0  }
0x17e: {  	[sflag:s0] =	ssyncadd.s32 @!p0 s1  }
0x17f: {  	[bflag:$0x3] =	sbarrier.arrive $0xFFFF  }
0x180: {  	_ =	shalt  }

// kernel: kernel.8.cloned.1.call-start
scs
__scs_entry_jumppad:
0x0: {  	(pc) =	sbr.rel $0x88, $3  }
0x1: {  	(tag) =	ssettag $0x0;
	lr =	simm.s32 $0x1  }
0x2: {  	[smem:$0x3F97] =	sst lr;
	_ =	strace $0xD0000000  }
0x3: {  	_ = 	snop  }
0x4: {  	_ = 	snop  }
0x5: {  	_ = 	snop  }
0x6: {  	_ = 	snop  }
0x7: {  	_ = 	snop  }
__scs_overlays_trampoline_lowered:
0x8: {  	[smem:$0x3FA6] =	sst s0  }
0x9: {  	[smem:$0x3FA7] =	sst s1  }
0xa: {  	[smem:$0x3FA8] =	sst s2  }
0xb: {  	[smem:$0x3FA9] =	sst s3  }
0xc: {  	[smem:$0x3FAA] =	sst s4  }
0xd: {  	[smem:$0x3FAB] =	sst s5  }
0xe: {  	[smem:$0x3FAC] =	sst s6  }
0xf: {  	[smem:$0x3FAD] =	sst s7  }
0x10: {  	[smem:$0x3FAE] =	sst s8  }
0x11: {  	[smem:$0x3FAF] =	sst s9;
	s0 =	simm.s32 @!p0 $0x0  }
0x12: {  	s1 =	sld [smem:$0x3F95];
	s0 =	simm.s32 @p0 $0x1  }
0x13: {  	[smem:$0x3FB0] =	sst s0;
	s0 =	simm.s32 @!p1 $0x0  }
0x14: {  	s2 =	sld [smem:$0x3F94];
	s0 =	simm.s32 @p1 $0x1  }
0x15: {  	[smem:$0x3FB1] =	sst s0;
	s0 =	simm.s32 @!p2 $0x0  }
0x16: {  	s3 =	sld [smem:$0x3FDB];
	s0 =	simm.s32 @p2 $0x1  }
0x17: {  	s4 =	simm.s32 $0x1BF5;
	[smem:$0x3FB3] =	sst s0  }
0x18: {  	s0 =	sld [smem:$0x3F96];
	_ =	swait.ge [sflag:s4], $0x0  }
0x19: {  	s7 =	sld [smem:$0x3F97]  }
0x1a: {  	s8 =	sadd.s32 $0xFFFFE003, lr  }
0x1b: {  	s9 =	sadd.s32 $0xFFFFFEF7, lr;
	s5 =	simm.s32 $0xFFFFFFFF;
	p2 =	slt.u32 s8, $0xFFFFF086  }
0x1c: {  	p1 =	slt.u32 s9, $0xF7A;
	s5 =	simm.s32 @!p2 $0x0  }
0x1d: {  	s5 =	simm.s32 @p1 $0x1;
	p0 =	seq.s32 s7, s2  }
0x1e: {  	s7 =	smul.u32 @!p0 $0xF7A, s2;
	p2 =	seq.s32 @!p0 s5, $0x0  }
0x1f: {  	s9 =	smul.u32 $0xF7A, s1;
	s8 =	simm.s32 @!p0 $0x1BF5;
	p2 =	por !p2, p0  }
0x20: {  	[sflag:s8] =	ssyncset.s32 @!p0 $0xFFFFF086;
	s6 =	sadd.s32 @!p0 s3, s7;
	s7 =	simm.s32 @!p0 $0x108  }
0x21: {  	s3 =	sadd.s32 s3, s9;
	s6 =	sadd.s32 @!p0 $0x88, s6;
	s7 =	simm.s32 @p2 $0x1082  }
0x22: {  	[simem:s7], [sflag:s8] =	dma.local @!p0 [hbm:s6], $0xF7A  }
0x23: {  	s9 =	sor.u32 $0xD0000000, s2;
	s6 =	simm.s32 $0x108;
	_ =	swait.ge @!p0 [sflag:s8], $0x0  }
0x24: {  	s3 =	sadd.s32 $0x88, s3;
	s6 =	simm.s32 @!p1 $0x1082;
	[sflag:s4] =	ssyncset.s32 $0xFFFFF086  }
0x25: {  	[simem:s6], [sflag:s4] =	dma.local [hbm:s3], $0xF7A  }
0x26: {  	[smem:$0x3F97] =	sst s1;
	(tag) =	ssettag s2;
	_ =	strace s9  }
0x27: {  	s1 =	sld [smem:$0x3FA7]  }
0x28: {  	s2 =	sld [smem:$0x3FA8]  }
0x29: {  	s4 =	sld [smem:$0x3FAA]  }
0x2a: {  	p0 =	seq.s32 s5, $0x0;
	s5 =	sld [smem:$0x3FAB]  }
0x2b: {  	s6 =	sld [smem:$0x3FAC]  }
0x2c: {  	s7 =	sld [smem:$0x3FAD]  }
0x2d: {  	s3 =	simm.s32 $0x108;
	s8 =	sld [smem:$0x3FAE]  }
0x2e: {  	s3 =	simm.s32 @!p0 $0x1082;
	s9 =	sld [smem:$0x3FAF]  }
0x2f: {  	lr =	sadd.s32 s0, s3;
	s0 =	sld [smem:$0x3FA6]  }
0x30: {  	s3 =	sld [smem:$0x3FA9]  }
0x31: {  	[smem:$0x3FB2] =	sst s10  }
0x32: {  	s10 =	sld [smem:$0x3FB0];
	_ =	sdelay $0x3  }
0x33: {  	p0 =	seq.s32 s10, $0x1;
	s10 =	sld [smem:$0x3FB2];
	_ =	sdelay $0x3  }
0x34: {  	[smem:$0x3FB2] =	sst s10  }
0x35: {  	s10 =	sld [smem:$0x3FB1];
	_ =	sdelay $0x3  }
0x36: {  	p1 =	seq.s32 s10, $0x1;
	s10 =	sld [smem:$0x3FB2];
	_ =	sdelay $0x3  }
0x37: {  	[smem:$0x3FB2] =	sst s10  }
0x38: {  	s10 =	sld [smem:$0x3FB3]  }
0x39: {  	_ = 	snop;
	(pc) =	sbr.ind lr, $3  }
0x3a: {  	_ = 	snop  }
0x3b: {  	_ = 	snop  }
0x3c: {  	p2 =	seq.s32 s10, $0x1;
	s10 =	sld [smem:$0x3FB2]  }
0x3d: {  	_ =	shalt  }
0x3e: {  	_ =	shalt  }
0x3f: {  	_ =	shalt  }
0x40: {  	_ =	shalt  }
0x41: {  	_ =	shalt  }
0x42: {  	_ =	shalt  }
0x43: {  	_ =	shalt  }
0x44: {  	_ =	shalt  }
0x45: {  	_ =	shalt  }
0x46: {  	_ =	shalt  }
0x47: {  	_ =	shalt  }
0x48: {  	_ =	shalt  }
0x49: {  	_ =	shalt  }
0x4a: {  	_ =	shalt  }
0x4b: {  	_ =	shalt  }
0x4c: {  	_ =	shalt  }
0x4d: {  	_ =	shalt  }
0x4e: {  	_ =	shalt  }
0x4f: {  	_ =	shalt  }
0x50: {  	_ =	shalt  }
0x51: {  	_ =	shalt  }
0x52: {  	_ =	shalt  }
0x53: {  	_ =	shalt  }
0x54: {  	_ =	shalt  }
0x55: {  	_ =	shalt  }
0x56: {  	_ =	shalt  }
0x57: {  	_ =	shalt  }
0x58: {  	_ =	shalt  }
0x59: {  	_ =	shalt  }
0x5a: {  	_ =	shalt  }
0x5b: {  	_ =	shalt  }
0x5c: {  	_ =	shalt  }
0x5d: {  	_ =	shalt  }
0x5e: {  	_ =	shalt  }
0x5f: {  	_ =	shalt  }
0x60: {  	_ =	shalt  }
0x61: {  	_ =	shalt  }
0x62: {  	_ =	shalt  }
0x63: {  	_ =	shalt  }
0x64: {  	_ =	shalt  }
0x65: {  	_ =	shalt  }
0x66: {  	_ =	shalt  }
0x67: {  	_ =	shalt  }
0x68: {  	_ =	shalt  }
0x69: {  	_ =	shalt  }
0x6a: {  	_ =	shalt  }
0x6b: {  	_ =	shalt  }
0x6c: {  	_ =	shalt  }
0x6d: {  	_ =	shalt  }
0x6e: {  	_ =	shalt  }
0x6f: {  	_ =	shalt  }
0x70: {  	_ =	shalt  }
0x71: {  	_ =	shalt  }
0x72: {  	_ =	shalt  }
0x73: {  	_ =	shalt  }
0x74: {  	_ =	shalt  }
0x75: {  	_ =	shalt  }
0x76: {  	_ =	shalt  }
0x77: {  	_ =	shalt  }
0x78: {  	_ =	shalt  }
0x79: {  	_ =	shalt  }
0x7a: {  	_ =	shalt  }
0x7b: {  	_ =	shalt  }
0x7c: {  	_ =	shalt  }
0x7d: {  	_ =	shalt  }
0x7e: {  	_ =	shalt  }
0x7f: {  	_ =	shalt  }
0x80: {  	_ =	shalt  }
0x81: {  	_ =	shalt  }
0x82: {  	_ =	shalt  }
0x83: {  	_ =	shalt  }
0x84: {  	_ =	shalt  }
0x85: {  	_ =	shalt  }
0x86: {  	_ =	shalt  }
0x87: {  	_ =	shalt  }
.Lfunc_end0:
.L_simem_size_0:
called_computation_lowered:
.L_overlay_start_0:
0x88: {  	s2 =	sld [smem:$0x3FD9]  }
0x89: {  	s3 =	sld [smem:$0x3FFE];
	_ =	sdelay $0x1  }
0x8a: {  	s1 =	srdreg.scid  }
0x8b: {  	s0 =	sand.u32 $0x1, s1  }
0x8c: {  	s17 =	sshll.u32 s0, $0xA;
	s2 =	sadd.s32 s3, s2  }
0x8d: {  	s2 =	sadd.s32 s2, s17  }
0x8e: {  	[smem:$0x3FBE] =	sst s2  }
0x8f: {  	_ = 	snop  }
0x90: {  	s2 =	sld [smem:$0x3FD0];
	(tm) =	ssettm $0x1  }
0x91: {  	s18 =	sld [smem:$0x3FFB];
	_ =	sdelay $0x3  }
0x92: {  	_ =	strace s18  }
0x93: {  	s3 =	sld [smem:$0x3FFC];
	_ =	sdelay $0x3  }
0x94: {  	_ =	strace s3  }
0x95: {  	s3 =	sld [smem:$0x3FFD];
	_ =	sdelay $0x3  }
0x96: {  	_ =	strace s3  }
0x97: {  	_ =	strace $0x8FFFFFFF  }
0x98: {  	s19 =	sld [smem:$0x3FDB];
	_ =	sdelay $0x1  }
0x99: {  	s4 =	simm.s32 $_scs_section_size  }
0x9a: {  	s5 =	simm.s32 $_size__tile_overlayer_lowered;
	s6 =	simm.s32 $_tile_overlayer_lowered  }
0x9b: {  	s22 =	simm.s32 $0x1BFF;
	s21 =	sshll.u32 s6, $0x1;
	s3 =	sadd.s32 s4, s19  }
0x9c: {  	s7 =	simm.s32 $0x0;
	s20 =	sshll.u32 s5, $0x1;
	s5 =	sadd.s32 s21, s3  }
0x9d: {  	[timem:s7], [sflag:s22] =	dma.local [hbm:s5], s20  }
0x9e: {  	_ =	swait.ge [sflag:s22], s20  }
0x9f: {  	s4 =	ssub.s32 $0x0, s20;
	[sflag:s22] =	ssyncset.done $0x0  }
0xa0: {  	[sflag:s22] =	ssyncadd.s32 s4;
	_ =	sdelay $0x1  }
0xa1: {  	s23 =	simm.s32 $0x1B8B  }
0xa2: {  	_ =	swait.ge [sflag:s23], $0x1  }
0xa3: {  	[sflag:s23] =	ssyncset.done $0x0  }
0xa4: {  	s25 =	simm.s32 $0x1B8E;
	s24 =	sld [smem:$0x3FFE];
	[sflag:s23] =	ssyncadd.s32 $0xFFFFFFFF  }
0xa5: {  	s26 =	simm.s32 $execute0_lowered;
	[smem:$0x3FD2] =	sst s25  }
0xa6: {  	s5 =	sshll.u32 s26, $0x1;
	_ =	strace $0x80000046;
	[dreg:$0x1] =	wrdreg $0xFFFFFFFF  }
0xa7: {  	s28 =	simm.s32 $_size_execute0_lowered;
	s3 =	sadd.s32 s3, s5;
	[dreg:$0x0] =	wrdreg $0x0  }
0xa8: {  	s5 =	sshll.u32 s28, $0x1;
	[dreg:$0x2] =	wrdreg s3  }
0xa9: {  	[dreg:$0x3] =	wrdreg s5  }
0xaa: {  	[dreg:$0x4] =	wrdreg $0xC0  }
0xab: {  	_ =	task [dreg:s7], $0x5FFFF  }
0xac: {  	[dreg:$0x1] =	wrdreg $0xFFFFFFFF  }
0xad: {  	[dreg:$0x0] =	wrdreg $0x60  }
0xae: {  	[dreg:$0x2] =	wrdreg s24  }
0xaf: {  	[dreg:$0x3] =	wrdreg s2  }
0xb0: {  	[dreg:$0x4] =	wrdreg $0x53000  }
0xb1: {  	[dreg:$0x5] =	wrdreg $0x9  }
0xb2: {  	_ =	task.clear_ibuf [dreg:s7], $0x6FFFF;
	_ =	strace $0x90000046  }
0xb3: {  	s29 =	simm.s32 $0x9;
	_ =	strace $0x80000048  }
0xb4: {  	_ =	swait.ge [sflag:s29], $0x1  }
0xb5: {  	[sflag:s29] =	ssyncadd.s32 $0xFFFFFFFF  }
0xb6: {  	_ =	strace $0x90000048  }
0xb7: {  	_ =	sfence  }
0xb8: {  	s30 =	sld [smem:$0x0];
	_ =	sdelay $0x2  }
0xb9: {  	s31 =	sshll.u32 s1, $0xD;
	s1 =	sshrl.u32 s1, $0x2  }
0xba: {  	s3 =	sand.u32 $0x4000, s31;
	s1 =	sadd.s32 s1, s30  }
0xbb: {  	s0 =	sor.u32 s3, s0;
	s1 =	sshll.u32 s1, $0x11  }
0xbc: {  	s0 =	sor.u32 s1, s0  }
0xbd: {  	s0 =	sadd.s32 $0x8F2B, s0  }
0xbe: {  	[sflag:s0] =	ssyncadd.remote.s32 $0x1  }
0xbf: {  	_ =	sfence.sel $0xFFFF  }
0xc0: {  	[dreg:$0x0] =	wrdreg $0xFFFFFFFF;
	(pc) =	sbr.abs _section_cstart, $3  }
0xc1: {  	[dreg:$0x1] =	wrdreg $0xFFFFFFFF  }
0xc2: {  	_ =	task.clear_ibuf [dreg:s7], $0x2FFFF;
	_ =	strace $0x9FFFFFFF  }
0xc3: {  	(tm) =	ssettm $0x7FFFFFFF  }
tec
execute0_lowered:
.L_overlay_start_1:
0x0: {  	(tag) =	ssettag $0x1  }
0x1: {  	s4 =	rddreg [dreg:$0x0]  }
0x2: {  	s6 =	rddreg [dreg:$0x1]  }
0x3: {  	s2 =	rddreg [dreg:$0x2]  }
0x4: {  	s0 =	rddreg [dreg:$0x3];
	s1 =	stileid.u32  }
0x5: {  	s3 =	simm.s32 $0x0;
	s5 =	srdreg.scid;
	s7 =	smul.u32 $0xA00, s1  }
0x6: {  	[smem:$0x7FF] =	sst s3;
	s8 =	sand.u32 $0x1, s5;
	s9 =	smul.u32 $0x280, s1  }
0x7: {  	s12 =	sshll.u32 s1, $0x6;
	_ =	strace $0x80000047;
	s5 =	ssub.s32 $0x2, s8  }
0x8: {  	p0 =	sne.s32 s8, $0x0;
	s8 =	simm.s32 $0x5080;
	s12 =	sor.u32 $0x1C01, s12  }
.Ltmp0:
0x9: {  	s10 =	sadd.s32 s7, s4;
	s30 =	sshrl.u32 s5, $0x1;
	(pc) =	sbr.rel .LBB2_1-.Ltmp0, $4  }
0xa: {  	s7 =	sshrl.u32 s7, $0x2;
	s31 =	sshrl.u32 s9, $0x3;
	s13 =	sadd.s32 s9, s2  }
0xb: {  	s9 =	simm.s32 $0x1;
	s11 =	ssub.s32 s5, s30;
	s4 =	sadd.s32 s7, s2  }
0xc: {  	s5 =	sadd.s32 $0xBE00, s10;
	s6 =	sadd.s32 s6, s31;
	s10 =	simm.s32 $0x80  }
0xd: {  	v0 =	vimm.f32 $0.0e+00;
	v1 =	vimm.f32 $1.000000000e+00;
	s13 =	sshrl.u32 s13, $0x3;
	s7 =	smax.u32 s11, $0x1;
	s11 =	simm.s32 $0x5000  }
.LBB2_7:
0xe: {  	[bflag:$0x0] =	sbarrier.arrive $0xFFFF  }
0xf: {  	[bflag:$0x0] =	sbarrier.arrive $0xFFFF  }
.LBB2_5:
0x10: {  	s3 =	sadd.s32 $0x1, s3  }
0x11: {  	p1 =	sne.s32 s3, s7  }
.Ltmp1:
0x12: {  	_ = 	snop;
	(pc) =	sbr.rel @!p1 .LBB2_6-.Ltmp1, $1  }
0x13: {  	_ =	sdelay $0x3  }
.LBB2_1:
.Ltmp2:
0x14: {  	(pc) =	sbr.rel @p0 .LBB2_7-.Ltmp2, $1  }
0x15: {  	_ =	sdelay $0x3  }
0x16: {  	[tilespmem:$0x5080] =	vst v0  }
0x17: {  	[tilespmem:$0x5090] =	vst v0  }
0x18: {  	[tilespmem:$0x50A0] =	vst v0  }
0x19: {  	[tilespmem:$0x50B0] =	vst v0  }
0x1a: {  	[tilespmem:$0x50C0] =	vst v0  }
0x1b: {  	[tilespmem:$0x50D0] =	vst v0  }
0x1c: {  	[tilespmem:$0x50E0] =	vst v0  }
0x1d: {  	[tilespmem:$0x50F0] =	vst v0  }
0x1e: {  	[tilespmem:$0x5100] =	vst v0  }
0x1f: {  	[tilespmem:$0x5110] =	vst v0  }
0x20: {  	[tilespmem:$0x5120] =	vst v0  }
0x21: {  	[tilespmem:$0x5130] =	vst v0  }
0x22: {  	[tilespmem:$0x5140] =	vst v0  }
0x23: {  	[tilespmem:$0x5150] =	vst v0  }
0x24: {  	[tilespmem:$0x5160] =	vst v0  }
0x25: {  	[tilespmem:$0x5170] =	vst v0  }
0x26: {  	[tilespmem:$0x5180] =	vst v0  }
0x27: {  	[tilespmem:$0x5190] =	vst v0  }
0x28: {  	[tilespmem:$0x51A0] =	vst v0  }
0x29: {  	[tilespmem:$0x51B0] =	vst v0  }
0x2a: {  	[tilespmem:$0x51C0] =	vst v0  }
0x2b: {  	[tilespmem:$0x51D0] =	vst v0  }
0x2c: {  	[tilespmem:$0x51E0] =	vst v0  }
0x2d: {  	[tilespmem:$0x51F0] =	vst v0  }
0x2e: {  	[tilespmem:$0x5200] =	vst v0  }
0x2f: {  	[tilespmem:$0x5210] =	vst v0  }
0x30: {  	[tilespmem:$0x5220] =	vst v0  }
0x31: {  	[tilespmem:$0x5230] =	vst v0  }
0x32: {  	[tilespmem:$0x5240] =	vst v0  }
0x33: {  	[tilespmem:$0x5250] =	vst v0  }
0x34: {  	[tilespmem:$0x5260] =	vst v0  }
0x35: {  	[tilespmem:$0x5270] =	vst v0  }
0x36: {  	[tilespmem:$0x5280] =	vst v0  }
0x37: {  	[tilespmem:$0x5290] =	vst v0  }
0x38: {  	[tilespmem:$0x52A0] =	vst v0  }
0x39: {  	[tilespmem:$0x52B0] =	vst v0  }
0x3a: {  	[tilespmem:$0x52C0] =	vst v0  }
0x3b: {  	[tilespmem:$0x52D0] =	vst v0  }
0x3c: {  	[tilespmem:$0x52E0] =	vst v0  }
0x3d: {  	[tilespmem:$0x52F0] =	vst v0  }
0x3e: {  	[tilespmem:$0x5000] =	vst v1  }
0x3f: {  	[tilespmem:$0x5010] =	vst v1  }
0x40: {  	[tilespmem:$0x5020] =	vst v1  }
0x41: {  	[tilespmem:$0x5030] =	vst v1  }
0x42: {  	[tilespmem:$0x5040] =	vst v1  }
0x43: {  	[tilespmem:$0x5050] =	vst v1  }
0x44: {  	[tilespmem:$0x5060] =	vst v1  }
0x45: {  	[tilespmem:$0x5070] =	vst v1  }
0x46: {  	[spmem:s4] =	stream.linear.scatter [tilespmem:s8], [sflag:$0x1], $0x280, $0x38;
	[tilespmem:$0x5580] =	vst v63  }
0x47: {  	_ =	swait.ge [sflag:s9], $0x280  }
0x48: {  	[sflag:s9] =	ssyncset.done $0x0  }
0x49: {  	s14 =	simm.s32 $0x0;
	[sflag:s9] =	ssyncadd.s32 $0xFFFFFD80  }
0x4a: {  	[tilespmem:s14], [sflag:$0x1] =	stream.linear.gather [hbm4b:s5+s14], $0x4F00, $0x38;
	[tilespmem:$0x5580] =	vst v63  }
0x4b: {  	_ =	swait.ge [sflag:s9], $0x4F00  }
0x4c: {  	[sflag:s9] =	ssyncset.done $0x0  }
0x4d: {  	[sflag:s9] =	ssyncadd.s32 $0xFFFFB100  }
0x4e: {  	s31 =	simm.s32 $0x0;
	[bflag:$0x0] =	sbarrier.arrive $0xFFFF  }
0x4f: {  	[spmem:s2] =	stream.indirect.scatter.add.f32 [tilespmem:s11], [sflag:$0x1], $0x1, s31, s10, $0xb8;
	[tilespmem:$0x5580] =	vst v63  }
0x50: {  	_ =	swait.ge [sflag:s9], $0x80  }
0x51: {  	s14 =	simm.s32 $0x200;
	[sflag:s9] =	ssyncset.done $0x0  }
.LBB2_3:
0x52: {  	s15 =	sshra.s32 s14, $0x2;
	[sflag:s9] =	ssyncadd.s32 $0xFFFFFF80;
	p1 =	seq.s32 s14, $0x13A00  }
0x53: {  	[spmem:s2] =	stream.indirect.scatter.add.f32 [tilespmem:s11], [sflag:$0x1], $0x1, s15, s10, $0xb8;
	[tilespmem:$0x5580] =	vst v63  }
.Ltmp3:
0x54: {  	_ = 	snop;
	(pc) =	sbr.rel @!p1 .LBB2_3-.Ltmp3, $4  }
0x55: {  	_ = 	snop  }
0x56: {  	s14 =	sadd.s32 $0x200, s14  }
0x57: {  	_ =	swait.ge [sflag:s9], $0x80  }
0x58: {  	[sflag:s9] =	ssyncset.done $0x0  }
0x59: {  	[sflag:s9] =	ssyncadd.s32 $0xFFFFFF80  }
.Ltmp4:
0x5a: {  	[bflag:$0x0] =	sbarrier.arrive $0xFFFF;
	(pc) =	sbr.rel .LBB2_5-.Ltmp4, $4  }
0x5b: {  	[hbm:s6], [sflag:s12] =	dma.local [spmem:s13], $0x50  }
0x5c: {  	_ =	swait.ge [sflag:s9], $0x50  }
0x5d: {  	[sflag:s9] =	ssyncset.done $0x0  }
0x5e: {  	[sflag:s9] =	ssyncadd.s32 $0xFFFFFFB0  }
.LBB2_6:
0x5f: {  	_ =	sfence.sel $0x180000  }
0x60: {  	[bflag:$0x0] =	sbarrier.arrive $0xFFFF  }
0x61: {  	p0 =	sne.s32 s1, $0x0;
	_ =	strace $0x90000047  }
0x62: {  	s0 =	sadd.s32 @!p0 $0x100000, s0;
	[bflag:$0x2] =	sbarrier.arrive $0xFFFF  }
0x63: {  	[sflag:s0] =	ssyncadd.tile.s32 @!p0 $0x1;
	_ =	shalt  }
.Lfunc_end2:
_tile_overlayer_lowered:
.L_overlay_start_2:
0x64: {  	(tag) =	ssettag $0x2  }
0x65: {  	s0 =	rddreg [dreg:$0x0];
	s2 =	stileid.u32  }
0x66: {  	s1 =	rddreg [dreg:$0x1];
	p0 =	sne.s32 s2, $0x0  }
0x67: {  	s3 =	rddreg [dreg:$0x2];
	[bflag:$0x3] =	sbarrier.arrive $0xFFFF;
	s2 =	simm.s32 @!p0 $0x1C01  }
0x68: {  	[timem:s3], [sflag:s2] =	dma.local @!p0 [hbm:s0], s1  }
0x69: {  	s0 =	simm.s32 @!p0 $0x1  }
0x6a: {  	_ =	swait.ge @!p0 [sflag:s0], s1  }
0x6b: {  	s1 =	ssub.s32 @!p0 $0x0, s1;
	[sflag:s0] =	ssyncset.done @!p0 $0x0  }
0x6c: {  	[sflag:s0] =	ssyncadd.s32 @!p0 s1  }
0x6d: {  	[bflag:$0x3] =	sbarrier.arrive $0xFFFF  }
0x6e: {  	_ =	shalt  }

</sc_bundles>
